<compile_context>
chip_gen: v7x
topology: tpu7x:2x2x1
jax: 0.10.2.dev20260603
libtpu: 0.0.44.dev20260713+nightly
codegen_flags: <defaults>
</compile_context>

<pallas_src>
import jax
import jax.numpy as jnp
from jax import lax
from jax.experimental import pallas as pl
from jax.experimental.pallas import tpu as pltpu
from jax.experimental.pallas import tpu_sc as plsc

N_ENVS = 1024
BUF = 1024
D_OBS = 64
D_ACT = 16
BATCH = 256
D_OUT = D_OBS + D_ACT + 1 + D_OBS
L = 16
N_WORKERS = 32
ENV_PER_W = N_ENVS // N_WORKERS
HALF = BATCH // 2
ENV_OUT = BATCH * D_OUT
HALF_OUT = HALF * D_OUT


def _body(obs_p, act_f, rew2, nobs_p, obs_in, act_in, rew_in1, nobs_in,
          idx_hbm, out_hbm,
          idxv, pairv, og0, ng0, og1, ng1, actv, outa, outb, rewrow, rinv,
          oin, ain, nin,
          sem_idx, sem_in, sem_act, sem_g0, sem_g1, sem_out):
    wid = lax.axis_index("s") * 2 + lax.axis_index("c")
    iota16 = lax.iota(jnp.int32, L)
    pltpu.sync_copy(rew_in1, rinv)
    halves = ((og0, ng0, outa, sem_g0), (og1, ng1, outb, sem_g1))

    def per_env(i, _):
        e = wid * ENV_PER_W + i
        ci = pltpu.async_copy(idx_hbm.at[e], idxv, sem_idx)
        c1 = pltpu.async_copy(obs_in.at[e], oin, sem_in)
        c2 = pltpu.async_copy(act_in.at[e], ain, sem_in)
        c3 = pltpu.async_copy(nobs_in.at[e], nin, sem_in)
        c4 = pltpu.async_copy(rew2.at[e], rewrow, sem_in)
        ca = pltpu.async_copy(act_f.at[e], actv, sem_act)

        ci.wait()
        ebase = (e * (BUF // 2)).astype(jnp.int32)
        nz = jnp.zeros((L,), jnp.int32)
        for c in range(BATCH // L):
            v = idxv[pl.ds(c * L, L)]
            h, r = divmod(c, HALF // L)
            pairv[h, pl.ds(r * L, L)] = ebase + lax.shift_right_logical(v, 1)
            nz = nz + jnp.where(v == 0, 1, 0).astype(jnp.int32)
        any0 = jnp.sum(nz) > 0

        gathers = []
        for h, (og, ng, _, sem_g) in enumerate(halves):
            gathers.append(pltpu.async_copy(obs_p.at[pairv.at[h]], og, sem_g))
            gathers.append(pltpu.async_copy(nobs_p.at[pairv.at[h]], ng, sem_g))
        c1.wait(); c2.wait(); c3.wait(); c4.wait(); ca.wait()
        rbc = plsc.load_gather(rinv, [jnp.full((L,), 1, jnp.int32) * e])

        for h, (og, ng, outh, sem_g) in enumerate(halves):
            @pl.when(i > 0)
            def _():
                pltpu.make_async_copy(
                    outh, out_hbm.at[pl.ds(0, HALF_OUT)], sem_out).wait()

            for c in range(HALF // L):
                ic = idxv[pl.ds(h * HALF + c * L, L)]
                g = plsc.load_gather(rewrow, [ic])
                g = jnp.where(ic == 0, rbc, g)
                plsc.store_scatter(
                    outh, [(iota16 + (c * L)) * D_OUT + (D_OBS + D_ACT)], g)

            gathers[2 * h].wait()
            gathers[2 * h + 1].wait()

            def make_asm(fix):
                def asm(b, _):
                    bidx = jnp.full((L,), b, jnp.int32)
                    iv = plsc.load_gather(idxv, [bidx + (h * HALF)])
                    off = (iv & 1) * D_OBS
                    rbase = b * D_OUT
                    m = iv == 0

                    def seg(src_g, src_in, col0):
                        for c in range(D_OBS // L):
                            colv = iota16 + (c * L)
                            v = plsc.load_gather(src_g, [bidx, colv + off])
                            if fix:
                                v = jnp.where(m, src_in[pl.ds(c * L, L)], v)
                            plsc.store_scatter(outh, [colv + (rbase + col0)], v)

                    seg(og, oin, 0)
                    seg(ng, nin, D_OBS + D_ACT + 1)
                    av = plsc.load_gather(actv, [iv * D_ACT + iota16])
                    if fix:
                        av = jnp.where(m, ain[...], av)
                    plsc.store_scatter(outh, [iota16 + (rbase + D_OBS)], av)
                    return 0
                return asm

            @pl.when(any0)
            def _():
                lax.fori_loop(0, HALF, make_asm(True), 0)

            @pl.when(jnp.logical_not(any0))
            def _():
                lax.fori_loop(0, HALF, make_asm(False), 0)

            pltpu.async_copy(
                outh, out_hbm.at[pl.ds(e * ENV_OUT + h * HALF_OUT, HALF_OUT)],
                sem_out)
        return 0

    lax.fori_loop(0, ENV_PER_W, per_env, 0)
    for outh in (outa, outb):
        pltpu.make_async_copy(outh, out_hbm.at[pl.ds(0, HALF_OUT)], sem_out).wait()


def kernel(observations, actions, rewards, next_observations,
           observations_in, actions_in, rewards_in, next_observations_in,
           indices, batch_size):
    del batch_size
    obs_p = observations.reshape(N_ENVS * BUF // 2, 2 * D_OBS)
    nobs_p = next_observations.reshape(N_ENVS * BUF // 2, 2 * D_OBS)
    act_f = actions.reshape(N_ENVS, BUF * D_ACT)

    mesh = plsc.VectorSubcoreMesh(core_axis_name="c", subcore_axis_name="s")
    run = pl.kernel(
        _body,
        out_type=jax.ShapeDtypeStruct((N_ENVS * BATCH * D_OUT,), jnp.float32),
        mesh=mesh,
        compiler_params=pltpu.CompilerParams(needs_layout_passes=False),
        scratch_types=[
            pltpu.VMEM((BATCH,), jnp.int32),
            pltpu.VMEM((2, HALF), jnp.int32),
            pltpu.VMEM((HALF, 2 * D_OBS), jnp.float32),
            pltpu.VMEM((HALF, 2 * D_OBS), jnp.float32),
            pltpu.VMEM((HALF, 2 * D_OBS), jnp.float32),
            pltpu.VMEM((HALF, 2 * D_OBS), jnp.float32),
            pltpu.VMEM((BUF * D_ACT,), jnp.float32),
            pltpu.VMEM((HALF_OUT,), jnp.float32),
            pltpu.VMEM((HALF_OUT,), jnp.float32),
            pltpu.VMEM((BUF,), jnp.float32),
            pltpu.VMEM((N_ENVS,), jnp.float32),
            pltpu.VMEM((D_OBS,), jnp.float32),
            pltpu.VMEM((D_ACT,), jnp.float32),
            pltpu.VMEM((D_OBS,), jnp.float32),
            pltpu.SemaphoreType.DMA,
            pltpu.SemaphoreType.DMA,
            pltpu.SemaphoreType.DMA,
            pltpu.SemaphoreType.DMA,
            pltpu.SemaphoreType.DMA,
            pltpu.SemaphoreType.DMA,
        ],
    )
    out_flat = run(obs_p, act_f, rewards, nobs_p,
                   observations_in, actions_in, rewards_in, next_observations_in,
                   indices)
    return out_flat.reshape(N_ENVS * BATCH, D_OUT)

# --- scband reference (transcript-rebuilt; emitter-appended) ---
"""Pipeline reference for scband-simple-replay-buffer-original-47021301957199 (READ-ONLY COPY).

The authoritative reference and input builder live on the scoring server;
editing this copy changes nothing except your own understanding.
"""

import jax, jax.numpy as jnp
import numpy as np

N_ENV = 1024
BUFFER_SIZE = 1024
N_OBS = 64
N_ACT = 16
BATCH_SIZE = 256


def setup_inputs(seed: int = 0) -> dict:
    key = jax.random.key(seed)
    ks = jax.random.split(key, 9)
    return {
        "observations": jax.random.normal(ks[0], (N_ENV, BUFFER_SIZE, N_OBS), dtype=jnp.float32),
        "actions": jax.random.normal(ks[1], (N_ENV, BUFFER_SIZE, N_ACT), dtype=jnp.float32),
        "rewards": jax.random.normal(ks[2], (N_ENV, BUFFER_SIZE), dtype=jnp.float32),
        "next_observations": jax.random.normal(ks[3], (N_ENV, BUFFER_SIZE, N_OBS), dtype=jnp.float32),
        "observations_in": jax.random.normal(ks[4], (N_ENV, N_OBS), dtype=jnp.float32),
        "actions_in": jax.random.normal(ks[5], (N_ENV, N_ACT), dtype=jnp.float32),
        "rewards_in": jax.random.normal(ks[6], (N_ENV,), dtype=jnp.float32),
        "next_observations_in": jax.random.normal(ks[7], (N_ENV, N_OBS), dtype=jnp.float32),
        "indices": jax.random.randint(ks[8], (N_ENV, BATCH_SIZE), 0, BUFFER_SIZE, dtype=jnp.int32),
        "batch_size": BATCH_SIZE,
    }


def reference(observations, actions, rewards, next_observations,
              observations_in, actions_in, rewards_in, next_observations_in,
              indices, batch_size):
    # --- extend(): scatter-overwrite one transition at ptr (circular write) ---
    ptr = 0
    observations = observations.at[:, ptr, :].set(observations_in)
    actions = actions.at[:, ptr, :].set(actions_in)
    rewards = rewards.at[:, ptr].set(rewards_in)
    next_observations = next_observations.at[:, ptr, :].set(next_observations_in)

    # --- sample(batch_size): per-env gather along the buffer axis ---
    batch_size_static = indices.shape[1]
    indices = indices + jnp.asarray(0 * batch_size, dtype=indices.dtype)
    n_env = observations.shape[0]
    n_obs = observations.shape[2]
    n_act = actions.shape[2]
    obs_idx = jnp.broadcast_to(indices[:, :, None], (n_env, batch_size_static, n_obs))
    act_idx = jnp.broadcast_to(indices[:, :, None], (n_env, batch_size_static, n_act))
    obs_s = jnp.take_along_axis(observations, obs_idx, axis=1).reshape(n_env * batch_size_static, n_obs)
    nobs_s = jnp.take_along_axis(next_observations, obs_idx, axis=1).reshape(n_env * batch_size_static, n_obs)
    act_s = jnp.take_along_axis(actions, act_idx, axis=1).reshape(n_env * batch_size_static, n_act)
    rew_s = jnp.take_along_axis(rewards, indices, axis=1).reshape(n_env * batch_size_static, 1)
    out = jnp.concatenate([obs_s, act_s, rew_s, nobs_s], axis=1)
    return out

if __name__ == "__main__":
    import jax
    _d = setup_inputs()
    print(jax.jit(kernel)(*tuple(_d.values())))

</pallas_src>

<mosaic_0001>
#map = affine_map<(d0, d1) -> (0, 0)>
#map1 = affine_map<(d0, d1) -> (0)>
module attributes {stable_mosaic.version = 14 : i64} {
  func.func @_body(%arg0: i32, %arg1: i32, %arg2: memref<524288x128xf32, #tpu.memory_space<hbm>>, %arg3: memref<1024x16384xf32, #tpu.memory_space<hbm>>, %arg4: memref<1024x1024xf32, #tpu.memory_space<hbm>>, %arg5: memref<524288x128xf32, #tpu.memory_space<hbm>>, %arg6: memref<1024x64xf32, #tpu.memory_space<hbm>>, %arg7: memref<1024x16xf32, #tpu.memory_space<hbm>>, %arg8: memref<1024xf32, #tpu.memory_space<hbm>>, %arg9: memref<1024x64xf32, #tpu.memory_space<hbm>>, %arg10: memref<1024x256xi32, #tpu.memory_space<hbm>>, %arg11: memref<38010880xf32, #tpu.memory_space<hbm>>, %arg12: memref<256xi32, #tpu.memory_space<vmem>>, %arg13: memref<2x128xi32, #tpu.memory_space<vmem>>, %arg14: memref<128x128xf32, #tpu.memory_space<vmem>>, %arg15: memref<128x128xf32, #tpu.memory_space<vmem>>, %arg16: memref<128x128xf32, #tpu.memory_space<vmem>>, %arg17: memref<128x128xf32, #tpu.memory_space<vmem>>, %arg18: memref<16384xf32, #tpu.memory_space<vmem>>, %arg19: memref<18560xf32, #tpu.memory_space<vmem>>, %arg20: memref<18560xf32, #tpu.memory_space<vmem>>, %arg21: memref<1024xf32, #tpu.memory_space<vmem>>, %arg22: memref<1024xf32, #tpu.memory_space<vmem>>, %arg23: memref<64xf32, #tpu.memory_space<vmem>>, %arg24: memref<16xf32, #tpu.memory_space<vmem>>, %arg25: memref<64xf32, #tpu.memory_space<vmem>>, %arg26: memref<!tpu.dma_semaphore, #tpu.memory_space<semaphore_mem>>, %arg27: memref<!tpu.dma_semaphore, #tpu.memory_space<semaphore_mem>>, %arg28: memref<!tpu.dma_semaphore, #tpu.memory_space<semaphore_mem>>, %arg29: memref<!tpu.dma_semaphore, #tpu.memory_space<semaphore_mem>>, %arg30: memref<!tpu.dma_semaphore, #tpu.memory_space<semaphore_mem>>, %arg31: memref<!tpu.dma_semaphore, #tpu.memory_space<semaphore_mem>>) attributes {dimension_semantics = [#tpu.dimension_semantics<core_parallel>, #tpu.dimension_semantics<subcore_parallel>], iteration_bounds = array<i64: 2, 16>, scalar_prefetch = 0 : i64, scratch_operands = 20 : i64, tpu.core_type = #tpu.core_type<sc_vector_subcore>, window_params = [{transform_indices = #map}, {transform_indices = #map}, {transform_indices = #map}, {transform_indices = #map}, {transform_indices = #map}, {transform_indices = #map}, {transform_indices = #map1}, {transform_indices = #map}, {transform_indices = #map}, {transform_indices = #map1}]} {
    %mul3A = arith.constant 2 : i32
    %mul3A_0 = arith.muli %arg1, %mul3A : i32
    %add3A = arith.addi %mul3A_0, %arg0 : i32
    %iota3A = tpu.iota {dimensions = array<i32: 0>} : vector<16xi32>
    "tpu.region"() ({
      %run_scoped3A = tpu.sem_alloc : memref<!tpu.dma_semaphore, #tpu.memory_space<semaphore_mem>>
      tpu.enqueue_dma source(%arg8 : memref<1024xf32, #tpu.memory_space<hbm>>) target(%arg22 : memref<1024xf32, #tpu.memory_space<vmem>>) target_semaphore(%run_scoped3A : memref<!tpu.dma_semaphore, #tpu.memory_space<semaphore_mem>>)
      tpu.wait_dma2 semaphore(%run_scoped3A : memref<!tpu.dma_semaphore, #tpu.memory_space<semaphore_mem>>) src(%arg8 : memref<1024xf32, #tpu.memory_space<hbm>>) dst(%arg22 : memref<1024xf32, #tpu.memory_space<vmem>>)
      tpu.yield
    }) : () -> ()
    %scan3A = arith.constant 0 : i32
    %scan3A_1 = arith.constant 0 : i32
    %scan3A_2 = arith.constant 32 : i32
    %scan3A_3 = arith.addi %scan3A_1, %scan3A_2 : i32
    %scan3A_4 = arith.constant 1 : i32
    %scan3A_5 = scf.for %scan3A_14 = %scan3A_1 to %scan3A_3 step %scan3A_4 iter_args(%scan3A_15 = %scan3A) -> (i32)  : i32 {
      %mul3A_16 = arith.constant 32 : i32
      %mul3A_17 = arith.muli %add3A, %mul3A_16 : i32
      %add3A_18 = arith.addi %mul3A_17, %scan3A_14 : i32
      %dma_start3A = arith.constant 0 : i32
      %dma_start3A_19 = tpu.memref_slice %arg10[%add3A_18, %dma_start3A] : memref<1024x256xi32, #tpu.memory_space<hbm>> -> memref<1x256xi32, #tpu.memory_space<hbm>>
      %dma_start3A_20 = tpu.memref_squeeze %dma_start3A_19 : memref<1x256xi32, #tpu.memory_space<hbm>> -> memref<256xi32, #tpu.memory_space<hbm>>
      %dma_start3A_21 = arith.constant 0 : i32
      %dma_start3A_22 = tpu.memref_slice %arg10[%add3A_18, %dma_start3A_21] : memref<1024x256xi32, #tpu.memory_space<hbm>> -> memref<1x256xi32, #tpu.memory_space<hbm>>
      %dma_start3A_23 = tpu.memref_squeeze %dma_start3A_22 : memref<1x256xi32, #tpu.memory_space<hbm>> -> memref<256xi32, #tpu.memory_space<hbm>>
      tpu.enqueue_dma source(%dma_start3A_23 : memref<256xi32, #tpu.memory_space<hbm>>) target(%arg12 : memref<256xi32, #tpu.memory_space<vmem>>) target_semaphore(%arg26 : memref<!tpu.dma_semaphore, #tpu.memory_space<semaphore_mem>>)
      %dma_start3A_24 = arith.constant 0 : i32
      %dma_start3A_25 = tpu.memref_slice %arg6[%add3A_18, %dma_start3A_24] : memref<1024x64xf32, #tpu.memory_space<hbm>> -> memref<1x64xf32, #tpu.memory_space<hbm>>
      %dma_start3A_26 = tpu.memref_squeeze %dma_start3A_25 : memref<1x64xf32, #tpu.memory_space<hbm>> -> memref<64xf32, #tpu.memory_space<hbm>>
      %dma_start3A_27 = arith.constant 0 : i32
      %dma_start3A_28 = tpu.memref_slice %arg6[%add3A_18, %dma_start3A_27] : memref<1024x64xf32, #tpu.memory_space<hbm>> -> memref<1x64xf32, #tpu.memory_space<hbm>>
      %dma_start3A_29 = tpu.memref_squeeze %dma_start3A_28 : memref<1x64xf32, #tpu.memory_space<hbm>> -> memref<64xf32, #tpu.memory_space<hbm>>
      tpu.enqueue_dma source(%dma_start3A_29 : memref<64xf32, #tpu.memory_space<hbm>>) target(%arg23 : memref<64xf32, #tpu.memory_space<vmem>>) target_semaphore(%arg27 : memref<!tpu.dma_semaphore, #tpu.memory_space<semaphore_mem>>)
      %dma_start3A_30 = arith.constant 0 : i32
      %dma_start3A_31 = tpu.memref_slice %arg7[%add3A_18, %dma_start3A_30] : memref<1024x16xf32, #tpu.memory_space<hbm>> -> memref<1x16xf32, #tpu.memory_space<hbm>>
      %dma_start3A_32 = tpu.memref_squeeze %dma_start3A_31 : memref<1x16xf32, #tpu.memory_space<hbm>> -> memref<16xf32, #tpu.memory_space<hbm>>
      %dma_start3A_33 = arith.constant 0 : i32
      %dma_start3A_34 = tpu.memref_slice %arg7[%add3A_18, %dma_start3A_33] : memref<1024x16xf32, #tpu.memory_space<hbm>> -> memref<1x16xf32, #tpu.memory_space<hbm>>
      %dma_start3A_35 = tpu.memref_squeeze %dma_start3A_34 : memref<1x16xf32, #tpu.memory_space<hbm>> -> memref<16xf32, #tpu.memory_space<hbm>>
      tpu.enqueue_dma source(%dma_start3A_35 : memref<16xf32, #tpu.memory_space<hbm>>) target(%arg24 : memref<16xf32, #tpu.memory_space<vmem>>) target_semaphore(%arg27 : memref<!tpu.dma_semaphore, #tpu.memory_space<semaphore_mem>>)
      %dma_start3A_36 = arith.constant 0 : i32
      %dma_start3A_37 = tpu.memref_slice %arg9[%add3A_18, %dma_start3A_36] : memref<1024x64xf32, #tpu.memory_space<hbm>> -> memref<1x64xf32, #tpu.memory_space<hbm>>
      %dma_start3A_38 = tpu.memref_squeeze %dma_start3A_37 : memref<1x64xf32, #tpu.memory_space<hbm>> -> memref<64xf32, #tpu.memory_space<hbm>>
      %dma_start3A_39 = arith.constant 0 : i32
      %dma_start3A_40 = tpu.memref_slice %arg9[%add3A_18, %dma_start3A_39] : memref<1024x64xf32, #tpu.memory_space<hbm>> -> memref<1x64xf32, #tpu.memory_space<hbm>>
      %dma_start3A_41 = tpu.memref_squeeze %dma_start3A_40 : memref<1x64xf32, #tpu.memory_space<hbm>> -> memref<64xf32, #tpu.memory_space<hbm>>
      tpu.enqueue_dma source(%dma_start3A_41 : memref<64xf32, #tpu.memory_space<hbm>>) target(%arg25 : memref<64xf32, #tpu.memory_space<vmem>>) target_semaphore(%arg27 : memref<!tpu.dma_semaphore, #tpu.memory_space<semaphore_mem>>)
      %dma_start3A_42 = arith.constant 0 : i32
      %dma_start3A_43 = tpu.memref_slice %arg4[%add3A_18, %dma_start3A_42] : memref<1024x1024xf32, #tpu.memory_space<hbm>> -> memref<1x1024xf32, #tpu.memory_space<hbm>>
      %dma_start3A_44 = tpu.memref_squeeze %dma_start3A_43 : memref<1x1024xf32, #tpu.memory_space<hbm>> -> memref<1024xf32, #tpu.memory_space<hbm>>
      %dma_start3A_45 = arith.constant 0 : i32
      %dma_start3A_46 = tpu.memref_slice %arg4[%add3A_18, %dma_start3A_45] : memref<1024x1024xf32, #tpu.memory_space<hbm>> -> memref<1x1024xf32, #tpu.memory_space<hbm>>
      %dma_start3A_47 = tpu.memref_squeeze %dma_start3A_46 : memref<1x1024xf32, #tpu.memory_space<hbm>> -> memref<1024xf32, #tpu.memory_space<hbm>>
      tpu.enqueue_dma source(%dma_start3A_47 : memref<1024xf32, #tpu.memory_space<hbm>>) target(%arg21 : memref<1024xf32, #tpu.memory_space<vmem>>) target_semaphore(%arg27 : memref<!tpu.dma_semaphore, #tpu.memory_space<semaphore_mem>>)
      %dma_start3A_48 = arith.constant 0 : i32
      %dma_start3A_49 = tpu.memref_slice %arg3[%add3A_18, %dma_start3A_48] : memref<1024x16384xf32, #tpu.memory_space<hbm>> -> memref<1x16384xf32, #tpu.memory_space<hbm>>
      %dma_start3A_50 = tpu.memref_squeeze %dma_start3A_49 : memref<1x16384xf32, #tpu.memory_space<hbm>> -> memref<16384xf32, #tpu.memory_space<hbm>>
      %dma_start3A_51 = arith.constant 0 : i32
      %dma_start3A_52 = tpu.memref_slice %arg3[%add3A_18, %dma_start3A_51] : memref<1024x16384xf32, #tpu.memory_space<hbm>> -> memref<1x16384xf32, #tpu.memory_space<hbm>>
      %dma_start3A_53 = tpu.memref_squeeze %dma_start3A_52 : memref<1x16384xf32, #tpu.memory_space<hbm>> -> memref<16384xf32, #tpu.memory_space<hbm>>
      tpu.enqueue_dma source(%dma_start3A_53 : memref<16384xf32, #tpu.memory_space<hbm>>) target(%arg18 : memref<16384xf32, #tpu.memory_space<vmem>>) target_semaphore(%arg28 : memref<!tpu.dma_semaphore, #tpu.memory_space<semaphore_mem>>)
      %dma_wait3A_54 = arith.constant 0 : i32
      %dma_wait3A_55 = tpu.memref_slice %arg10[%add3A_18, %dma_wait3A_54] : memref<1024x256xi32, #tpu.memory_space<hbm>> -> memref<1x256xi32, #tpu.memory_space<hbm>>
      %dma_wait3A_56 = tpu.memref_squeeze %dma_wait3A_55 : memref<1x256xi32, #tpu.memory_space<hbm>> -> memref<256xi32, #tpu.memory_space<hbm>>
      %dma_wait3A_57 = arith.constant 0 : i32
      %dma_wait3A_58 = tpu.memref_slice %arg10[%add3A_18, %dma_wait3A_57] : memref<1024x256xi32, #tpu.memory_space<hbm>> -> memref<1x256xi32, #tpu.memory_space<hbm>>
      %dma_wait3A_59 = tpu.memref_squeeze %dma_wait3A_58 : memref<1x256xi32, #tpu.memory_space<hbm>> -> memref<256xi32, #tpu.memory_space<hbm>>
      tpu.wait_dma2 semaphore(%arg26 : memref<!tpu.dma_semaphore, #tpu.memory_space<semaphore_mem>>) src(%dma_wait3A_59 : memref<256xi32, #tpu.memory_space<hbm>>) dst(%arg12 : memref<256xi32, #tpu.memory_space<vmem>>)
      %mul3A_60 = arith.constant 512 : i32
      %mul3A_61 = arith.muli %add3A_18, %mul3A_60 : i32
      %broadcast_in_dim3A = arith.constant 0 : i32
      %broadcast_in_dim3A_62 = vector.broadcast %broadcast_in_dim3A : i32 to vector<16xi32>
      %get3A = arith.constant 0 : index
      %get3A_63 = tpu.vector_load %arg12[%get3A] {strides = array<i32>} : memref<256xi32, #tpu.memory_space<vmem>>, vector<16xi32>,
      %shift_right_logical3A = arith.constant 1 : i32
      %shift_right_logical3A_64 = vector.broadcast %shift_right_logical3A : i32 to vector<16xi32>
      %shift_right_logical3A_65 = arith.shrui %get3A_63, %shift_right_logical3A_64 : vector<16xi32>
      %add3A_66 = vector.broadcast %mul3A_61 : i32 to vector<16xi32>
      %add3A_67 = arith.addi %add3A_66, %shift_right_logical3A_65 : vector<16xi32>
      %swap3A = arith.constant 0 : i32
      %swap3A_68 = arith.index_cast %swap3A : i32 to index
      %swap3A_69 = arith.constant 0 : index
      %swap3A_70 = tpu.vector_load %arg13[%swap3A_68, %swap3A_69] {strides = array<i32>} : memref<2x128xi32, #tpu.memory_space<vmem>>, vector<16xi32>,
      tpu.vector_store %arg13[%swap3A_68, %swap3A_69], %add3A_67 {strides = array<i32>} : memref<2x128xi32, #tpu.memory_space<vmem>>, vector<16xi32>,
      %eq3A = arith.constant 0 : i32
      %eq3A_71 = vector.broadcast %eq3A : i32 to vector<16xi32>
      %eq3A_72 = arith.cmpi eq, %get3A_63, %eq3A_71 : vector<16xi32>
      %jit3A = arith.constant 1 : i32
      %jit3A_73 = arith.constant 0 : i32
      %broadcast_in_dim3A_74 = vector.broadcast %jit3A : i32 to vector<16xi32>
      %broadcast_in_dim3A_75 = vector.broadcast %jit3A_73 : i32 to vector<16xi32>
      %select_n3A = arith.select %eq3A_72, %broadcast_in_dim3A_74, %broadcast_in_dim3A_75 : vector<16xi1>, vector<16xi32>
      %add3A_76 = arith.addi %broadcast_in_dim3A_62, %select_n3A : vector<16xi32>
      %get3A_77 = arith.constant 16 : index
      %get3A_78 = tpu.vector_load %arg12[%get3A_77] {strides = array<i32>} : memref<256xi32, #tpu.memory_space<vmem>>, vector<16xi32>,
      %shift_right_logical3A_79 = arith.constant 1 : i32
      %shift_right_logical3A_80 = vector.broadcast %shift_right_logical3A_79 : i32 to vector<16xi32>
      %shift_right_logical3A_81 = arith.shrui %get3A_78, %shift_right_logical3A_80 : vector<16xi32>
      %add3A_82 = vector.broadcast %mul3A_61 : i32 to vector<16xi32>
      %add3A_83 = arith.addi %add3A_82, %shift_right_logical3A_81 : vector<16xi32>
      %swap3A_84 = arith.constant 0 : i32
      %swap3A_85 = arith.index_cast %swap3A_84 : i32 to index
      %swap3A_86 = arith.constant 16 : index
      %swap3A_87 = tpu.vector_load %arg13[%swap3A_85, %swap3A_86] {strides = array<i32>} : memref<2x128xi32, #tpu.memory_space<vmem>>, vector<16xi32>,
      tpu.vector_store %arg13[%swap3A_85, %swap3A_86], %add3A_83 {strides = array<i32>} : memref<2x128xi32, #tpu.memory_space<vmem>>, vector<16xi32>,
      %eq3A_88 = arith.constant 0 : i32
      %eq3A_89 = vector.broadcast %eq3A_88 : i32 to vector<16xi32>
      %eq3A_90 = arith.cmpi eq, %get3A_78, %eq3A_89 : vector<16xi32>
      %jit3A_91 = arith.constant 1 : i32
      %jit3A_92 = arith.constant 0 : i32
      %broadcast_in_dim3A_93 = vector.broadcast %jit3A_91 : i32 to vector<16xi32>
      %broadcast_in_dim3A_94 = vector.broadcast %jit3A_92 : i32 to vector<16xi32>
      %select_n3A_95 = arith.select %eq3A_90, %broadcast_in_dim3A_93, %broadcast_in_dim3A_94 : vector<16xi1>, vector<16xi32>
      %add3A_96 = arith.addi %add3A_76, %select_n3A_95 : vector<16xi32>
      %get3A_97 = arith.constant 32 : index
      %get3A_98 = tpu.vector_load %arg12[%get3A_97] {strides = array<i32>} : memref<256xi32, #tpu.memory_space<vmem>>, vector<16xi32>,
      %shift_right_logical3A_99 = arith.constant 1 : i32
      %shift_right_logical3A_100 = vector.broadcast %shift_right_logical3A_99 : i32 to vector<16xi32>
      %shift_right_logical3A_101 = arith.shrui %get3A_98, %shift_right_logical3A_100 : vector<16xi32>
      %add3A_102 = vector.broadcast %mul3A_61 : i32 to vector<16xi32>
      %add3A_103 = arith.addi %add3A_102, %shift_right_logical3A_101 : vector<16xi32>
      %swap3A_104 = arith.constant 0 : i32
      %swap3A_105 = arith.index_cast %swap3A_104 : i32 to index
      %swap3A_106 = arith.constant 32 : index
      %swap3A_107 = tpu.vector_load %arg13[%swap3A_105, %swap3A_106] {strides = array<i32>} : memref<2x128xi32, #tpu.memory_space<vmem>>, vector<16xi32>,
      tpu.vector_store %arg13[%swap3A_105, %swap3A_106], %add3A_103 {strides = array<i32>} : memref<2x128xi32, #tpu.memory_space<vmem>>, vector<16xi32>,
      %eq3A_108 = arith.constant 0 : i32
      %eq3A_109 = vector.broadcast %eq3A_108 : i32 to vector<16xi32>
      %eq3A_110 = arith.cmpi eq, %get3A_98, %eq3A_109 : vector<16xi32>
      %jit3A_111 = arith.constant 1 : i32
      %jit3A_112 = arith.constant 0 : i32
      %broadcast_in_dim3A_113 = vector.broadcast %jit3A_111 : i32 to vector<16xi32>
      %broadcast_in_dim3A_114 = vector.broadcast %jit3A_112 : i32 to vector<16xi32>
      %select_n3A_115 = arith.select %eq3A_110, %broadcast_in_dim3A_113, %broadcast_in_dim3A_114 : vector<16xi1>, vector<16xi32>
      %add3A_116 = arith.addi %add3A_96, %select_n3A_115 : vector<16xi32>
      %get3A_117 = arith.constant 48 : index
      %get3A_118 = tpu.vector_load %arg12[%get3A_117] {strides = array<i32>} : memref<256xi32, #tpu.memory_space<vmem>>, vector<16xi32>,
      %shift_right_logical3A_119 = arith.constant 1 : i32
      %shift_right_logical3A_120 = vector.broadcast %shift_right_logical3A_119 : i32 to vector<16xi32>
      %shift_right_logical3A_121 = arith.shrui %get3A_118, %shift_right_logical3A_120 : vector<16xi32>
      %add3A_122 = vector.broadcast %mul3A_61 : i32 to vector<16xi32>
      %add3A_123 = arith.addi %add3A_122, %shift_right_logical3A_121 : vector<16xi32>
      %swap3A_124 = arith.constant 0 : i32
      %swap3A_125 = arith.index_cast %swap3A_124 : i32 to index
      %swap3A_126 = arith.constant 48 : index
      %swap3A_127 = tpu.vector_load %arg13[%swap3A_125, %swap3A_126] {strides = array<i32>} : memref<2x128xi32, #tpu.memory_space<vmem>>, vector<16xi32>,
      tpu.vector_store %arg13[%swap3A_125, %swap3A_126], %add3A_123 {strides = array<i32>} : memref<2x128xi32, #tpu.memory_space<vmem>>, vector<16xi32>,
      %eq3A_128 = arith.constant 0 : i32
      %eq3A_129 = vector.broadcast %eq3A_128 : i32 to vector<16xi32>
      %eq3A_130 = arith.cmpi eq, %get3A_118, %eq3A_129 : vector<16xi32>
      %jit3A_131 = arith.constant 1 : i32
      %jit3A_132 = arith.constant 0 : i32
      %broadcast_in_dim3A_133 = vector.broadcast %jit3A_131 : i32 to vector<16xi32>
      %broadcast_in_dim3A_134 = vector.broadcast %jit3A_132 : i32 to vector<16xi32>
      %select_n3A_135 = arith.select %eq3A_130, %broadcast_in_dim3A_133, %broadcast_in_dim3A_134 : vector<16xi1>, vector<16xi32>
      %add3A_136 = arith.addi %add3A_116, %select_n3A_135 : vector<16xi32>
      %get3A_137 = arith.constant 64 : index
      %get3A_138 = tpu.vector_load %arg12[%get3A_137] {strides = array<i32>} : memref<256xi32, #tpu.memory_space<vmem>>, vector<16xi32>,
      %shift_right_logical3A_139 = arith.constant 1 : i32
      %shift_right_logical3A_140 = vector.broadcast %shift_right_logical3A_139 : i32 to vector<16xi32>
      %shift_right_logical3A_141 = arith.shrui %get3A_138, %shift_right_logical3A_140 : vector<16xi32>
      %add3A_142 = vector.broadcast %mul3A_61 : i32 to vector<16xi32>
      %add3A_143 = arith.addi %add3A_142, %shift_right_logical3A_141 : vector<16xi32>
      %swap3A_144 = arith.constant 0 : i32
      %swap3A_145 = arith.index_cast %swap3A_144 : i32 to index
      %swap3A_146 = arith.constant 64 : index
      %swap3A_147 = tpu.vector_load %arg13[%swap3A_145, %swap3A_146] {strides = array<i32>} : memref<2x128xi32, #tpu.memory_space<vmem>>, vector<16xi32>,
      tpu.vector_store %arg13[%swap3A_145, %swap3A_146], %add3A_143 {strides = array<i32>} : memref<2x128xi32, #tpu.memory_space<vmem>>, vector<16xi32>,
      %eq3A_148 = arith.constant 0 : i32
      %eq3A_149 = vector.broadcast %eq3A_148 : i32 to vector<16xi32>
      %eq3A_150 = arith.cmpi eq, %get3A_138, %eq3A_149 : vector<16xi32>
      %jit3A_151 = arith.constant 1 : i32
      %jit3A_152 = arith.constant 0 : i32
      %broadcast_in_dim3A_153 = vector.broadcast %jit3A_151 : i32 to vector<16xi32>
      %broadcast_in_dim3A_154 = vector.broadcast %jit3A_152 : i32 to vector<16xi32>
      %select_n3A_155 = arith.select %eq3A_150, %broadcast_in_dim3A_153, %broadcast_in_dim3A_154 : vector<16xi1>, vector<16xi32>
      %add3A_156 = arith.addi %add3A_136, %select_n3A_155 : vector<16xi32>
      %get3A_157 = arith.constant 80 : index
      %get3A_158 = tpu.vector_load %arg12[%get3A_157] {strides = array<i32>} : memref<256xi32, #tpu.memory_space<vmem>>, vector<16xi32>,
      %shift_right_logical3A_159 = arith.constant 1 : i32
      %shift_right_logical3A_160 = vector.broadcast %shift_right_logical3A_159 : i32 to vector<16xi32>
      %shift_right_logical3A_161 = arith.shrui %get3A_158, %shift_right_logical3A_160 : vector<16xi32>
      %add3A_162 = vector.broadcast %mul3A_61 : i32 to vector<16xi32>
      %add3A_163 = arith.addi %add3A_162, %shift_right_logical3A_161 : vector<16xi32>
      %swap3A_164 = arith.constant 0 : i32
      %swap3A_165 = arith.index_cast %swap3A_164 : i32 to index
      %swap3A_166 = arith.constant 80 : index
      %swap3A_167 = tpu.vector_load %arg13[%swap3A_165, %swap3A_166] {strides = array<i32>} : memref<2x128xi32, #tpu.memory_space<vmem>>, vector<16xi32>,
      tpu.vector_store %arg13[%swap3A_165, %swap3A_166], %add3A_163 {strides = array<i32>} : memref<2x128xi32, #tpu.memory_space<vmem>>, vector<16xi32>,
      %eq3A_168 = arith.constant 0 : i32
      %eq3A_169 = vector.broadcast %eq3A_168 : i32 to vector<16xi32>
      %eq3A_170 = arith.cmpi eq, %get3A_158, %eq3A_169 : vector<16xi32>
      %jit3A_171 = arith.constant 1 : i32
      %jit3A_172 = arith.constant 0 : i32
      %broadcast_in_dim3A_173 = vector.broadcast %jit3A_171 : i32 to vector<16xi32>
      %broadcast_in_dim3A_174 = vector.broadcast %jit3A_172 : i32 to vector<16xi32>
      %select_n3A_175 = arith.select %eq3A_170, %broadcast_in_dim3A_173, %broadcast_in_dim3A_174 : vector<16xi1>, vector<16xi32>
      %add3A_176 = arith.addi %add3A_156, %select_n3A_175 : vector<16xi32>
      %get3A_177 = arith.constant 96 : index
      %get3A_178 = tpu.vector_load %arg12[%get3A_177] {strides = array<i32>} : memref<256xi32, #tpu.memory_space<vmem>>, vector<16xi32>,
      %shift_right_logical3A_179 = arith.constant 1 : i32
      %shift_right_logical3A_180 = vector.broadcast %shift_right_logical3A_179 : i32 to vector<16xi32>
      %shift_right_logical3A_181 = arith.shrui %get3A_178, %shift_right_logical3A_180 : vector<16xi32>
      %add3A_182 = vector.broadcast %mul3A_61 : i32 to vector<16xi32>
      %add3A_183 = arith.addi %add3A_182, %shift_right_logical3A_181 : vector<16xi32>
      %swap3A_184 = arith.constant 0 : i32
      %swap3A_185 = arith.index_cast %swap3A_184 : i32 to index
      %swap3A_186 = arith.constant 96 : index
      %swap3A_187 = tpu.vector_load %arg13[%swap3A_185, %swap3A_186] {strides = array<i32>} : memref<2x128xi32, #tpu.memory_space<vmem>>, vector<16xi32>,
      tpu.vector_store %arg13[%swap3A_185, %swap3A_186], %add3A_183 {strides = array<i32>} : memref<2x128xi32, #tpu.memory_space<vmem>>, vector<16xi32>,
      %eq3A_188 = arith.constant 0 : i32
      %eq3A_189 = vector.broadcast %eq3A_188 : i32 to vector<16xi32>
      %eq3A_190 = arith.cmpi eq, %get3A_178, %eq3A_189 : vector<16xi32>
      %jit3A_191 = arith.constant 1 : i32
      %jit3A_192 = arith.constant 0 : i32
      %broadcast_in_dim3A_193 = vector.broadcast %jit3A_191 : i32 to vector<16xi32>
      %broadcast_in_dim3A_194 = vector.broadcast %jit3A_192 : i32 to vector<16xi32>
      %select_n3A_195 = arith.select %eq3A_190, %broadcast_in_dim3A_193, %broadcast_in_dim3A_194 : vector<16xi1>, vector<16xi32>
      %add3A_196 = arith.addi %add3A_176, %select_n3A_195 : vector<16xi32>
      %get3A_197 = arith.constant 112 : index
      %get3A_198 = tpu.vector_load %arg12[%get3A_197] {strides = array<i32>} : memref<256xi32, #tpu.memory_space<vmem>>, vector<16xi32>,
      %shift_right_logical3A_199 = arith.constant 1 : i32
      %shift_right_logical3A_200 = vector.broadcast %shift_right_logical3A_199 : i32 to vector<16xi32>
      %shift_right_logical3A_201 = arith.shrui %get3A_198, %shift_right_logical3A_200 : vector<16xi32>
      %add3A_202 = vector.broadcast %mul3A_61 : i32 to vector<16xi32>
      %add3A_203 = arith.addi %add3A_202, %shift_right_logical3A_201 : vector<16xi32>
      %swap3A_204 = arith.constant 0 : i32
      %swap3A_205 = arith.index_cast %swap3A_204 : i32 to index
      %swap3A_206 = arith.constant 112 : index
      %swap3A_207 = tpu.vector_load %arg13[%swap3A_205, %swap3A_206] {strides = array<i32>} : memref<2x128xi32, #tpu.memory_space<vmem>>, vector<16xi32>,
      tpu.vector_store %arg13[%swap3A_205, %swap3A_206], %add3A_203 {strides = array<i32>} : memref<2x128xi32, #tpu.memory_space<vmem>>, vector<16xi32>,
      %eq3A_208 = arith.constant 0 : i32
      %eq3A_209 = vector.broadcast %eq3A_208 : i32 to vector<16xi32>
      %eq3A_210 = arith.cmpi eq, %get3A_198, %eq3A_209 : vector<16xi32>
      %jit3A_211 = arith.constant 1 : i32
      %jit3A_212 = arith.constant 0 : i32
      %broadcast_in_dim3A_213 = vector.broadcast %jit3A_211 : i32 to vector<16xi32>
      %broadcast_in_dim3A_214 = vector.broadcast %jit3A_212 : i32 to vector<16xi32>
      %select_n3A_215 = arith.select %eq3A_210, %broadcast_in_dim3A_213, %broadcast_in_dim3A_214 : vector<16xi1>, vector<16xi32>
      %add3A_216 = arith.addi %add3A_196, %select_n3A_215 : vector<16xi32>
      %get3A_217 = arith.constant 128 : index
      %get3A_218 = tpu.vector_load %arg12[%get3A_217] {strides = array<i32>} : memref<256xi32, #tpu.memory_space<vmem>>, vector<16xi32>,
      %shift_right_logical3A_219 = arith.constant 1 : i32
      %shift_right_logical3A_220 = vector.broadcast %shift_right_logical3A_219 : i32 to vector<16xi32>
      %shift_right_logical3A_221 = arith.shrui %get3A_218, %shift_right_logical3A_220 : vector<16xi32>
      %add3A_222 = vector.broadcast %mul3A_61 : i32 to vector<16xi32>
      %add3A_223 = arith.addi %add3A_222, %shift_right_logical3A_221 : vector<16xi32>
      %swap3A_224 = arith.constant 1 : i32
      %swap3A_225 = arith.index_cast %swap3A_224 : i32 to index
      %swap3A_226 = arith.constant 0 : index
      %swap3A_227 = tpu.vector_load %arg13[%swap3A_225, %swap3A_226] {strides = array<i32>} : memref<2x128xi32, #tpu.memory_space<vmem>>, vector<16xi32>,
      tpu.vector_store %arg13[%swap3A_225, %swap3A_226], %add3A_223 {strides = array<i32>} : memref<2x128xi32, #tpu.memory_space<vmem>>, vector<16xi32>,
      %eq3A_228 = arith.constant 0 : i32
      %eq3A_229 = vector.broadcast %eq3A_228 : i32 to vector<16xi32>
      %eq3A_230 = arith.cmpi eq, %get3A_218, %eq3A_229 : vector<16xi32>
      %jit3A_231 = arith.constant 1 : i32
      %jit3A_232 = arith.constant 0 : i32
      %broadcast_in_dim3A_233 = vector.broadcast %jit3A_231 : i32 to vector<16xi32>
      %broadcast_in_dim3A_234 = vector.broadcast %jit3A_232 : i32 to vector<16xi32>
      %select_n3A_235 = arith.select %eq3A_230, %broadcast_in_dim3A_233, %broadcast_in_dim3A_234 : vector<16xi1>, vector<16xi32>
      %add3A_236 = arith.addi %add3A_216, %select_n3A_235 : vector<16xi32>
      %get3A_237 = arith.constant 144 : index
      %get3A_238 = tpu.vector_load %arg12[%get3A_237] {strides = array<i32>} : memref<256xi32, #tpu.memory_space<vmem>>, vector<16xi32>,
      %shift_right_logical3A_239 = arith.constant 1 : i32
      %shift_right_logical3A_240 = vector.broadcast %shift_right_logical3A_239 : i32 to vector<16xi32>
      %shift_right_logical3A_241 = arith.shrui %get3A_238, %shift_right_logical3A_240 : vector<16xi32>
      %add3A_242 = vector.broadcast %mul3A_61 : i32 to vector<16xi32>
      %add3A_243 = arith.addi %add3A_242, %shift_right_logical3A_241 : vector<16xi32>
      %swap3A_244 = arith.constant 1 : i32
      %swap3A_245 = arith.index_cast %swap3A_244 : i32 to index
      %swap3A_246 = arith.constant 16 : index
      %swap3A_247 = tpu.vector_load %arg13[%swap3A_245, %swap3A_246] {strides = array<i32>} : memref<2x128xi32, #tpu.memory_space<vmem>>, vector<16xi32>,
      tpu.vector_store %arg13[%swap3A_245, %swap3A_246], %add3A_243 {strides = array<i32>} : memref<2x128xi32, #tpu.memory_space<vmem>>, vector<16xi32>,
      %eq3A_248 = arith.constant 0 : i32
      %eq3A_249 = vector.broadcast %eq3A_248 : i32 to vector<16xi32>
      %eq3A_250 = arith.cmpi eq, %get3A_238, %eq3A_249 : vector<16xi32>
      %jit3A_251 = arith.constant 1 : i32
      %jit3A_252 = arith.constant 0 : i32
      %broadcast_in_dim3A_253 = vector.broadcast %jit3A_251 : i32 to vector<16xi32>
      %broadcast_in_dim3A_254 = vector.broadcast %jit3A_252 : i32 to vector<16xi32>
      %select_n3A_255 = arith.select %eq3A_250, %broadcast_in_dim3A_253, %broadcast_in_dim3A_254 : vector<16xi1>, vector<16xi32>
      %add3A_256 = arith.addi %add3A_236, %select_n3A_255 : vector<16xi32>
      %get3A_257 = arith.constant 160 : index
      %get3A_258 = tpu.vector_load %arg12[%get3A_257] {strides = array<i32>} : memref<256xi32, #tpu.memory_space<vmem>>, vector<16xi32>,
      %shift_right_logical3A_259 = arith.constant 1 : i32
      %shift_right_logical3A_260 = vector.broadcast %shift_right_logical3A_259 : i32 to vector<16xi32>
      %shift_right_logical3A_261 = arith.shrui %get3A_258, %shift_right_logical3A_260 : vector<16xi32>
      %add3A_262 = vector.broadcast %mul3A_61 : i32 to vector<16xi32>
      %add3A_263 = arith.addi %add3A_262, %shift_right_logical3A_261 : vector<16xi32>
      %swap3A_264 = arith.constant 1 : i32
      %swap3A_265 = arith.index_cast %swap3A_264 : i32 to index
      %swap3A_266 = arith.constant 32 : index
      %swap3A_267 = tpu.vector_load %arg13[%swap3A_265, %swap3A_266] {strides = array<i32>} : memref<2x128xi32, #tpu.memory_space<vmem>>, vector<16xi32>,
      tpu.vector_store %arg13[%swap3A_265, %swap3A_266], %add3A_263 {strides = array<i32>} : memref<2x128xi32, #tpu.memory_space<vmem>>, vector<16xi32>,
      %eq3A_268 = arith.constant 0 : i32
      %eq3A_269 = vector.broadcast %eq3A_268 : i32 to vector<16xi32>
      %eq3A_270 = arith.cmpi eq, %get3A_258, %eq3A_269 : vector<16xi32>
      %jit3A_271 = arith.constant 1 : i32
      %jit3A_272 = arith.constant 0 : i32
      %broadcast_in_dim3A_273 = vector.broadcast %jit3A_271 : i32 to vector<16xi32>
      %broadcast_in_dim3A_274 = vector.broadcast %jit3A_272 : i32 to vector<16xi32>
      %select_n3A_275 = arith.select %eq3A_270, %broadcast_in_dim3A_273, %broadcast_in_dim3A_274 : vector<16xi1>, vector<16xi32>
      %add3A_276 = arith.addi %add3A_256, %select_n3A_275 : vector<16xi32>
      %get3A_277 = arith.constant 176 : index
      %get3A_278 = tpu.vector_load %arg12[%get3A_277] {strides = array<i32>} : memref<256xi32, #tpu.memory_space<vmem>>, vector<16xi32>,
      %shift_right_logical3A_279 = arith.constant 1 : i32
      %shift_right_logical3A_280 = vector.broadcast %shift_right_logical3A_279 : i32 to vector<16xi32>
      %shift_right_logical3A_281 = arith.shrui %get3A_278, %shift_right_logical3A_280 : vector<16xi32>
      %add3A_282 = vector.broadcast %mul3A_61 : i32 to vector<16xi32>
      %add3A_283 = arith.addi %add3A_282, %shift_right_logical3A_281 : vector<16xi32>
      %swap3A_284 = arith.constant 1 : i32
      %swap3A_285 = arith.index_cast %swap3A_284 : i32 to index
      %swap3A_286 = arith.constant 48 : index
      %swap3A_287 = tpu.vector_load %arg13[%swap3A_285, %swap3A_286] {strides = array<i32>} : memref<2x128xi32, #tpu.memory_space<vmem>>, vector<16xi32>,
      tpu.vector_store %arg13[%swap3A_285, %swap3A_286], %add3A_283 {strides = array<i32>} : memref<2x128xi32, #tpu.memory_space<vmem>>, vector<16xi32>,
      %eq3A_288 = arith.constant 0 : i32
      %eq3A_289 = vector.broadcast %eq3A_288 : i32 to vector<16xi32>
      %eq3A_290 = arith.cmpi eq, %get3A_278, %eq3A_289 : vector<16xi32>
      %jit3A_291 = arith.constant 1 : i32
      %jit3A_292 = arith.constant 0 : i32
      %broadcast_in_dim3A_293 = vector.broadcast %jit3A_291 : i32 to vector<16xi32>
      %broadcast_in_dim3A_294 = vector.broadcast %jit3A_292 : i32 to vector<16xi32>
      %select_n3A_295 = arith.select %eq3A_290, %broadcast_in_dim3A_293, %broadcast_in_dim3A_294 : vector<16xi1>, vector<16xi32>
      %add3A_296 = arith.addi %add3A_276, %select_n3A_295 : vector<16xi32>
      %get3A_297 = arith.constant 192 : index
      %get3A_298 = tpu.vector_load %arg12[%get3A_297] {strides = array<i32>} : memref<256xi32, #tpu.memory_space<vmem>>, vector<16xi32>,
      %shift_right_logical3A_299 = arith.constant 1 : i32
      %shift_right_logical3A_300 = vector.broadcast %shift_right_logical3A_299 : i32 to vector<16xi32>
      %shift_right_logical3A_301 = arith.shrui %get3A_298, %shift_right_logical3A_300 : vector<16xi32>
      %add3A_302 = vector.broadcast %mul3A_61 : i32 to vector<16xi32>
      %add3A_303 = arith.addi %add3A_302, %shift_right_logical3A_301 : vector<16xi32>
      %swap3A_304 = arith.constant 1 : i32
      %swap3A_305 = arith.index_cast %swap3A_304 : i32 to index
      %swap3A_306 = arith.constant 64 : index
      %swap3A_307 = tpu.vector_load %arg13[%swap3A_305, %swap3A_306] {strides = array<i32>} : memref<2x128xi32, #tpu.memory_space<vmem>>, vector<16xi32>,
      tpu.vector_store %arg13[%swap3A_305, %swap3A_306], %add3A_303 {strides = array<i32>} : memref<2x128xi32, #tpu.memory_space<vmem>>, vector<16xi32>,
      %eq3A_308 = arith.constant 0 : i32
      %eq3A_309 = vector.broadcast %eq3A_308 : i32 to vector<16xi32>
      %eq3A_310 = arith.cmpi eq, %get3A_298, %eq3A_309 : vector<16xi32>
      %jit3A_311 = arith.constant 1 : i32
      %jit3A_312 = arith.constant 0 : i32
      %broadcast_in_dim3A_313 = vector.broadcast %jit3A_311 : i32 to vector<16xi32>
      %broadcast_in_dim3A_314 = vector.broadcast %jit3A_312 : i32 to vector<16xi32>
      %select_n3A_315 = arith.select %eq3A_310, %broadcast_in_dim3A_313, %broadcast_in_dim3A_314 : vector<16xi1>, vector<16xi32>
      %add3A_316 = arith.addi %add3A_296, %select_n3A_315 : vector<16xi32>
      %get3A_317 = arith.constant 208 : index
      %get3A_318 = tpu.vector_load %arg12[%get3A_317] {strides = array<i32>} : memref<256xi32, #tpu.memory_space<vmem>>, vector<16xi32>,
      %shift_right_logical3A_319 = arith.constant 1 : i32
      %shift_right_logical3A_320 = vector.broadcast %shift_right_logical3A_319 : i32 to vector<16xi32>
      %shift_right_logical3A_321 = arith.shrui %get3A_318, %shift_right_logical3A_320 : vector<16xi32>
      %add3A_322 = vector.broadcast %mul3A_61 : i32 to vector<16xi32>
      %add3A_323 = arith.addi %add3A_322, %shift_right_logical3A_321 : vector<16xi32>
      %swap3A_324 = arith.constant 1 : i32
      %swap3A_325 = arith.index_cast %swap3A_324 : i32 to index
      %swap3A_326 = arith.constant 80 : index
      %swap3A_327 = tpu.vector_load %arg13[%swap3A_325, %swap3A_326] {strides = array<i32>} : memref<2x128xi32, #tpu.memory_space<vmem>>, vector<16xi32>,
      tpu.vector_store %arg13[%swap3A_325, %swap3A_326], %add3A_323 {strides = array<i32>} : memref<2x128xi32, #tpu.memory_space<vmem>>, vector<16xi32>,
      %eq3A_328 = arith.constant 0 : i32
      %eq3A_329 = vector.broadcast %eq3A_328 : i32 to vector<16xi32>
      %eq3A_330 = arith.cmpi eq, %get3A_318, %eq3A_329 : vector<16xi32>
      %jit3A_331 = arith.constant 1 : i32
      %jit3A_332 = arith.constant 0 : i32
      %broadcast_in_dim3A_333 = vector.broadcast %jit3A_331 : i32 to vector<16xi32>
      %broadcast_in_dim3A_334 = vector.broadcast %jit3A_332 : i32 to vector<16xi32>
      %select_n3A_335 = arith.select %eq3A_330, %broadcast_in_dim3A_333, %broadcast_in_dim3A_334 : vector<16xi1>, vector<16xi32>
      %add3A_336 = arith.addi %add3A_316, %select_n3A_335 : vector<16xi32>
      %get3A_337 = arith.constant 224 : index
      %get3A_338 = tpu.vector_load %arg12[%get3A_337] {strides = array<i32>} : memref<256xi32, #tpu.memory_space<vmem>>, vector<16xi32>,
      %shift_right_logical3A_339 = arith.constant 1 : i32
      %shift_right_logical3A_340 = vector.broadcast %shift_right_logical3A_339 : i32 to vector<16xi32>
      %shift_right_logical3A_341 = arith.shrui %get3A_338, %shift_right_logical3A_340 : vector<16xi32>
      %add3A_342 = vector.broadcast %mul3A_61 : i32 to vector<16xi32>
      %add3A_343 = arith.addi %add3A_342, %shift_right_logical3A_341 : vector<16xi32>
      %swap3A_344 = arith.constant 1 : i32
      %swap3A_345 = arith.index_cast %swap3A_344 : i32 to index
      %swap3A_346 = arith.constant 96 : index
      %swap3A_347 = tpu.vector_load %arg13[%swap3A_345, %swap3A_346] {strides = array<i32>} : memref<2x128xi32, #tpu.memory_space<vmem>>, vector<16xi32>,
      tpu.vector_store %arg13[%swap3A_345, %swap3A_346], %add3A_343 {strides = array<i32>} : memref<2x128xi32, #tpu.memory_space<vmem>>, vector<16xi32>,
      %eq3A_348 = arith.constant 0 : i32
      %eq3A_349 = vector.broadcast %eq3A_348 : i32 to vector<16xi32>
      %eq3A_350 = arith.cmpi eq, %get3A_338, %eq3A_349 : vector<16xi32>
      %jit3A_351 = arith.constant 1 : i32
      %jit3A_352 = arith.constant 0 : i32
      %broadcast_in_dim3A_353 = vector.broadcast %jit3A_351 : i32 to vector<16xi32>
      %broadcast_in_dim3A_354 = vector.broadcast %jit3A_352 : i32 to vector<16xi32>
      %select_n3A_355 = arith.select %eq3A_350, %broadcast_in_dim3A_353, %broadcast_in_dim3A_354 : vector<16xi1>, vector<16xi32>
      %add3A_356 = arith.addi %add3A_336, %select_n3A_355 : vector<16xi32>
      %get3A_357 = arith.constant 240 : index
      %get3A_358 = tpu.vector_load %arg12[%get3A_357] {strides = array<i32>} : memref<256xi32, #tpu.memory_space<vmem>>, vector<16xi32>,
      %shift_right_logical3A_359 = arith.constant 1 : i32
      %shift_right_logical3A_360 = vector.broadcast %shift_right_logical3A_359 : i32 to vector<16xi32>
      %shift_right_logical3A_361 = arith.shrui %get3A_358, %shift_right_logical3A_360 : vector<16xi32>
      %add3A_362 = vector.broadcast %mul3A_61 : i32 to vector<16xi32>
      %add3A_363 = arith.addi %add3A_362, %shift_right_logical3A_361 : vector<16xi32>
      %swap3A_364 = arith.constant 1 : i32
      %swap3A_365 = arith.index_cast %swap3A_364 : i32 to index
      %swap3A_366 = arith.constant 112 : index
      %swap3A_367 = tpu.vector_load %arg13[%swap3A_365, %swap3A_366] {strides = array<i32>} : memref<2x128xi32, #tpu.memory_space<vmem>>, vector<16xi32>,
      tpu.vector_store %arg13[%swap3A_365, %swap3A_366], %add3A_363 {strides = array<i32>} : memref<2x128xi32, #tpu.memory_space<vmem>>, vector<16xi32>,
      %eq3A_368 = arith.constant 0 : i32
      %eq3A_369 = vector.broadcast %eq3A_368 : i32 to vector<16xi32>
      %eq3A_370 = arith.cmpi eq, %get3A_358, %eq3A_369 : vector<16xi32>
      %jit3A_371 = arith.constant 1 : i32
      %jit3A_372 = arith.constant 0 : i32
      %broadcast_in_dim3A_373 = vector.broadcast %jit3A_371 : i32 to vector<16xi32>
      %broadcast_in_dim3A_374 = vector.broadcast %jit3A_372 : i32 to vector<16xi32>
      %select_n3A_375 = arith.select %eq3A_370, %broadcast_in_dim3A_373, %broadcast_in_dim3A_374 : vector<16xi1>, vector<16xi32>
      %add3A_376 = arith.addi %add3A_356, %select_n3A_375 : vector<16xi32>
      %reduce_sum3A = arith.constant true
      %reduce_sum3A_377 = vector.broadcast %reduce_sum3A : i1 to vector<16xi1>
      %reduce_sum3A_378 = tpu.scan <sum>, %add3A_376 masked %reduce_sum3A_377 : vector<16xi32>, vector<16xi1> -> vector<16xi32>
      %reduce_sum3A_379 = vector.extract %reduce_sum3A_378[15] : i32 from vector<16xi32>
      %gt3A = arith.constant 0 : i32
      %gt3A_380 = arith.cmpi sgt, %reduce_sum3A_379, %gt3A : i32
      %dma_start3A_381 = arith.constant 0 : i32
      %dma_start3A_382 = arith.constant 0 : i32
      %dma_start3A_383 = tpu.memref_slice %arg13[%dma_start3A_381, %dma_start3A_382] : memref<2x128xi32, #tpu.memory_space<vmem>> -> memref<1x128xi32, #tpu.memory_space<vmem>>
      %dma_start3A_384 = tpu.memref_squeeze %dma_start3A_383 : memref<1x128xi32, #tpu.memory_space<vmem>> -> memref<128xi32, #tpu.memory_space<vmem>>
      %dma_start3A_385 = arith.constant 0 : i32
      %dma_start3A_386 = arith.constant 0 : i32
      %dma_start3A_387 = tpu.memref_slice %arg2[%dma_start3A_385, %dma_start3A_386] : memref<524288x128xf32, #tpu.memory_space<hbm>> -> memref<524288x128xf32, #tpu.memory_space<hbm>>
      tpu.enqueue_indirect_dma source(%dma_start3A_387 : memref<524288x128xf32, #tpu.memory_space<hbm>>) target(%arg14 : memref<128x128xf32, #tpu.memory_space<vmem>>) offsets(%dma_start3A_384 : memref<128xi32, #tpu.memory_space<vmem>>) semaphore(%arg29 : memref<!tpu.dma_semaphore, #tpu.memory_space<semaphore_mem>>)
      %dma_start3A_388 = arith.constant 0 : i32
      %dma_start3A_389 = arith.constant 0 : i32
      %dma_start3A_390 = tpu.memref_slice %arg13[%dma_start3A_388, %dma_start3A_389] : memref<2x128xi32, #tpu.memory_space<vmem>> -> memref<1x128xi32, #tpu.memory_space<vmem>>
      %dma_start3A_391 = tpu.memref_squeeze %dma_start3A_390 : memref<1x128xi32, #tpu.memory_space<vmem>> -> memref<128xi32, #tpu.memory_space<vmem>>
      %dma_start3A_392 = arith.constant 0 : i32
      %dma_start3A_393 = arith.constant 0 : i32
      %dma_start3A_394 = tpu.memref_slice %arg5[%dma_start3A_392, %dma_start3A_393] : memref<524288x128xf32, #tpu.memory_space<hbm>> -> memref<524288x128xf32, #tpu.memory_space<hbm>>
      tpu.enqueue_indirect_dma source(%dma_start3A_394 : memref<524288x128xf32, #tpu.memory_space<hbm>>) target(%arg15 : memref<128x128xf32, #tpu.memory_space<vmem>>) offsets(%dma_start3A_391 : memref<128xi32, #tpu.memory_space<vmem>>) semaphore(%arg29 : memref<!tpu.dma_semaphore, #tpu.memory_space<semaphore_mem>>)
      %dma_start3A_395 = arith.constant 1 : i32
      %dma_start3A_396 = arith.constant 0 : i32
      %dma_start3A_397 = tpu.memref_slice %arg13[%dma_start3A_395, %dma_start3A_396] : memref<2x128xi32, #tpu.memory_space<vmem>> -> memref<1x128xi32, #tpu.memory_space<vmem>>
      %dma_start3A_398 = tpu.memref_squeeze %dma_start3A_397 : memref<1x128xi32, #tpu.memory_space<vmem>> -> memref<128xi32, #tpu.memory_space<vmem>>
      %dma_start3A_399 = arith.constant 0 : i32
      %dma_start3A_400 = arith.constant 0 : i32
      %dma_start3A_401 = tpu.memref_slice %arg2[%dma_start3A_399, %dma_start3A_400] : memref<524288x128xf32, #tpu.memory_space<hbm>> -> memref<524288x128xf32, #tpu.memory_space<hbm>>
      tpu.enqueue_indirect_dma source(%dma_start3A_401 : memref<524288x128xf32, #tpu.memory_space<hbm>>) target(%arg16 : memref<128x128xf32, #tpu.memory_space<vmem>>) offsets(%dma_start3A_398 : memref<128xi32, #tpu.memory_space<vmem>>) semaphore(%arg30 : memref<!tpu.dma_semaphore, #tpu.memory_space<semaphore_mem>>)
      %dma_start3A_402 = arith.constant 1 : i32
      %dma_start3A_403 = arith.constant 0 : i32
      %dma_start3A_404 = tpu.memref_slice %arg13[%dma_start3A_402, %dma_start3A_403] : memref<2x128xi32, #tpu.memory_space<vmem>> -> memref<1x128xi32, #tpu.memory_space<vmem>>
      %dma_start3A_405 = tpu.memref_squeeze %dma_start3A_404 : memref<1x128xi32, #tpu.memory_space<vmem>> -> memref<128xi32, #tpu.memory_space<vmem>>
      %dma_start3A_406 = arith.constant 0 : i32
      %dma_start3A_407 = arith.constant 0 : i32
      %dma_start3A_408 = tpu.memref_slice %arg5[%dma_start3A_406, %dma_start3A_407] : memref<524288x128xf32, #tpu.memory_space<hbm>> -> memref<524288x128xf32, #tpu.memory_space<hbm>>
      tpu.enqueue_indirect_dma source(%dma_start3A_408 : memref<524288x128xf32, #tpu.memory_space<hbm>>) target(%arg17 : memref<128x128xf32, #tpu.memory_space<vmem>>) offsets(%dma_start3A_405 : memref<128xi32, #tpu.memory_space<vmem>>) semaphore(%arg30 : memref<!tpu.dma_semaphore, #tpu.memory_space<semaphore_mem>>)
      %dma_wait3A_409 = arith.constant 0 : i32
      %dma_wait3A_410 = tpu.memref_slice %arg6[%add3A_18, %dma_wait3A_409] : memref<1024x64xf32, #tpu.memory_space<hbm>> -> memref<1x64xf32, #tpu.memory_space<hbm>>
      %dma_wait3A_411 = tpu.memref_squeeze %dma_wait3A_410 : memref<1x64xf32, #tpu.memory_space<hbm>> -> memref<64xf32, #tpu.memory_space<hbm>>
      %dma_wait3A_412 = arith.constant 0 : i32
      %dma_wait3A_413 = tpu.memref_slice %arg6[%add3A_18, %dma_wait3A_412] : memref<1024x64xf32, #tpu.memory_space<hbm>> -> memref<1x64xf32, #tpu.memory_space<hbm>>
      %dma_wait3A_414 = tpu.memref_squeeze %dma_wait3A_413 : memref<1x64xf32, #tpu.memory_space<hbm>> -> memref<64xf32, #tpu.memory_space<hbm>>
      tpu.wait_dma2 semaphore(%arg27 : memref<!tpu.dma_semaphore, #tpu.memory_space<semaphore_mem>>) src(%dma_wait3A_414 : memref<64xf32, #tpu.memory_space<hbm>>) dst(%arg23 : memref<64xf32, #tpu.memory_space<vmem>>)
      %dma_wait3A_415 = arith.constant 0 : i32
      %dma_wait3A_416 = tpu.memref_slice %arg7[%add3A_18, %dma_wait3A_415] : memref<1024x16xf32, #tpu.memory_space<hbm>> -> memref<1x16xf32, #tpu.memory_space<hbm>>
      %dma_wait3A_417 = tpu.memref_squeeze %dma_wait3A_416 : memref<1x16xf32, #tpu.memory_space<hbm>> -> memref<16xf32, #tpu.memory_space<hbm>>
      %dma_wait3A_418 = arith.constant 0 : i32
      %dma_wait3A_419 = tpu.memref_slice %arg7[%add3A_18, %dma_wait3A_418] : memref<1024x16xf32, #tpu.memory_space<hbm>> -> memref<1x16xf32, #tpu.memory_space<hbm>>
      %dma_wait3A_420 = tpu.memref_squeeze %dma_wait3A_419 : memref<1x16xf32, #tpu.memory_space<hbm>> -> memref<16xf32, #tpu.memory_space<hbm>>
      tpu.wait_dma2 semaphore(%arg27 : memref<!tpu.dma_semaphore, #tpu.memory_space<semaphore_mem>>) src(%dma_wait3A_420 : memref<16xf32, #tpu.memory_space<hbm>>) dst(%arg24 : memref<16xf32, #tpu.memory_space<vmem>>)
      %dma_wait3A_421 = arith.constant 0 : i32
      %dma_wait3A_422 = tpu.memref_slice %arg9[%add3A_18, %dma_wait3A_421] : memref<1024x64xf32, #tpu.memory_space<hbm>> -> memref<1x64xf32, #tpu.memory_space<hbm>>
      %dma_wait3A_423 = tpu.memref_squeeze %dma_wait3A_422 : memref<1x64xf32, #tpu.memory_space<hbm>> -> memref<64xf32, #tpu.memory_space<hbm>>
      %dma_wait3A_424 = arith.constant 0 : i32
      %dma_wait3A_425 = tpu.memref_slice %arg9[%add3A_18, %dma_wait3A_424] : memref<1024x64xf32, #tpu.memory_space<hbm>> -> memref<1x64xf32, #tpu.memory_space<hbm>>
      %dma_wait3A_426 = tpu.memref_squeeze %dma_wait3A_425 : memref<1x64xf32, #tpu.memory_space<hbm>> -> memref<64xf32, #tpu.memory_space<hbm>>
      tpu.wait_dma2 semaphore(%arg27 : memref<!tpu.dma_semaphore, #tpu.memory_space<semaphore_mem>>) src(%dma_wait3A_426 : memref<64xf32, #tpu.memory_space<hbm>>) dst(%arg25 : memref<64xf32, #tpu.memory_space<vmem>>)
      %dma_wait3A_427 = arith.constant 0 : i32
      %dma_wait3A_428 = tpu.memref_slice %arg4[%add3A_18, %dma_wait3A_427] : memref<1024x1024xf32, #tpu.memory_space<hbm>> -> memref<1x1024xf32, #tpu.memory_space<hbm>>
      %dma_wait3A_429 = tpu.memref_squeeze %dma_wait3A_428 : memref<1x1024xf32, #tpu.memory_space<hbm>> -> memref<1024xf32, #tpu.memory_space<hbm>>
      %dma_wait3A_430 = arith.constant 0 : i32
      %dma_wait3A_431 = tpu.memref_slice %arg4[%add3A_18, %dma_wait3A_430] : memref<1024x1024xf32, #tpu.memory_space<hbm>> -> memref<1x1024xf32, #tpu.memory_space<hbm>>
      %dma_wait3A_432 = tpu.memref_squeeze %dma_wait3A_431 : memref<1x1024xf32, #tpu.memory_space<hbm>> -> memref<1024xf32, #tpu.memory_space<hbm>>
      tpu.wait_dma2 semaphore(%arg27 : memref<!tpu.dma_semaphore, #tpu.memory_space<semaphore_mem>>) src(%dma_wait3A_432 : memref<1024xf32, #tpu.memory_space<hbm>>) dst(%arg21 : memref<1024xf32, #tpu.memory_space<vmem>>)
      %dma_wait3A_433 = arith.constant 0 : i32
      %dma_wait3A_434 = tpu.memref_slice %arg3[%add3A_18, %dma_wait3A_433] : memref<1024x16384xf32, #tpu.memory_space<hbm>> -> memref<1x16384xf32, #tpu.memory_space<hbm>>
      %dma_wait3A_435 = tpu.memref_squeeze %dma_wait3A_434 : memref<1x16384xf32, #tpu.memory_space<hbm>> -> memref<16384xf32, #tpu.memory_space<hbm>>
      %dma_wait3A_436 = arith.constant 0 : i32
      %dma_wait3A_437 = tpu.memref_slice %arg3[%add3A_18, %dma_wait3A_436] : memref<1024x16384xf32, #tpu.memory_space<hbm>> -> memref<1x16384xf32, #tpu.memory_space<hbm>>
      %dma_wait3A_438 = tpu.memref_squeeze %dma_wait3A_437 : memref<1x16384xf32, #tpu.memory_space<hbm>> -> memref<16384xf32, #tpu.memory_space<hbm>>
      tpu.wait_dma2 semaphore(%arg28 : memref<!tpu.dma_semaphore, #tpu.memory_space<semaphore_mem>>) src(%dma_wait3A_438 : memref<16384xf32, #tpu.memory_space<hbm>>) dst(%arg18 : memref<16384xf32, #tpu.memory_space<vmem>>)
      %broadcast_in_dim3A_439 = arith.constant 1 : i32
      %broadcast_in_dim3A_440 = vector.broadcast %broadcast_in_dim3A_439 : i32 to vector<16xi32>
      %mul3A_441 = vector.broadcast %add3A_18 : i32 to vector<16xi32>
      %mul3A_442 = arith.muli %broadcast_in_dim3A_440, %mul3A_441 : vector<16xi32>
      %gather3A = tpu.vector_load_idx %arg22[%mul3A_442] : memref<1024xf32, #tpu.memory_space<vmem>>[vector<16xi32>], vector<16xf32>,
      %gt3A_443 = arith.constant 0 : i32
      %gt3A_444 = arith.cmpi sgt, %scan3A_14, %gt3A_443 : i32
      %convert_element_type3A = arith.extui %gt3A_444 : i1 to i32
      %cond3A = arith.constant 0 : i32
      %cond3A_445 = arith.cmpi ne, %convert_element_type3A, %cond3A : i32
      scf.if %cond3A_445 {
        %dma_wait3A_763 = arith.constant 0 : i32
        %dma_wait3A_764 = tpu.memref_slice %arg11[%dma_wait3A_763] : memref<38010880xf32, #tpu.memory_space<hbm>> -> memref<18560xf32, #tpu.memory_space<hbm>>
        %dma_wait3A_765 = arith.constant 0 : i32
        %dma_wait3A_766 = tpu.memref_slice %arg11[%dma_wait3A_765] : memref<38010880xf32, #tpu.memory_space<hbm>> -> memref<18560xf32, #tpu.memory_space<hbm>>
        tpu.wait_dma2 semaphore(%arg31 : memref<!tpu.dma_semaphore, #tpu.memory_space<semaphore_mem>>) src(%arg19 : memref<18560xf32, #tpu.memory_space<vmem>>) dst(%dma_wait3A_766 : memref<18560xf32, #tpu.memory_space<hbm>>)
      } else {
      }
      %get3A_446 = arith.constant 0 : index
      %get3A_447 = tpu.vector_load %arg12[%get3A_446] {strides = array<i32>} : memref<256xi32, #tpu.memory_space<vmem>>, vector<16xi32>,
      %gather3A_448 = tpu.vector_load_idx %arg21[%get3A_447] : memref<1024xf32, #tpu.memory_space<vmem>>[vector<16xi32>], vector<16xf32>,
      %eq3A_449 = arith.constant 0 : i32
      %eq3A_450 = vector.broadcast %eq3A_449 : i32 to vector<16xi32>
      %eq3A_451 = arith.cmpi eq, %get3A_447, %eq3A_450 : vector<16xi32>
      %select_n3A_452 = arith.select %eq3A_451, %gather3A, %gather3A_448 : vector<16xi1>, vector<16xf32>
      %add3A_453 = arith.constant 0 : i32
      %add3A_454 = vector.broadcast %add3A_453 : i32 to vector<16xi32>
      %add3A_455 = arith.addi %iota3A, %add3A_454 : vector<16xi32>
      %mul3A_456 = arith.constant 145 : i32
      %mul3A_457 = vector.broadcast %mul3A_456 : i32 to vector<16xi32>
      %mul3A_458 = arith.muli %add3A_455, %mul3A_457 : vector<16xi32>
      %add3A_459 = arith.constant 80 : i32
      %add3A_460 = vector.broadcast %add3A_459 : i32 to vector<16xi32>
      %add3A_461 = arith.addi %mul3A_458, %add3A_460 : vector<16xi32>
      tpu.vector_store_idx %arg19[%add3A_461], %select_n3A_452 : memref<18560xf32, #tpu.memory_space<vmem>>[vector<16xi32>], vector<16xf32>,
      %get3A_462 = arith.constant 16 : index
      %get3A_463 = tpu.vector_load %arg12[%get3A_462] {strides = array<i32>} : memref<256xi32, #tpu.memory_space<vmem>>, vector<16xi32>,
      %gather3A_464 = tpu.vector_load_idx %arg21[%get3A_463] : memref<1024xf32, #tpu.memory_space<vmem>>[vector<16xi32>], vector<16xf32>,
      %eq3A_465 = arith.constant 0 : i32
      %eq3A_466 = vector.broadcast %eq3A_465 : i32 to vector<16xi32>
      %eq3A_467 = arith.cmpi eq, %get3A_463, %eq3A_466 : vector<16xi32>
      %select_n3A_468 = arith.select %eq3A_467, %gather3A, %gather3A_464 : vector<16xi1>, vector<16xf32>
      %add3A_469 = arith.constant 16 : i32
      %add3A_470 = vector.broadcast %add3A_469 : i32 to vector<16xi32>
      %add3A_471 = arith.addi %iota3A, %add3A_470 : vector<16xi32>
      %mul3A_472 = arith.constant 145 : i32
      %mul3A_473 = vector.broadcast %mul3A_472 : i32 to vector<16xi32>
      %mul3A_474 = arith.muli %add3A_471, %mul3A_473 : vector<16xi32>
      %add3A_475 = arith.constant 80 : i32
      %add3A_476 = vector.broadcast %add3A_475 : i32 to vector<16xi32>
      %add3A_477 = arith.addi %mul3A_474, %add3A_476 : vector<16xi32>
      tpu.vector_store_idx %arg19[%add3A_477], %select_n3A_468 : memref<18560xf32, #tpu.memory_space<vmem>>[vector<16xi32>], vector<16xf32>,
      %get3A_478 = arith.constant 32 : index
      %get3A_479 = tpu.vector_load %arg12[%get3A_478] {strides = array<i32>} : memref<256xi32, #tpu.memory_space<vmem>>, vector<16xi32>,
      %gather3A_480 = tpu.vector_load_idx %arg21[%get3A_479] : memref<1024xf32, #tpu.memory_space<vmem>>[vector<16xi32>], vector<16xf32>,
      %eq3A_481 = arith.constant 0 : i32
      %eq3A_482 = vector.broadcast %eq3A_481 : i32 to vector<16xi32>
      %eq3A_483 = arith.cmpi eq, %get3A_479, %eq3A_482 : vector<16xi32>
      %select_n3A_484 = arith.select %eq3A_483, %gather3A, %gather3A_480 : vector<16xi1>, vector<16xf32>
      %add3A_485 = arith.constant 32 : i32
      %add3A_486 = vector.broadcast %add3A_485 : i32 to vector<16xi32>
      %add3A_487 = arith.addi %iota3A, %add3A_486 : vector<16xi32>
      %mul3A_488 = arith.constant 145 : i32
      %mul3A_489 = vector.broadcast %mul3A_488 : i32 to vector<16xi32>
      %mul3A_490 = arith.muli %add3A_487, %mul3A_489 : vector<16xi32>
      %add3A_491 = arith.constant 80 : i32
      %add3A_492 = vector.broadcast %add3A_491 : i32 to vector<16xi32>
      %add3A_493 = arith.addi %mul3A_490, %add3A_492 : vector<16xi32>
      tpu.vector_store_idx %arg19[%add3A_493], %select_n3A_484 : memref<18560xf32, #tpu.memory_space<vmem>>[vector<16xi32>], vector<16xf32>,
      %get3A_494 = arith.constant 48 : index
      %get3A_495 = tpu.vector_load %arg12[%get3A_494] {strides = array<i32>} : memref<256xi32, #tpu.memory_space<vmem>>, vector<16xi32>,
      %gather3A_496 = tpu.vector_load_idx %arg21[%get3A_495] : memref<1024xf32, #tpu.memory_space<vmem>>[vector<16xi32>], vector<16xf32>,
      %eq3A_497 = arith.constant 0 : i32
      %eq3A_498 = vector.broadcast %eq3A_497 : i32 to vector<16xi32>
      %eq3A_499 = arith.cmpi eq, %get3A_495, %eq3A_498 : vector<16xi32>
      %select_n3A_500 = arith.select %eq3A_499, %gather3A, %gather3A_496 : vector<16xi1>, vector<16xf32>
      %add3A_501 = arith.constant 48 : i32
      %add3A_502 = vector.broadcast %add3A_501 : i32 to vector<16xi32>
      %add3A_503 = arith.addi %iota3A, %add3A_502 : vector<16xi32>
      %mul3A_504 = arith.constant 145 : i32
      %mul3A_505 = vector.broadcast %mul3A_504 : i32 to vector<16xi32>
      %mul3A_506 = arith.muli %add3A_503, %mul3A_505 : vector<16xi32>
      %add3A_507 = arith.constant 80 : i32
      %add3A_508 = vector.broadcast %add3A_507 : i32 to vector<16xi32>
      %add3A_509 = arith.addi %mul3A_506, %add3A_508 : vector<16xi32>
      tpu.vector_store_idx %arg19[%add3A_509], %select_n3A_500 : memref<18560xf32, #tpu.memory_space<vmem>>[vector<16xi32>], vector<16xf32>,
      %get3A_510 = arith.constant 64 : index
      %get3A_511 = tpu.vector_load %arg12[%get3A_510] {strides = array<i32>} : memref<256xi32, #tpu.memory_space<vmem>>, vector<16xi32>,
      %gather3A_512 = tpu.vector_load_idx %arg21[%get3A_511] : memref<1024xf32, #tpu.memory_space<vmem>>[vector<16xi32>], vector<16xf32>,
      %eq3A_513 = arith.constant 0 : i32
      %eq3A_514 = vector.broadcast %eq3A_513 : i32 to vector<16xi32>
      %eq3A_515 = arith.cmpi eq, %get3A_511, %eq3A_514 : vector<16xi32>
      %select_n3A_516 = arith.select %eq3A_515, %gather3A, %gather3A_512 : vector<16xi1>, vector<16xf32>
      %add3A_517 = arith.constant 64 : i32
      %add3A_518 = vector.broadcast %add3A_517 : i32 to vector<16xi32>
      %add3A_519 = arith.addi %iota3A, %add3A_518 : vector<16xi32>
      %mul3A_520 = arith.constant 145 : i32
      %mul3A_521 = vector.broadcast %mul3A_520 : i32 to vector<16xi32>
      %mul3A_522 = arith.muli %add3A_519, %mul3A_521 : vector<16xi32>
      %add3A_523 = arith.constant 80 : i32
      %add3A_524 = vector.broadcast %add3A_523 : i32 to vector<16xi32>
      %add3A_525 = arith.addi %mul3A_522, %add3A_524 : vector<16xi32>
      tpu.vector_store_idx %arg19[%add3A_525], %select_n3A_516 : memref<18560xf32, #tpu.memory_space<vmem>>[vector<16xi32>], vector<16xf32>,
      %get3A_526 = arith.constant 80 : index
      %get3A_527 = tpu.vector_load %arg12[%get3A_526] {strides = array<i32>} : memref<256xi32, #tpu.memory_space<vmem>>, vector<16xi32>,
      %gather3A_528 = tpu.vector_load_idx %arg21[%get3A_527] : memref<1024xf32, #tpu.memory_space<vmem>>[vector<16xi32>], vector<16xf32>,
      %eq3A_529 = arith.constant 0 : i32
      %eq3A_530 = vector.broadcast %eq3A_529 : i32 to vector<16xi32>
      %eq3A_531 = arith.cmpi eq, %get3A_527, %eq3A_530 : vector<16xi32>
      %select_n3A_532 = arith.select %eq3A_531, %gather3A, %gather3A_528 : vector<16xi1>, vector<16xf32>
      %add3A_533 = arith.constant 80 : i32
      %add3A_534 = vector.broadcast %add3A_533 : i32 to vector<16xi32>
      %add3A_535 = arith.addi %iota3A, %add3A_534 : vector<16xi32>
      %mul3A_536 = arith.constant 145 : i32
      %mul3A_537 = vector.broadcast %mul3A_536 : i32 to vector<16xi32>
      %mul3A_538 = arith.muli %add3A_535, %mul3A_537 : vector<16xi32>
      %add3A_539 = arith.constant 80 : i32
      %add3A_540 = vector.broadcast %add3A_539 : i32 to vector<16xi32>
      %add3A_541 = arith.addi %mul3A_538, %add3A_540 : vector<16xi32>
      tpu.vector_store_idx %arg19[%add3A_541], %select_n3A_532 : memref<18560xf32, #tpu.memory_space<vmem>>[vector<16xi32>], vector<16xf32>,
      %get3A_542 = arith.constant 96 : index
      %get3A_543 = tpu.vector_load %arg12[%get3A_542] {strides = array<i32>} : memref<256xi32, #tpu.memory_space<vmem>>, vector<16xi32>,
      %gather3A_544 = tpu.vector_load_idx %arg21[%get3A_543] : memref<1024xf32, #tpu.memory_space<vmem>>[vector<16xi32>], vector<16xf32>,
      %eq3A_545 = arith.constant 0 : i32
      %eq3A_546 = vector.broadcast %eq3A_545 : i32 to vector<16xi32>
      %eq3A_547 = arith.cmpi eq, %get3A_543, %eq3A_546 : vector<16xi32>
      %select_n3A_548 = arith.select %eq3A_547, %gather3A, %gather3A_544 : vector<16xi1>, vector<16xf32>
      %add3A_549 = arith.constant 96 : i32
      %add3A_550 = vector.broadcast %add3A_549 : i32 to vector<16xi32>
      %add3A_551 = arith.addi %iota3A, %add3A_550 : vector<16xi32>
      %mul3A_552 = arith.constant 145 : i32
      %mul3A_553 = vector.broadcast %mul3A_552 : i32 to vector<16xi32>
      %mul3A_554 = arith.muli %add3A_551, %mul3A_553 : vector<16xi32>
      %add3A_555 = arith.constant 80 : i32
      %add3A_556 = vector.broadcast %add3A_555 : i32 to vector<16xi32>
      %add3A_557 = arith.addi %mul3A_554, %add3A_556 : vector<16xi32>
      tpu.vector_store_idx %arg19[%add3A_557], %select_n3A_548 : memref<18560xf32, #tpu.memory_space<vmem>>[vector<16xi32>], vector<16xf32>,
      %get3A_558 = arith.constant 112 : index
      %get3A_559 = tpu.vector_load %arg12[%get3A_558] {strides = array<i32>} : memref<256xi32, #tpu.memory_space<vmem>>, vector<16xi32>,
      %gather3A_560 = tpu.vector_load_idx %arg21[%get3A_559] : memref<1024xf32, #tpu.memory_space<vmem>>[vector<16xi32>], vector<16xf32>,
      %eq3A_561 = arith.constant 0 : i32
      %eq3A_562 = vector.broadcast %eq3A_561 : i32 to vector<16xi32>
      %eq3A_563 = arith.cmpi eq, %get3A_559, %eq3A_562 : vector<16xi32>
      %select_n3A_564 = arith.select %eq3A_563, %gather3A, %gather3A_560 : vector<16xi1>, vector<16xf32>
      %add3A_565 = arith.constant 112 : i32
      %add3A_566 = vector.broadcast %add3A_565 : i32 to vector<16xi32>
      %add3A_567 = arith.addi %iota3A, %add3A_566 : vector<16xi32>
      %mul3A_568 = arith.constant 145 : i32
      %mul3A_569 = vector.broadcast %mul3A_568 : i32 to vector<16xi32>
      %mul3A_570 = arith.muli %add3A_567, %mul3A_569 : vector<16xi32>
      %add3A_571 = arith.constant 80 : i32
      %add3A_572 = vector.broadcast %add3A_571 : i32 to vector<16xi32>
      %add3A_573 = arith.addi %mul3A_570, %add3A_572 : vector<16xi32>
      tpu.vector_store_idx %arg19[%add3A_573], %select_n3A_564 : memref<18560xf32, #tpu.memory_space<vmem>>[vector<16xi32>], vector<16xf32>,
      %dma_wait3A_574 = arith.constant 0 : i32
      %dma_wait3A_575 = arith.constant 0 : i32
      %dma_wait3A_576 = tpu.memref_slice %arg13[%dma_wait3A_574, %dma_wait3A_575] : memref<2x128xi32, #tpu.memory_space<vmem>> -> memref<1x128xi32, #tpu.memory_space<vmem>>
      %dma_wait3A_577 = tpu.memref_squeeze %dma_wait3A_576 : memref<1x128xi32, #tpu.memory_space<vmem>> -> memref<128xi32, #tpu.memory_space<vmem>>
      %dma_wait3A_578 = arith.constant 0 : i32
      %dma_wait3A_579 = arith.constant 0 : i32
      %dma_wait3A_580 = tpu.memref_slice %arg2[%dma_wait3A_578, %dma_wait3A_579] : memref<524288x128xf32, #tpu.memory_space<hbm>> -> memref<524288x128xf32, #tpu.memory_space<hbm>>
      tpu.wait_indirect_dma semaphore(%arg29 : memref<!tpu.dma_semaphore, #tpu.memory_space<semaphore_mem>>) src(%dma_wait3A_580 : memref<524288x128xf32, #tpu.memory_space<hbm>>) dst(%arg14 : memref<128x128xf32, #tpu.memory_space<vmem>>)
      %dma_wait3A_581 = arith.constant 0 : i32
      %dma_wait3A_582 = arith.constant 0 : i32
      %dma_wait3A_583 = tpu.memref_slice %arg13[%dma_wait3A_581, %dma_wait3A_582] : memref<2x128xi32, #tpu.memory_space<vmem>> -> memref<1x128xi32, #tpu.memory_space<vmem>>
      %dma_wait3A_584 = tpu.memref_squeeze %dma_wait3A_583 : memref<1x128xi32, #tpu.memory_space<vmem>> -> memref<128xi32, #tpu.memory_space<vmem>>
      %dma_wait3A_585 = arith.constant 0 : i32
      %dma_wait3A_586 = arith.constant 0 : i32
      %dma_wait3A_587 = tpu.memref_slice %arg5[%dma_wait3A_585, %dma_wait3A_586] : memref<524288x128xf32, #tpu.memory_space<hbm>> -> memref<524288x128xf32, #tpu.memory_space<hbm>>
      tpu.wait_indirect_dma semaphore(%arg29 : memref<!tpu.dma_semaphore, #tpu.memory_space<semaphore_mem>>) src(%dma_wait3A_587 : memref<524288x128xf32, #tpu.memory_space<hbm>>) dst(%arg15 : memref<128x128xf32, #tpu.memory_space<vmem>>)
      %convert_element_type3A_588 = arith.extui %gt3A_380 : i1 to i32
      %cond3A_589 = arith.constant 0 : i32
      %cond3A_590 = arith.cmpi ne, %convert_element_type3A_588, %cond3A_589 : i32
      scf.if %cond3A_590 {
        %scan3A_763 = arith.constant 0 : i32
        %scan3A_764 = arith.constant 0 : i32
        %scan3A_765 = arith.constant 128 : i32
        %scan3A_766 = arith.addi %scan3A_764, %scan3A_765 : i32
        %scan3A_767 = arith.constant 1 : i32
        %scan3A_768 = scf.for %scan3A_770 = %scan3A_764 to %scan3A_766 step %scan3A_767 iter_args(%scan3A_771 = %scan3A_763) -> (i32)  : i32 {
          %broadcast_in_dim3A_772 = vector.broadcast %scan3A_770 : i32 to vector<16xi32>
          %add3A_773 = arith.constant 0 : i32
          %add3A_774 = vector.broadcast %add3A_773 : i32 to vector<16xi32>
          %add3A_775 = arith.addi %broadcast_in_dim3A_772, %add3A_774 : vector<16xi32>
          %gather3A_776 = tpu.vector_load_idx %arg12[%add3A_775] : memref<256xi32, #tpu.memory_space<vmem>>[vector<16xi32>], vector<16xi32>,
          %and3A = arith.constant 1 : i32
          %and3A_777 = vector.broadcast %and3A : i32 to vector<16xi32>
          %and3A_778 = arith.andi %gather3A_776, %and3A_777 : vector<16xi32>
          %mul3A_779 = arith.constant 64 : i32
          %mul3A_780 = vector.broadcast %mul3A_779 : i32 to vector<16xi32>
          %mul3A_781 = arith.muli %and3A_778, %mul3A_780 : vector<16xi32>
          %mul3A_782 = arith.constant 145 : i32
          %mul3A_783 = arith.muli %scan3A_770, %mul3A_782 : i32
          %eq3A_784 = arith.constant 0 : i32
          %eq3A_785 = vector.broadcast %eq3A_784 : i32 to vector<16xi32>
          %eq3A_786 = arith.cmpi eq, %gather3A_776, %eq3A_785 : vector<16xi32>
          %add3A_787 = arith.constant 0 : i32
          %add3A_788 = vector.broadcast %add3A_787 : i32 to vector<16xi32>
          %add3A_789 = arith.addi %iota3A, %add3A_788 : vector<16xi32>
          %add3A_790 = arith.addi %add3A_789, %mul3A_781 : vector<16xi32>
          %gather3A_791 = tpu.vector_load_idx %arg14[%broadcast_in_dim3A_772, %add3A_790] : memref<128x128xf32, #tpu.memory_space<vmem>>[vector<16xi32>, vector<16xi32>], vector<16xf32>,
          %get3A_792 = arith.constant 0 : index
          %get3A_793 = tpu.vector_load %arg23[%get3A_792] {strides = array<i32>} : memref<64xf32, #tpu.memory_space<vmem>>, vector<16xf32>,
          %select_n3A_794 = arith.select %eq3A_786, %get3A_793, %gather3A_791 : vector<16xi1>, vector<16xf32>
          %add3A_795 = arith.constant 0 : i32
          %add3A_796 = arith.addi %mul3A_783, %add3A_795 : i32
          %add3A_797 = vector.broadcast %add3A_796 : i32 to vector<16xi32>
          %add3A_798 = arith.addi %add3A_789, %add3A_797 : vector<16xi32>
          tpu.vector_store_idx %arg19[%add3A_798], %select_n3A_794 : memref<18560xf32, #tpu.memory_space<vmem>>[vector<16xi32>], vector<16xf32>,
          %add3A_799 = arith.constant 16 : i32
          %add3A_800 = vector.broadcast %add3A_799 : i32 to vector<16xi32>
          %add3A_801 = arith.addi %iota3A, %add3A_800 : vector<16xi32>
          %add3A_802 = arith.addi %add3A_801, %mul3A_781 : vector<16xi32>
          %gather3A_803 = tpu.vector_load_idx %arg14[%broadcast_in_dim3A_772, %add3A_802] : memref<128x128xf32, #tpu.memory_space<vmem>>[vector<16xi32>, vector<16xi32>], vector<16xf32>,
          %get3A_804 = arith.constant 16 : index
          %get3A_805 = tpu.vector_load %arg23[%get3A_804] {strides = array<i32>} : memref<64xf32, #tpu.memory_space<vmem>>, vector<16xf32>,
          %select_n3A_806 = arith.select %eq3A_786, %get3A_805, %gather3A_803 : vector<16xi1>, vector<16xf32>
          %add3A_807 = arith.constant 0 : i32
          %add3A_808 = arith.addi %mul3A_783, %add3A_807 : i32
          %add3A_809 = vector.broadcast %add3A_808 : i32 to vector<16xi32>
          %add3A_810 = arith.addi %add3A_801, %add3A_809 : vector<16xi32>
          tpu.vector_store_idx %arg19[%add3A_810], %select_n3A_806 : memref<18560xf32, #tpu.memory_space<vmem>>[vector<16xi32>], vector<16xf32>,
          %add3A_811 = arith.constant 32 : i32
          %add3A_812 = vector.broadcast %add3A_811 : i32 to vector<16xi32>
          %add3A_813 = arith.addi %iota3A, %add3A_812 : vector<16xi32>
          %add3A_814 = arith.addi %add3A_813, %mul3A_781 : vector<16xi32>
          %gather3A_815 = tpu.vector_load_idx %arg14[%broadcast_in_dim3A_772, %add3A_814] : memref<128x128xf32, #tpu.memory_space<vmem>>[vector<16xi32>, vector<16xi32>], vector<16xf32>,
          %get3A_816 = arith.constant 32 : index
          %get3A_817 = tpu.vector_load %arg23[%get3A_816] {strides = array<i32>} : memref<64xf32, #tpu.memory_space<vmem>>, vector<16xf32>,
          %select_n3A_818 = arith.select %eq3A_786, %get3A_817, %gather3A_815 : vector<16xi1>, vector<16xf32>
          %add3A_819 = arith.constant 0 : i32
          %add3A_820 = arith.addi %mul3A_783, %add3A_819 : i32
          %add3A_821 = vector.broadcast %add3A_820 : i32 to vector<16xi32>
          %add3A_822 = arith.addi %add3A_813, %add3A_821 : vector<16xi32>
          tpu.vector_store_idx %arg19[%add3A_822], %select_n3A_818 : memref<18560xf32, #tpu.memory_space<vmem>>[vector<16xi32>], vector<16xf32>,
          %add3A_823 = arith.constant 48 : i32
          %add3A_824 = vector.broadcast %add3A_823 : i32 to vector<16xi32>
          %add3A_825 = arith.addi %iota3A, %add3A_824 : vector<16xi32>
          %add3A_826 = arith.addi %add3A_825, %mul3A_781 : vector<16xi32>
          %gather3A_827 = tpu.vector_load_idx %arg14[%broadcast_in_dim3A_772, %add3A_826] : memref<128x128xf32, #tpu.memory_space<vmem>>[vector<16xi32>, vector<16xi32>], vector<16xf32>,
          %get3A_828 = arith.constant 48 : index
          %get3A_829 = tpu.vector_load %arg23[%get3A_828] {strides = array<i32>} : memref<64xf32, #tpu.memory_space<vmem>>, vector<16xf32>,
          %select_n3A_830 = arith.select %eq3A_786, %get3A_829, %gather3A_827 : vector<16xi1>, vector<16xf32>
          %add3A_831 = arith.constant 0 : i32
          %add3A_832 = arith.addi %mul3A_783, %add3A_831 : i32
          %add3A_833 = vector.broadcast %add3A_832 : i32 to vector<16xi32>
          %add3A_834 = arith.addi %add3A_825, %add3A_833 : vector<16xi32>
          tpu.vector_store_idx %arg19[%add3A_834], %select_n3A_830 : memref<18560xf32, #tpu.memory_space<vmem>>[vector<16xi32>], vector<16xf32>,
          %add3A_835 = arith.constant 0 : i32
          %add3A_836 = vector.broadcast %add3A_835 : i32 to vector<16xi32>
          %add3A_837 = arith.addi %iota3A, %add3A_836 : vector<16xi32>
          %add3A_838 = arith.addi %add3A_837, %mul3A_781 : vector<16xi32>
          %gather3A_839 = tpu.vector_load_idx %arg15[%broadcast_in_dim3A_772, %add3A_838] : memref<128x128xf32, #tpu.memory_space<vmem>>[vector<16xi32>, vector<16xi32>], vector<16xf32>,
          %get3A_840 = arith.constant 0 : index
          %get3A_841 = tpu.vector_load %arg25[%get3A_840] {strides = array<i32>} : memref<64xf32, #tpu.memory_space<vmem>>, vector<16xf32>,
          %select_n3A_842 = arith.select %eq3A_786, %get3A_841, %gather3A_839 : vector<16xi1>, vector<16xf32>
          %add3A_843 = arith.constant 81 : i32
          %add3A_844 = arith.addi %mul3A_783, %add3A_843 : i32
          %add3A_845 = vector.broadcast %add3A_844 : i32 to vector<16xi32>
          %add3A_846 = arith.addi %add3A_837, %add3A_845 : vector<16xi32>
          tpu.vector_store_idx %arg19[%add3A_846], %select_n3A_842 : memref<18560xf32, #tpu.memory_space<vmem>>[vector<16xi32>], vector<16xf32>,
          %add3A_847 = arith.constant 16 : i32
          %add3A_848 = vector.broadcast %add3A_847 : i32 to vector<16xi32>
          %add3A_849 = arith.addi %iota3A, %add3A_848 : vector<16xi32>
          %add3A_850 = arith.addi %add3A_849, %mul3A_781 : vector<16xi32>
          %gather3A_851 = tpu.vector_load_idx %arg15[%broadcast_in_dim3A_772, %add3A_850] : memref<128x128xf32, #tpu.memory_space<vmem>>[vector<16xi32>, vector<16xi32>], vector<16xf32>,
          %get3A_852 = arith.constant 16 : index
          %get3A_853 = tpu.vector_load %arg25[%get3A_852] {strides = array<i32>} : memref<64xf32, #tpu.memory_space<vmem>>, vector<16xf32>,
          %select_n3A_854 = arith.select %eq3A_786, %get3A_853, %gather3A_851 : vector<16xi1>, vector<16xf32>
          %add3A_855 = arith.constant 81 : i32
          %add3A_856 = arith.addi %mul3A_783, %add3A_855 : i32
          %add3A_857 = vector.broadcast %add3A_856 : i32 to vector<16xi32>
          %add3A_858 = arith.addi %add3A_849, %add3A_857 : vector<16xi32>
          tpu.vector_store_idx %arg19[%add3A_858], %select_n3A_854 : memref<18560xf32, #tpu.memory_space<vmem>>[vector<16xi32>], vector<16xf32>,
          %add3A_859 = arith.constant 32 : i32
          %add3A_860 = vector.broadcast %add3A_859 : i32 to vector<16xi32>
          %add3A_861 = arith.addi %iota3A, %add3A_860 : vector<16xi32>
          %add3A_862 = arith.addi %add3A_861, %mul3A_781 : vector<16xi32>
          %gather3A_863 = tpu.vector_load_idx %arg15[%broadcast_in_dim3A_772, %add3A_862] : memref<128x128xf32, #tpu.memory_space<vmem>>[vector<16xi32>, vector<16xi32>], vector<16xf32>,
          %get3A_864 = arith.constant 32 : index
          %get3A_865 = tpu.vector_load %arg25[%get3A_864] {strides = array<i32>} : memref<64xf32, #tpu.memory_space<vmem>>, vector<16xf32>,
          %select_n3A_866 = arith.select %eq3A_786, %get3A_865, %gather3A_863 : vector<16xi1>, vector<16xf32>
          %add3A_867 = arith.constant 81 : i32
          %add3A_868 = arith.addi %mul3A_783, %add3A_867 : i32
          %add3A_869 = vector.broadcast %add3A_868 : i32 to vector<16xi32>
          %add3A_870 = arith.addi %add3A_861, %add3A_869 : vector<16xi32>
          tpu.vector_store_idx %arg19[%add3A_870], %select_n3A_866 : memref<18560xf32, #tpu.memory_space<vmem>>[vector<16xi32>], vector<16xf32>,
          %add3A_871 = arith.constant 48 : i32
          %add3A_872 = vector.broadcast %add3A_871 : i32 to vector<16xi32>
          %add3A_873 = arith.addi %iota3A, %add3A_872 : vector<16xi32>
          %add3A_874 = arith.addi %add3A_873, %mul3A_781 : vector<16xi32>
          %gather3A_875 = tpu.vector_load_idx %arg15[%broadcast_in_dim3A_772, %add3A_874] : memref<128x128xf32, #tpu.memory_space<vmem>>[vector<16xi32>, vector<16xi32>], vector<16xf32>,
          %get3A_876 = arith.constant 48 : index
          %get3A_877 = tpu.vector_load %arg25[%get3A_876] {strides = array<i32>} : memref<64xf32, #tpu.memory_space<vmem>>, vector<16xf32>,
          %select_n3A_878 = arith.select %eq3A_786, %get3A_877, %gather3A_875 : vector<16xi1>, vector<16xf32>
          %add3A_879 = arith.constant 81 : i32
          %add3A_880 = arith.addi %mul3A_783, %add3A_879 : i32
          %add3A_881 = vector.broadcast %add3A_880 : i32 to vector<16xi32>
          %add3A_882 = arith.addi %add3A_873, %add3A_881 : vector<16xi32>
          tpu.vector_store_idx %arg19[%add3A_882], %select_n3A_878 : memref<18560xf32, #tpu.memory_space<vmem>>[vector<16xi32>], vector<16xf32>,
          %mul3A_883 = arith.constant 16 : i32
          %mul3A_884 = vector.broadcast %mul3A_883 : i32 to vector<16xi32>
          %mul3A_885 = arith.muli %gather3A_776, %mul3A_884 : vector<16xi32>
          %add3A_886 = arith.addi %mul3A_885, %iota3A : vector<16xi32>
          %gather3A_887 = tpu.vector_load_idx %arg18[%add3A_886] : memref<16384xf32, #tpu.memory_space<vmem>>[vector<16xi32>], vector<16xf32>,
          %get3A_888 = arith.constant 0 : index
          %get3A_889 = tpu.vector_load %arg24[%get3A_888] {strides = array<i32>} : memref<16xf32, #tpu.memory_space<vmem>>, vector<16xf32>,
          %select_n3A_890 = arith.select %eq3A_786, %get3A_889, %gather3A_887 : vector<16xi1>, vector<16xf32>
          %add3A_891 = arith.constant 64 : i32
          %add3A_892 = arith.addi %mul3A_783, %add3A_891 : i32
          %add3A_893 = vector.broadcast %add3A_892 : i32 to vector<16xi32>
          %add3A_894 = arith.addi %iota3A, %add3A_893 : vector<16xi32>
          tpu.vector_store_idx %arg19[%add3A_894], %select_n3A_890 : memref<18560xf32, #tpu.memory_space<vmem>>[vector<16xi32>], vector<16xf32>,
          %scan3A_895 = arith.constant 0 : i32
          scf.yield %scan3A_895 : i32
        }
        %scan3A_769 = arith.constant 128 : i32
      } else {
      }
      %not3A = arith.constant true
      %not3A_591 = arith.xori %gt3A_380, %not3A : i1
      %convert_element_type3A_592 = arith.extui %not3A_591 : i1 to i32
      %cond3A_593 = arith.constant 0 : i32
      %cond3A_594 = arith.cmpi ne, %convert_element_type3A_592, %cond3A_593 : i32
      scf.if %cond3A_594 {
        %scan3A_763 = arith.constant 0 : i32
        %scan3A_764 = arith.constant 0 : i32
        %scan3A_765 = arith.constant 128 : i32
        %scan3A_766 = arith.addi %scan3A_764, %scan3A_765 : i32
        %scan3A_767 = arith.constant 1 : i32
        %scan3A_768 = scf.for %scan3A_770 = %scan3A_764 to %scan3A_766 step %scan3A_767 iter_args(%scan3A_771 = %scan3A_763) -> (i32)  : i32 {
          %broadcast_in_dim3A_772 = vector.broadcast %scan3A_770 : i32 to vector<16xi32>
          %add3A_773 = arith.constant 0 : i32
          %add3A_774 = vector.broadcast %add3A_773 : i32 to vector<16xi32>
          %add3A_775 = arith.addi %broadcast_in_dim3A_772, %add3A_774 : vector<16xi32>
          %gather3A_776 = tpu.vector_load_idx %arg12[%add3A_775] : memref<256xi32, #tpu.memory_space<vmem>>[vector<16xi32>], vector<16xi32>,
          %and3A = arith.constant 1 : i32
          %and3A_777 = vector.broadcast %and3A : i32 to vector<16xi32>
          %and3A_778 = arith.andi %gather3A_776, %and3A_777 : vector<16xi32>
          %mul3A_779 = arith.constant 64 : i32
          %mul3A_780 = vector.broadcast %mul3A_779 : i32 to vector<16xi32>
          %mul3A_781 = arith.muli %and3A_778, %mul3A_780 : vector<16xi32>
          %mul3A_782 = arith.constant 145 : i32
          %mul3A_783 = arith.muli %scan3A_770, %mul3A_782 : i32
          %eq3A_784 = arith.constant 0 : i32
          %eq3A_785 = vector.broadcast %eq3A_784 : i32 to vector<16xi32>
          %eq3A_786 = arith.cmpi eq, %gather3A_776, %eq3A_785 : vector<16xi32>
          %add3A_787 = arith.constant 0 : i32
          %add3A_788 = vector.broadcast %add3A_787 : i32 to vector<16xi32>
          %add3A_789 = arith.addi %iota3A, %add3A_788 : vector<16xi32>
          %add3A_790 = arith.addi %add3A_789, %mul3A_781 : vector<16xi32>
          %gather3A_791 = tpu.vector_load_idx %arg14[%broadcast_in_dim3A_772, %add3A_790] : memref<128x128xf32, #tpu.memory_space<vmem>>[vector<16xi32>, vector<16xi32>], vector<16xf32>,
          %add3A_792 = arith.constant 0 : i32
          %add3A_793 = arith.addi %mul3A_783, %add3A_792 : i32
          %add3A_794 = vector.broadcast %add3A_793 : i32 to vector<16xi32>
          %add3A_795 = arith.addi %add3A_789, %add3A_794 : vector<16xi32>
          tpu.vector_store_idx %arg19[%add3A_795], %gather3A_791 : memref<18560xf32, #tpu.memory_space<vmem>>[vector<16xi32>], vector<16xf32>,
          %add3A_796 = arith.constant 16 : i32
          %add3A_797 = vector.broadcast %add3A_796 : i32 to vector<16xi32>
          %add3A_798 = arith.addi %iota3A, %add3A_797 : vector<16xi32>
          %add3A_799 = arith.addi %add3A_798, %mul3A_781 : vector<16xi32>
          %gather3A_800 = tpu.vector_load_idx %arg14[%broadcast_in_dim3A_772, %add3A_799] : memref<128x128xf32, #tpu.memory_space<vmem>>[vector<16xi32>, vector<16xi32>], vector<16xf32>,
          %add3A_801 = arith.constant 0 : i32
          %add3A_802 = arith.addi %mul3A_783, %add3A_801 : i32
          %add3A_803 = vector.broadcast %add3A_802 : i32 to vector<16xi32>
          %add3A_804 = arith.addi %add3A_798, %add3A_803 : vector<16xi32>
          tpu.vector_store_idx %arg19[%add3A_804], %gather3A_800 : memref<18560xf32, #tpu.memory_space<vmem>>[vector<16xi32>], vector<16xf32>,
          %add3A_805 = arith.constant 32 : i32
          %add3A_806 = vector.broadcast %add3A_805 : i32 to vector<16xi32>
          %add3A_807 = arith.addi %iota3A, %add3A_806 : vector<16xi32>
          %add3A_808 = arith.addi %add3A_807, %mul3A_781 : vector<16xi32>
          %gather3A_809 = tpu.vector_load_idx %arg14[%broadcast_in_dim3A_772, %add3A_808] : memref<128x128xf32, #tpu.memory_space<vmem>>[vector<16xi32>, vector<16xi32>], vector<16xf32>,
          %add3A_810 = arith.constant 0 : i32
          %add3A_811 = arith.addi %mul3A_783, %add3A_810 : i32
          %add3A_812 = vector.broadcast %add3A_811 : i32 to vector<16xi32>
          %add3A_813 = arith.addi %add3A_807, %add3A_812 : vector<16xi32>
          tpu.vector_store_idx %arg19[%add3A_813], %gather3A_809 : memref<18560xf32, #tpu.memory_space<vmem>>[vector<16xi32>], vector<16xf32>,
          %add3A_814 = arith.constant 48 : i32
          %add3A_815 = vector.broadcast %add3A_814 : i32 to vector<16xi32>
          %add3A_816 = arith.addi %iota3A, %add3A_815 : vector<16xi32>
          %add3A_817 = arith.addi %add3A_816, %mul3A_781 : vector<16xi32>
          %gather3A_818 = tpu.vector_load_idx %arg14[%broadcast_in_dim3A_772, %add3A_817] : memref<128x128xf32, #tpu.memory_space<vmem>>[vector<16xi32>, vector<16xi32>], vector<16xf32>,
          %add3A_819 = arith.constant 0 : i32
          %add3A_820 = arith.addi %mul3A_783, %add3A_819 : i32
          %add3A_821 = vector.broadcast %add3A_820 : i32 to vector<16xi32>
          %add3A_822 = arith.addi %add3A_816, %add3A_821 : vector<16xi32>
          tpu.vector_store_idx %arg19[%add3A_822], %gather3A_818 : memref<18560xf32, #tpu.memory_space<vmem>>[vector<16xi32>], vector<16xf32>,
          %add3A_823 = arith.constant 0 : i32
          %add3A_824 = vector.broadcast %add3A_823 : i32 to vector<16xi32>
          %add3A_825 = arith.addi %iota3A, %add3A_824 : vector<16xi32>
          %add3A_826 = arith.addi %add3A_825, %mul3A_781 : vector<16xi32>
          %gather3A_827 = tpu.vector_load_idx %arg15[%broadcast_in_dim3A_772, %add3A_826] : memref<128x128xf32, #tpu.memory_space<vmem>>[vector<16xi32>, vector<16xi32>], vector<16xf32>,
          %add3A_828 = arith.constant 81 : i32
          %add3A_829 = arith.addi %mul3A_783, %add3A_828 : i32
          %add3A_830 = vector.broadcast %add3A_829 : i32 to vector<16xi32>
          %add3A_831 = arith.addi %add3A_825, %add3A_830 : vector<16xi32>
          tpu.vector_store_idx %arg19[%add3A_831], %gather3A_827 : memref<18560xf32, #tpu.memory_space<vmem>>[vector<16xi32>], vector<16xf32>,
          %add3A_832 = arith.constant 16 : i32
          %add3A_833 = vector.broadcast %add3A_832 : i32 to vector<16xi32>
          %add3A_834 = arith.addi %iota3A, %add3A_833 : vector<16xi32>
          %add3A_835 = arith.addi %add3A_834, %mul3A_781 : vector<16xi32>
          %gather3A_836 = tpu.vector_load_idx %arg15[%broadcast_in_dim3A_772, %add3A_835] : memref<128x128xf32, #tpu.memory_space<vmem>>[vector<16xi32>, vector<16xi32>], vector<16xf32>,
          %add3A_837 = arith.constant 81 : i32
          %add3A_838 = arith.addi %mul3A_783, %add3A_837 : i32
          %add3A_839 = vector.broadcast %add3A_838 : i32 to vector<16xi32>
          %add3A_840 = arith.addi %add3A_834, %add3A_839 : vector<16xi32>
          tpu.vector_store_idx %arg19[%add3A_840], %gather3A_836 : memref<18560xf32, #tpu.memory_space<vmem>>[vector<16xi32>], vector<16xf32>,
          %add3A_841 = arith.constant 32 : i32
          %add3A_842 = vector.broadcast %add3A_841 : i32 to vector<16xi32>
          %add3A_843 = arith.addi %iota3A, %add3A_842 : vector<16xi32>
          %add3A_844 = arith.addi %add3A_843, %mul3A_781 : vector<16xi32>
          %gather3A_845 = tpu.vector_load_idx %arg15[%broadcast_in_dim3A_772, %add3A_844] : memref<128x128xf32, #tpu.memory_space<vmem>>[vector<16xi32>, vector<16xi32>], vector<16xf32>,
          %add3A_846 = arith.constant 81 : i32
          %add3A_847 = arith.addi %mul3A_783, %add3A_846 : i32
          %add3A_848 = vector.broadcast %add3A_847 : i32 to vector<16xi32>
          %add3A_849 = arith.addi %add3A_843, %add3A_848 : vector<16xi32>
          tpu.vector_store_idx %arg19[%add3A_849], %gather3A_845 : memref<18560xf32, #tpu.memory_space<vmem>>[vector<16xi32>], vector<16xf32>,
          %add3A_850 = arith.constant 48 : i32
          %add3A_851 = vector.broadcast %add3A_850 : i32 to vector<16xi32>
          %add3A_852 = arith.addi %iota3A, %add3A_851 : vector<16xi32>
          %add3A_853 = arith.addi %add3A_852, %mul3A_781 : vector<16xi32>
          %gather3A_854 = tpu.vector_load_idx %arg15[%broadcast_in_dim3A_772, %add3A_853] : memref<128x128xf32, #tpu.memory_space<vmem>>[vector<16xi32>, vector<16xi32>], vector<16xf32>,
          %add3A_855 = arith.constant 81 : i32
          %add3A_856 = arith.addi %mul3A_783, %add3A_855 : i32
          %add3A_857 = vector.broadcast %add3A_856 : i32 to vector<16xi32>
          %add3A_858 = arith.addi %add3A_852, %add3A_857 : vector<16xi32>
          tpu.vector_store_idx %arg19[%add3A_858], %gather3A_854 : memref<18560xf32, #tpu.memory_space<vmem>>[vector<16xi32>], vector<16xf32>,
          %mul3A_859 = arith.constant 16 : i32
          %mul3A_860 = vector.broadcast %mul3A_859 : i32 to vector<16xi32>
          %mul3A_861 = arith.muli %gather3A_776, %mul3A_860 : vector<16xi32>
          %add3A_862 = arith.addi %mul3A_861, %iota3A : vector<16xi32>
          %gather3A_863 = tpu.vector_load_idx %arg18[%add3A_862] : memref<16384xf32, #tpu.memory_space<vmem>>[vector<16xi32>], vector<16xf32>,
          %add3A_864 = arith.constant 64 : i32
          %add3A_865 = arith.addi %mul3A_783, %add3A_864 : i32
          %add3A_866 = vector.broadcast %add3A_865 : i32 to vector<16xi32>
          %add3A_867 = arith.addi %iota3A, %add3A_866 : vector<16xi32>
          tpu.vector_store_idx %arg19[%add3A_867], %gather3A_863 : memref<18560xf32, #tpu.memory_space<vmem>>[vector<16xi32>], vector<16xf32>,
          %scan3A_868 = arith.constant 0 : i32
          scf.yield %scan3A_868 : i32
        }
        %scan3A_769 = arith.constant 128 : i32
      } else {
      }
      %mul3A_595 = arith.constant 37120 : i32
      %mul3A_596 = arith.muli %add3A_18, %mul3A_595 : i32
      %add3A_597 = arith.constant 0 : i32
      %add3A_598 = arith.addi %mul3A_596, %add3A_597 : i32
      %dma_start3A_599 = tpu.memref_slice %arg11[%add3A_598] : memref<38010880xf32, #tpu.memory_space<hbm>> -> memref<18560xf32, #tpu.memory_space<hbm>>
      %dma_start3A_600 = tpu.memref_slice %arg11[%add3A_598] : memref<38010880xf32, #tpu.memory_space<hbm>> -> memref<18560xf32, #tpu.memory_space<hbm>>
      tpu.enqueue_dma source(%arg19 : memref<18560xf32, #tpu.memory_space<vmem>>) target(%dma_start3A_600 : memref<18560xf32, #tpu.memory_space<hbm>>) target_semaphore(%arg31 : memref<!tpu.dma_semaphore, #tpu.memory_space<semaphore_mem>>)
      %gt3A_601 = arith.constant 0 : i32
      %gt3A_602 = arith.cmpi sgt, %scan3A_14, %gt3A_601 : i32
      %convert_element_type3A_603 = arith.extui %gt3A_602 : i1 to i32
      %cond3A_604 = arith.constant 0 : i32
      %cond3A_605 = arith.cmpi ne, %convert_element_type3A_603, %cond3A_604 : i32
      scf.if %cond3A_605 {
        %dma_wait3A_763 = arith.constant 0 : i32
        %dma_wait3A_764 = tpu.memref_slice %arg11[%dma_wait3A_763] : memref<38010880xf32, #tpu.memory_space<hbm>> -> memref<18560xf32, #tpu.memory_space<hbm>>
        %dma_wait3A_765 = arith.constant 0 : i32
        %dma_wait3A_766 = tpu.memref_slice %arg11[%dma_wait3A_765] : memref<38010880xf32, #tpu.memory_space<hbm>> -> memref<18560xf32, #tpu.memory_space<hbm>>
        tpu.wait_dma2 semaphore(%arg31 : memref<!tpu.dma_semaphore, #tpu.memory_space<semaphore_mem>>) src(%arg20 : memref<18560xf32, #tpu.memory_space<vmem>>) dst(%dma_wait3A_766 : memref<18560xf32, #tpu.memory_space<hbm>>)
      } else {
      }
      %get3A_606 = arith.constant 128 : index
      %get3A_607 = tpu.vector_load %arg12[%get3A_606] {strides = array<i32>} : memref<256xi32, #tpu.memory_space<vmem>>, vector<16xi32>,
      %gather3A_608 = tpu.vector_load_idx %arg21[%get3A_607] : memref<1024xf32, #tpu.memory_space<vmem>>[vector<16xi32>], vector<16xf32>,
      %eq3A_609 = arith.constant 0 : i32
      %eq3A_610 = vector.broadcast %eq3A_609 : i32 to vector<16xi32>
      %eq3A_611 = arith.cmpi eq, %get3A_607, %eq3A_610 : vector<16xi32>
      %select_n3A_612 = arith.select %eq3A_611, %gather3A, %gather3A_608 : vector<16xi1>, vector<16xf32>
      %add3A_613 = arith.constant 0 : i32
      %add3A_614 = vector.broadcast %add3A_613 : i32 to vector<16xi32>
      %add3A_615 = arith.addi %iota3A, %add3A_614 : vector<16xi32>
      %mul3A_616 = arith.constant 145 : i32
      %mul3A_617 = vector.broadcast %mul3A_616 : i32 to vector<16xi32>
      %mul3A_618 = arith.muli %add3A_615, %mul3A_617 : vector<16xi32>
      %add3A_619 = arith.constant 80 : i32
      %add3A_620 = vector.broadcast %add3A_619 : i32 to vector<16xi32>
      %add3A_621 = arith.addi %mul3A_618, %add3A_620 : vector<16xi32>
      tpu.vector_store_idx %arg20[%add3A_621], %select_n3A_612 : memref<18560xf32, #tpu.memory_space<vmem>>[vector<16xi32>], vector<16xf32>,
      %get3A_622 = arith.constant 144 : index
      %get3A_623 = tpu.vector_load %arg12[%get3A_622] {strides = array<i32>} : memref<256xi32, #tpu.memory_space<vmem>>, vector<16xi32>,
      %gather3A_624 = tpu.vector_load_idx %arg21[%get3A_623] : memref<1024xf32, #tpu.memory_space<vmem>>[vector<16xi32>], vector<16xf32>,
      %eq3A_625 = arith.constant 0 : i32
      %eq3A_626 = vector.broadcast %eq3A_625 : i32 to vector<16xi32>
      %eq3A_627 = arith.cmpi eq, %get3A_623, %eq3A_626 : vector<16xi32>
      %select_n3A_628 = arith.select %eq3A_627, %gather3A, %gather3A_624 : vector<16xi1>, vector<16xf32>
      %add3A_629 = arith.constant 16 : i32
      %add3A_630 = vector.broadcast %add3A_629 : i32 to vector<16xi32>
      %add3A_631 = arith.addi %iota3A, %add3A_630 : vector<16xi32>
      %mul3A_632 = arith.constant 145 : i32
      %mul3A_633 = vector.broadcast %mul3A_632 : i32 to vector<16xi32>
      %mul3A_634 = arith.muli %add3A_631, %mul3A_633 : vector<16xi32>
      %add3A_635 = arith.constant 80 : i32
      %add3A_636 = vector.broadcast %add3A_635 : i32 to vector<16xi32>
      %add3A_637 = arith.addi %mul3A_634, %add3A_636 : vector<16xi32>
      tpu.vector_store_idx %arg20[%add3A_637], %select_n3A_628 : memref<18560xf32, #tpu.memory_space<vmem>>[vector<16xi32>], vector<16xf32>,
      %get3A_638 = arith.constant 160 : index
      %get3A_639 = tpu.vector_load %arg12[%get3A_638] {strides = array<i32>} : memref<256xi32, #tpu.memory_space<vmem>>, vector<16xi32>,
      %gather3A_640 = tpu.vector_load_idx %arg21[%get3A_639] : memref<1024xf32, #tpu.memory_space<vmem>>[vector<16xi32>], vector<16xf32>,
      %eq3A_641 = arith.constant 0 : i32
      %eq3A_642 = vector.broadcast %eq3A_641 : i32 to vector<16xi32>
      %eq3A_643 = arith.cmpi eq, %get3A_639, %eq3A_642 : vector<16xi32>
      %select_n3A_644 = arith.select %eq3A_643, %gather3A, %gather3A_640 : vector<16xi1>, vector<16xf32>
      %add3A_645 = arith.constant 32 : i32
      %add3A_646 = vector.broadcast %add3A_645 : i32 to vector<16xi32>
      %add3A_647 = arith.addi %iota3A, %add3A_646 : vector<16xi32>
      %mul3A_648 = arith.constant 145 : i32
      %mul3A_649 = vector.broadcast %mul3A_648 : i32 to vector<16xi32>
      %mul3A_650 = arith.muli %add3A_647, %mul3A_649 : vector<16xi32>
      %add3A_651 = arith.constant 80 : i32
      %add3A_652 = vector.broadcast %add3A_651 : i32 to vector<16xi32>
      %add3A_653 = arith.addi %mul3A_650, %add3A_652 : vector<16xi32>
      tpu.vector_store_idx %arg20[%add3A_653], %select_n3A_644 : memref<18560xf32, #tpu.memory_space<vmem>>[vector<16xi32>], vector<16xf32>,
      %get3A_654 = arith.constant 176 : index
      %get3A_655 = tpu.vector_load %arg12[%get3A_654] {strides = array<i32>} : memref<256xi32, #tpu.memory_space<vmem>>, vector<16xi32>,
      %gather3A_656 = tpu.vector_load_idx %arg21[%get3A_655] : memref<1024xf32, #tpu.memory_space<vmem>>[vector<16xi32>], vector<16xf32>,
      %eq3A_657 = arith.constant 0 : i32
      %eq3A_658 = vector.broadcast %eq3A_657 : i32 to vector<16xi32>
      %eq3A_659 = arith.cmpi eq, %get3A_655, %eq3A_658 : vector<16xi32>
      %select_n3A_660 = arith.select %eq3A_659, %gather3A, %gather3A_656 : vector<16xi1>, vector<16xf32>
      %add3A_661 = arith.constant 48 : i32
      %add3A_662 = vector.broadcast %add3A_661 : i32 to vector<16xi32>
      %add3A_663 = arith.addi %iota3A, %add3A_662 : vector<16xi32>
      %mul3A_664 = arith.constant 145 : i32
      %mul3A_665 = vector.broadcast %mul3A_664 : i32 to vector<16xi32>
      %mul3A_666 = arith.muli %add3A_663, %mul3A_665 : vector<16xi32>
      %add3A_667 = arith.constant 80 : i32
      %add3A_668 = vector.broadcast %add3A_667 : i32 to vector<16xi32>
      %add3A_669 = arith.addi %mul3A_666, %add3A_668 : vector<16xi32>
      tpu.vector_store_idx %arg20[%add3A_669], %select_n3A_660 : memref<18560xf32, #tpu.memory_space<vmem>>[vector<16xi32>], vector<16xf32>,
      %get3A_670 = arith.constant 192 : index
      %get3A_671 = tpu.vector_load %arg12[%get3A_670] {strides = array<i32>} : memref<256xi32, #tpu.memory_space<vmem>>, vector<16xi32>,
      %gather3A_672 = tpu.vector_load_idx %arg21[%get3A_671] : memref<1024xf32, #tpu.memory_space<vmem>>[vector<16xi32>], vector<16xf32>,
      %eq3A_673 = arith.constant 0 : i32
      %eq3A_674 = vector.broadcast %eq3A_673 : i32 to vector<16xi32>
      %eq3A_675 = arith.cmpi eq, %get3A_671, %eq3A_674 : vector<16xi32>
      %select_n3A_676 = arith.select %eq3A_675, %gather3A, %gather3A_672 : vector<16xi1>, vector<16xf32>
      %add3A_677 = arith.constant 64 : i32
      %add3A_678 = vector.broadcast %add3A_677 : i32 to vector<16xi32>
      %add3A_679 = arith.addi %iota3A, %add3A_678 : vector<16xi32>
      %mul3A_680 = arith.constant 145 : i32
      %mul3A_681 = vector.broadcast %mul3A_680 : i32 to vector<16xi32>
      %mul3A_682 = arith.muli %add3A_679, %mul3A_681 : vector<16xi32>
      %add3A_683 = arith.constant 80 : i32
      %add3A_684 = vector.broadcast %add3A_683 : i32 to vector<16xi32>
      %add3A_685 = arith.addi %mul3A_682, %add3A_684 : vector<16xi32>
      tpu.vector_store_idx %arg20[%add3A_685], %select_n3A_676 : memref<18560xf32, #tpu.memory_space<vmem>>[vector<16xi32>], vector<16xf32>,
      %get3A_686 = arith.constant 208 : index
      %get3A_687 = tpu.vector_load %arg12[%get3A_686] {strides = array<i32>} : memref<256xi32, #tpu.memory_space<vmem>>, vector<16xi32>,
      %gather3A_688 = tpu.vector_load_idx %arg21[%get3A_687] : memref<1024xf32, #tpu.memory_space<vmem>>[vector<16xi32>], vector<16xf32>,
      %eq3A_689 = arith.constant 0 : i32
      %eq3A_690 = vector.broadcast %eq3A_689 : i32 to vector<16xi32>
      %eq3A_691 = arith.cmpi eq, %get3A_687, %eq3A_690 : vector<16xi32>
      %select_n3A_692 = arith.select %eq3A_691, %gather3A, %gather3A_688 : vector<16xi1>, vector<16xf32>
      %add3A_693 = arith.constant 80 : i32
      %add3A_694 = vector.broadcast %add3A_693 : i32 to vector<16xi32>
      %add3A_695 = arith.addi %iota3A, %add3A_694 : vector<16xi32>
      %mul3A_696 = arith.constant 145 : i32
      %mul3A_697 = vector.broadcast %mul3A_696 : i32 to vector<16xi32>
      %mul3A_698 = arith.muli %add3A_695, %mul3A_697 : vector<16xi32>
      %add3A_699 = arith.constant 80 : i32
      %add3A_700 = vector.broadcast %add3A_699 : i32 to vector<16xi32>
      %add3A_701 = arith.addi %mul3A_698, %add3A_700 : vector<16xi32>
      tpu.vector_store_idx %arg20[%add3A_701], %select_n3A_692 : memref<18560xf32, #tpu.memory_space<vmem>>[vector<16xi32>], vector<16xf32>,
      %get3A_702 = arith.constant 224 : index
      %get3A_703 = tpu.vector_load %arg12[%get3A_702] {strides = array<i32>} : memref<256xi32, #tpu.memory_space<vmem>>, vector<16xi32>,
      %gather3A_704 = tpu.vector_load_idx %arg21[%get3A_703] : memref<1024xf32, #tpu.memory_space<vmem>>[vector<16xi32>], vector<16xf32>,
      %eq3A_705 = arith.constant 0 : i32
      %eq3A_706 = vector.broadcast %eq3A_705 : i32 to vector<16xi32>
      %eq3A_707 = arith.cmpi eq, %get3A_703, %eq3A_706 : vector<16xi32>
      %select_n3A_708 = arith.select %eq3A_707, %gather3A, %gather3A_704 : vector<16xi1>, vector<16xf32>
      %add3A_709 = arith.constant 96 : i32
      %add3A_710 = vector.broadcast %add3A_709 : i32 to vector<16xi32>
      %add3A_711 = arith.addi %iota3A, %add3A_710 : vector<16xi32>
      %mul3A_712 = arith.constant 145 : i32
      %mul3A_713 = vector.broadcast %mul3A_712 : i32 to vector<16xi32>
      %mul3A_714 = arith.muli %add3A_711, %mul3A_713 : vector<16xi32>
      %add3A_715 = arith.constant 80 : i32
      %add3A_716 = vector.broadcast %add3A_715 : i32 to vector<16xi32>
      %add3A_717 = arith.addi %mul3A_714, %add3A_716 : vector<16xi32>
      tpu.vector_store_idx %arg20[%add3A_717], %select_n3A_708 : memref<18560xf32, #tpu.memory_space<vmem>>[vector<16xi32>], vector<16xf32>,
      %get3A_718 = arith.constant 240 : index
      %get3A_719 = tpu.vector_load %arg12[%get3A_718] {strides = array<i32>} : memref<256xi32, #tpu.memory_space<vmem>>, vector<16xi32>,
      %gather3A_720 = tpu.vector_load_idx %arg21[%get3A_719] : memref<1024xf32, #tpu.memory_space<vmem>>[vector<16xi32>], vector<16xf32>,
      %eq3A_721 = arith.constant 0 : i32
      %eq3A_722 = vector.broadcast %eq3A_721 : i32 to vector<16xi32>
      %eq3A_723 = arith.cmpi eq, %get3A_719, %eq3A_722 : vector<16xi32>
      %select_n3A_724 = arith.select %eq3A_723, %gather3A, %gather3A_720 : vector<16xi1>, vector<16xf32>
      %add3A_725 = arith.constant 112 : i32
      %add3A_726 = vector.broadcast %add3A_725 : i32 to vector<16xi32>
      %add3A_727 = arith.addi %iota3A, %add3A_726 : vector<16xi32>
      %mul3A_728 = arith.constant 145 : i32
      %mul3A_729 = vector.broadcast %mul3A_728 : i32 to vector<16xi32>
      %mul3A_730 = arith.muli %add3A_727, %mul3A_729 : vector<16xi32>
      %add3A_731 = arith.constant 80 : i32
      %add3A_732 = vector.broadcast %add3A_731 : i32 to vector<16xi32>
      %add3A_733 = arith.addi %mul3A_730, %add3A_732 : vector<16xi32>
      tpu.vector_store_idx %arg20[%add3A_733], %select_n3A_724 : memref<18560xf32, #tpu.memory_space<vmem>>[vector<16xi32>], vector<16xf32>,
      %dma_wait3A_734 = arith.constant 1 : i32
      %dma_wait3A_735 = arith.constant 0 : i32
      %dma_wait3A_736 = tpu.memref_slice %arg13[%dma_wait3A_734, %dma_wait3A_735] : memref<2x128xi32, #tpu.memory_space<vmem>> -> memref<1x128xi32, #tpu.memory_space<vmem>>
      %dma_wait3A_737 = tpu.memref_squeeze %dma_wait3A_736 : memref<1x128xi32, #tpu.memory_space<vmem>> -> memref<128xi32, #tpu.memory_space<vmem>>
      %dma_wait3A_738 = arith.constant 0 : i32
      %dma_wait3A_739 = arith.constant 0 : i32
      %dma_wait3A_740 = tpu.memref_slice %arg2[%dma_wait3A_738, %dma_wait3A_739] : memref<524288x128xf32, #tpu.memory_space<hbm>> -> memref<524288x128xf32, #tpu.memory_space<hbm>>
      tpu.wait_indirect_dma semaphore(%arg30 : memref<!tpu.dma_semaphore, #tpu.memory_space<semaphore_mem>>) src(%dma_wait3A_740 : memref<524288x128xf32, #tpu.memory_space<hbm>>) dst(%arg16 : memref<128x128xf32, #tpu.memory_space<vmem>>)
      %dma_wait3A_741 = arith.constant 1 : i32
      %dma_wait3A_742 = arith.constant 0 : i32
      %dma_wait3A_743 = tpu.memref_slice %arg13[%dma_wait3A_741, %dma_wait3A_742] : memref<2x128xi32, #tpu.memory_space<vmem>> -> memref<1x128xi32, #tpu.memory_space<vmem>>
      %dma_wait3A_744 = tpu.memref_squeeze %dma_wait3A_743 : memref<1x128xi32, #tpu.memory_space<vmem>> -> memref<128xi32, #tpu.memory_space<vmem>>
      %dma_wait3A_745 = arith.constant 0 : i32
      %dma_wait3A_746 = arith.constant 0 : i32
      %dma_wait3A_747 = tpu.memref_slice %arg5[%dma_wait3A_745, %dma_wait3A_746] : memref<524288x128xf32, #tpu.memory_space<hbm>> -> memref<524288x128xf32, #tpu.memory_space<hbm>>
      tpu.wait_indirect_dma semaphore(%arg30 : memref<!tpu.dma_semaphore, #tpu.memory_space<semaphore_mem>>) src(%dma_wait3A_747 : memref<524288x128xf32, #tpu.memory_space<hbm>>) dst(%arg17 : memref<128x128xf32, #tpu.memory_space<vmem>>)
      %convert_element_type3A_748 = arith.extui %gt3A_380 : i1 to i32
      %cond3A_749 = arith.constant 0 : i32
      %cond3A_750 = arith.cmpi ne, %convert_element_type3A_748, %cond3A_749 : i32
      scf.if %cond3A_750 {
        %scan3A_763 = arith.constant 0 : i32
        %scan3A_764 = arith.constant 0 : i32
        %scan3A_765 = arith.constant 128 : i32
        %scan3A_766 = arith.addi %scan3A_764, %scan3A_765 : i32
        %scan3A_767 = arith.constant 1 : i32
        %scan3A_768 = scf.for %scan3A_770 = %scan3A_764 to %scan3A_766 step %scan3A_767 iter_args(%scan3A_771 = %scan3A_763) -> (i32)  : i32 {
          %broadcast_in_dim3A_772 = vector.broadcast %scan3A_770 : i32 to vector<16xi32>
          %add3A_773 = arith.constant 128 : i32
          %add3A_774 = vector.broadcast %add3A_773 : i32 to vector<16xi32>
          %add3A_775 = arith.addi %broadcast_in_dim3A_772, %add3A_774 : vector<16xi32>
          %gather3A_776 = tpu.vector_load_idx %arg12[%add3A_775] : memref<256xi32, #tpu.memory_space<vmem>>[vector<16xi32>], vector<16xi32>,
          %and3A = arith.constant 1 : i32
          %and3A_777 = vector.broadcast %and3A : i32 to vector<16xi32>
          %and3A_778 = arith.andi %gather3A_776, %and3A_777 : vector<16xi32>
          %mul3A_779 = arith.constant 64 : i32
          %mul3A_780 = vector.broadcast %mul3A_779 : i32 to vector<16xi32>
          %mul3A_781 = arith.muli %and3A_778, %mul3A_780 : vector<16xi32>
          %mul3A_782 = arith.constant 145 : i32
          %mul3A_783 = arith.muli %scan3A_770, %mul3A_782 : i32
          %eq3A_784 = arith.constant 0 : i32
          %eq3A_785 = vector.broadcast %eq3A_784 : i32 to vector<16xi32>
          %eq3A_786 = arith.cmpi eq, %gather3A_776, %eq3A_785 : vector<16xi32>
          %add3A_787 = arith.constant 0 : i32
          %add3A_788 = vector.broadcast %add3A_787 : i32 to vector<16xi32>
          %add3A_789 = arith.addi %iota3A, %add3A_788 : vector<16xi32>
          %add3A_790 = arith.addi %add3A_789, %mul3A_781 : vector<16xi32>
          %gather3A_791 = tpu.vector_load_idx %arg16[%broadcast_in_dim3A_772, %add3A_790] : memref<128x128xf32, #tpu.memory_space<vmem>>[vector<16xi32>, vector<16xi32>], vector<16xf32>,
          %get3A_792 = arith.constant 0 : index
          %get3A_793 = tpu.vector_load %arg23[%get3A_792] {strides = array<i32>} : memref<64xf32, #tpu.memory_space<vmem>>, vector<16xf32>,
          %select_n3A_794 = arith.select %eq3A_786, %get3A_793, %gather3A_791 : vector<16xi1>, vector<16xf32>
          %add3A_795 = arith.constant 0 : i32
          %add3A_796 = arith.addi %mul3A_783, %add3A_795 : i32
          %add3A_797 = vector.broadcast %add3A_796 : i32 to vector<16xi32>
          %add3A_798 = arith.addi %add3A_789, %add3A_797 : vector<16xi32>
          tpu.vector_store_idx %arg20[%add3A_798], %select_n3A_794 : memref<18560xf32, #tpu.memory_space<vmem>>[vector<16xi32>], vector<16xf32>,
          %add3A_799 = arith.constant 16 : i32
          %add3A_800 = vector.broadcast %add3A_799 : i32 to vector<16xi32>
          %add3A_801 = arith.addi %iota3A, %add3A_800 : vector<16xi32>
          %add3A_802 = arith.addi %add3A_801, %mul3A_781 : vector<16xi32>
          %gather3A_803 = tpu.vector_load_idx %arg16[%broadcast_in_dim3A_772, %add3A_802] : memref<128x128xf32, #tpu.memory_space<vmem>>[vector<16xi32>, vector<16xi32>], vector<16xf32>,
          %get3A_804 = arith.constant 16 : index
          %get3A_805 = tpu.vector_load %arg23[%get3A_804] {strides = array<i32>} : memref<64xf32, #tpu.memory_space<vmem>>, vector<16xf32>,
          %select_n3A_806 = arith.select %eq3A_786, %get3A_805, %gather3A_803 : vector<16xi1>, vector<16xf32>
          %add3A_807 = arith.constant 0 : i32
          %add3A_808 = arith.addi %mul3A_783, %add3A_807 : i32
          %add3A_809 = vector.broadcast %add3A_808 : i32 to vector<16xi32>
          %add3A_810 = arith.addi %add3A_801, %add3A_809 : vector<16xi32>
          tpu.vector_store_idx %arg20[%add3A_810], %select_n3A_806 : memref<18560xf32, #tpu.memory_space<vmem>>[vector<16xi32>], vector<16xf32>,
          %add3A_811 = arith.constant 32 : i32
          %add3A_812 = vector.broadcast %add3A_811 : i32 to vector<16xi32>
          %add3A_813 = arith.addi %iota3A, %add3A_812 : vector<16xi32>
          %add3A_814 = arith.addi %add3A_813, %mul3A_781 : vector<16xi32>
          %gather3A_815 = tpu.vector_load_idx %arg16[%broadcast_in_dim3A_772, %add3A_814] : memref<128x128xf32, #tpu.memory_space<vmem>>[vector<16xi32>, vector<16xi32>], vector<16xf32>,
          %get3A_816 = arith.constant 32 : index
          %get3A_817 = tpu.vector_load %arg23[%get3A_816] {strides = array<i32>} : memref<64xf32, #tpu.memory_space<vmem>>, vector<16xf32>,
          %select_n3A_818 = arith.select %eq3A_786, %get3A_817, %gather3A_815 : vector<16xi1>, vector<16xf32>
          %add3A_819 = arith.constant 0 : i32
          %add3A_820 = arith.addi %mul3A_783, %add3A_819 : i32
          %add3A_821 = vector.broadcast %add3A_820 : i32 to vector<16xi32>
          %add3A_822 = arith.addi %add3A_813, %add3A_821 : vector<16xi32>
          tpu.vector_store_idx %arg20[%add3A_822], %select_n3A_818 : memref<18560xf32, #tpu.memory_space<vmem>>[vector<16xi32>], vector<16xf32>,
          %add3A_823 = arith.constant 48 : i32
          %add3A_824 = vector.broadcast %add3A_823 : i32 to vector<16xi32>
          %add3A_825 = arith.addi %iota3A, %add3A_824 : vector<16xi32>
          %add3A_826 = arith.addi %add3A_825, %mul3A_781 : vector<16xi32>
          %gather3A_827 = tpu.vector_load_idx %arg16[%broadcast_in_dim3A_772, %add3A_826] : memref<128x128xf32, #tpu.memory_space<vmem>>[vector<16xi32>, vector<16xi32>], vector<16xf32>,
          %get3A_828 = arith.constant 48 : index
          %get3A_829 = tpu.vector_load %arg23[%get3A_828] {strides = array<i32>} : memref<64xf32, #tpu.memory_space<vmem>>, vector<16xf32>,
          %select_n3A_830 = arith.select %eq3A_786, %get3A_829, %gather3A_827 : vector<16xi1>, vector<16xf32>
          %add3A_831 = arith.constant 0 : i32
          %add3A_832 = arith.addi %mul3A_783, %add3A_831 : i32
          %add3A_833 = vector.broadcast %add3A_832 : i32 to vector<16xi32>
          %add3A_834 = arith.addi %add3A_825, %add3A_833 : vector<16xi32>
          tpu.vector_store_idx %arg20[%add3A_834], %select_n3A_830 : memref<18560xf32, #tpu.memory_space<vmem>>[vector<16xi32>], vector<16xf32>,
          %add3A_835 = arith.constant 0 : i32
          %add3A_836 = vector.broadcast %add3A_835 : i32 to vector<16xi32>
          %add3A_837 = arith.addi %iota3A, %add3A_836 : vector<16xi32>
          %add3A_838 = arith.addi %add3A_837, %mul3A_781 : vector<16xi32>
          %gather3A_839 = tpu.vector_load_idx %arg17[%broadcast_in_dim3A_772, %add3A_838] : memref<128x128xf32, #tpu.memory_space<vmem>>[vector<16xi32>, vector<16xi32>], vector<16xf32>,
          %get3A_840 = arith.constant 0 : index
          %get3A_841 = tpu.vector_load %arg25[%get3A_840] {strides = array<i32>} : memref<64xf32, #tpu.memory_space<vmem>>, vector<16xf32>,
          %select_n3A_842 = arith.select %eq3A_786, %get3A_841, %gather3A_839 : vector<16xi1>, vector<16xf32>
          %add3A_843 = arith.constant 81 : i32
          %add3A_844 = arith.addi %mul3A_783, %add3A_843 : i32
          %add3A_845 = vector.broadcast %add3A_844 : i32 to vector<16xi32>
          %add3A_846 = arith.addi %add3A_837, %add3A_845 : vector<16xi32>
          tpu.vector_store_idx %arg20[%add3A_846], %select_n3A_842 : memref<18560xf32, #tpu.memory_space<vmem>>[vector<16xi32>], vector<16xf32>,
          %add3A_847 = arith.constant 16 : i32
          %add3A_848 = vector.broadcast %add3A_847 : i32 to vector<16xi32>
          %add3A_849 = arith.addi %iota3A, %add3A_848 : vector<16xi32>
          %add3A_850 = arith.addi %add3A_849, %mul3A_781 : vector<16xi32>
          %gather3A_851 = tpu.vector_load_idx %arg17[%broadcast_in_dim3A_772, %add3A_850] : memref<128x128xf32, #tpu.memory_space<vmem>>[vector<16xi32>, vector<16xi32>], vector<16xf32>,
          %get3A_852 = arith.constant 16 : index
          %get3A_853 = tpu.vector_load %arg25[%get3A_852] {strides = array<i32>} : memref<64xf32, #tpu.memory_space<vmem>>, vector<16xf32>,
          %select_n3A_854 = arith.select %eq3A_786, %get3A_853, %gather3A_851 : vector<16xi1>, vector<16xf32>
          %add3A_855 = arith.constant 81 : i32
          %add3A_856 = arith.addi %mul3A_783, %add3A_855 : i32
          %add3A_857 = vector.broadcast %add3A_856 : i32 to vector<16xi32>
          %add3A_858 = arith.addi %add3A_849, %add3A_857 : vector<16xi32>
          tpu.vector_store_idx %arg20[%add3A_858], %select_n3A_854 : memref<18560xf32, #tpu.memory_space<vmem>>[vector<16xi32>], vector<16xf32>,
          %add3A_859 = arith.constant 32 : i32
          %add3A_860 = vector.broadcast %add3A_859 : i32 to vector<16xi32>
          %add3A_861 = arith.addi %iota3A, %add3A_860 : vector<16xi32>
          %add3A_862 = arith.addi %add3A_861, %mul3A_781 : vector<16xi32>
          %gather3A_863 = tpu.vector_load_idx %arg17[%broadcast_in_dim3A_772, %add3A_862] : memref<128x128xf32, #tpu.memory_space<vmem>>[vector<16xi32>, vector<16xi32>], vector<16xf32>,
          %get3A_864 = arith.constant 32 : index
          %get3A_865 = tpu.vector_load %arg25[%get3A_864] {strides = array<i32>} : memref<64xf32, #tpu.memory_space<vmem>>, vector<16xf32>,
          %select_n3A_866 = arith.select %eq3A_786, %get3A_865, %gather3A_863 : vector<16xi1>, vector<16xf32>
          %add3A_867 = arith.constant 81 : i32
          %add3A_868 = arith.addi %mul3A_783, %add3A_867 : i32
          %add3A_869 = vector.broadcast %add3A_868 : i32 to vector<16xi32>
          %add3A_870 = arith.addi %add3A_861, %add3A_869 : vector<16xi32>
          tpu.vector_store_idx %arg20[%add3A_870], %select_n3A_866 : memref<18560xf32, #tpu.memory_space<vmem>>[vector<16xi32>], vector<16xf32>,
          %add3A_871 = arith.constant 48 : i32
          %add3A_872 = vector.broadcast %add3A_871 : i32 to vector<16xi32>
          %add3A_873 = arith.addi %iota3A, %add3A_872 : vector<16xi32>
          %add3A_874 = arith.addi %add3A_873, %mul3A_781 : vector<16xi32>
          %gather3A_875 = tpu.vector_load_idx %arg17[%broadcast_in_dim3A_772, %add3A_874] : memref<128x128xf32, #tpu.memory_space<vmem>>[vector<16xi32>, vector<16xi32>], vector<16xf32>,
          %get3A_876 = arith.constant 48 : index
          %get3A_877 = tpu.vector_load %arg25[%get3A_876] {strides = array<i32>} : memref<64xf32, #tpu.memory_space<vmem>>, vector<16xf32>,
          %select_n3A_878 = arith.select %eq3A_786, %get3A_877, %gather3A_875 : vector<16xi1>, vector<16xf32>
          %add3A_879 = arith.constant 81 : i32
          %add3A_880 = arith.addi %mul3A_783, %add3A_879 : i32
          %add3A_881 = vector.broadcast %add3A_880 : i32 to vector<16xi32>
          %add3A_882 = arith.addi %add3A_873, %add3A_881 : vector<16xi32>
          tpu.vector_store_idx %arg20[%add3A_882], %select_n3A_878 : memref<18560xf32, #tpu.memory_space<vmem>>[vector<16xi32>], vector<16xf32>,
          %mul3A_883 = arith.constant 16 : i32
          %mul3A_884 = vector.broadcast %mul3A_883 : i32 to vector<16xi32>
          %mul3A_885 = arith.muli %gather3A_776, %mul3A_884 : vector<16xi32>
          %add3A_886 = arith.addi %mul3A_885, %iota3A : vector<16xi32>
          %gather3A_887 = tpu.vector_load_idx %arg18[%add3A_886] : memref<16384xf32, #tpu.memory_space<vmem>>[vector<16xi32>], vector<16xf32>,
          %get3A_888 = arith.constant 0 : index
          %get3A_889 = tpu.vector_load %arg24[%get3A_888] {strides = array<i32>} : memref<16xf32, #tpu.memory_space<vmem>>, vector<16xf32>,
          %select_n3A_890 = arith.select %eq3A_786, %get3A_889, %gather3A_887 : vector<16xi1>, vector<16xf32>
          %add3A_891 = arith.constant 64 : i32
          %add3A_892 = arith.addi %mul3A_783, %add3A_891 : i32
          %add3A_893 = vector.broadcast %add3A_892 : i32 to vector<16xi32>
          %add3A_894 = arith.addi %iota3A, %add3A_893 : vector<16xi32>
          tpu.vector_store_idx %arg20[%add3A_894], %select_n3A_890 : memref<18560xf32, #tpu.memory_space<vmem>>[vector<16xi32>], vector<16xf32>,
          %scan3A_895 = arith.constant 0 : i32
          scf.yield %scan3A_895 : i32
        }
        %scan3A_769 = arith.constant 128 : i32
      } else {
      }
      %not3A_751 = arith.constant true
      %not3A_752 = arith.xori %gt3A_380, %not3A_751 : i1
      %convert_element_type3A_753 = arith.extui %not3A_752 : i1 to i32
      %cond3A_754 = arith.constant 0 : i32
      %cond3A_755 = arith.cmpi ne, %convert_element_type3A_753, %cond3A_754 : i32
      scf.if %cond3A_755 {
        %scan3A_763 = arith.constant 0 : i32
        %scan3A_764 = arith.constant 0 : i32
        %scan3A_765 = arith.constant 128 : i32
        %scan3A_766 = arith.addi %scan3A_764, %scan3A_765 : i32
        %scan3A_767 = arith.constant 1 : i32
        %scan3A_768 = scf.for %scan3A_770 = %scan3A_764 to %scan3A_766 step %scan3A_767 iter_args(%scan3A_771 = %scan3A_763) -> (i32)  : i32 {
          %broadcast_in_dim3A_772 = vector.broadcast %scan3A_770 : i32 to vector<16xi32>
          %add3A_773 = arith.constant 128 : i32
          %add3A_774 = vector.broadcast %add3A_773 : i32 to vector<16xi32>
          %add3A_775 = arith.addi %broadcast_in_dim3A_772, %add3A_774 : vector<16xi32>
          %gather3A_776 = tpu.vector_load_idx %arg12[%add3A_775] : memref<256xi32, #tpu.memory_space<vmem>>[vector<16xi32>], vector<16xi32>,
          %and3A = arith.constant 1 : i32
          %and3A_777 = vector.broadcast %and3A : i32 to vector<16xi32>
          %and3A_778 = arith.andi %gather3A_776, %and3A_777 : vector<16xi32>
          %mul3A_779 = arith.constant 64 : i32
          %mul3A_780 = vector.broadcast %mul3A_779 : i32 to vector<16xi32>
          %mul3A_781 = arith.muli %and3A_778, %mul3A_780 : vector<16xi32>
          %mul3A_782 = arith.constant 145 : i32
          %mul3A_783 = arith.muli %scan3A_770, %mul3A_782 : i32
          %eq3A_784 = arith.constant 0 : i32
          %eq3A_785 = vector.broadcast %eq3A_784 : i32 to vector<16xi32>
          %eq3A_786 = arith.cmpi eq, %gather3A_776, %eq3A_785 : vector<16xi32>
          %add3A_787 = arith.constant 0 : i32
          %add3A_788 = vector.broadcast %add3A_787 : i32 to vector<16xi32>
          %add3A_789 = arith.addi %iota3A, %add3A_788 : vector<16xi32>
          %add3A_790 = arith.addi %add3A_789, %mul3A_781 : vector<16xi32>
          %gather3A_791 = tpu.vector_load_idx %arg16[%broadcast_in_dim3A_772, %add3A_790] : memref<128x128xf32, #tpu.memory_space<vmem>>[vector<16xi32>, vector<16xi32>], vector<16xf32>,
          %add3A_792 = arith.constant 0 : i32
          %add3A_793 = arith.addi %mul3A_783, %add3A_792 : i32
          %add3A_794 = vector.broadcast %add3A_793 : i32 to vector<16xi32>
          %add3A_795 = arith.addi %add3A_789, %add3A_794 : vector<16xi32>
          tpu.vector_store_idx %arg20[%add3A_795], %gather3A_791 : memref<18560xf32, #tpu.memory_space<vmem>>[vector<16xi32>], vector<16xf32>,
          %add3A_796 = arith.constant 16 : i32
          %add3A_797 = vector.broadcast %add3A_796 : i32 to vector<16xi32>
          %add3A_798 = arith.addi %iota3A, %add3A_797 : vector<16xi32>
          %add3A_799 = arith.addi %add3A_798, %mul3A_781 : vector<16xi32>
          %gather3A_800 = tpu.vector_load_idx %arg16[%broadcast_in_dim3A_772, %add3A_799] : memref<128x128xf32, #tpu.memory_space<vmem>>[vector<16xi32>, vector<16xi32>], vector<16xf32>,
          %add3A_801 = arith.constant 0 : i32
          %add3A_802 = arith.addi %mul3A_783, %add3A_801 : i32
          %add3A_803 = vector.broadcast %add3A_802 : i32 to vector<16xi32>
          %add3A_804 = arith.addi %add3A_798, %add3A_803 : vector<16xi32>
          tpu.vector_store_idx %arg20[%add3A_804], %gather3A_800 : memref<18560xf32, #tpu.memory_space<vmem>>[vector<16xi32>], vector<16xf32>,
          %add3A_805 = arith.constant 32 : i32
          %add3A_806 = vector.broadcast %add3A_805 : i32 to vector<16xi32>
          %add3A_807 = arith.addi %iota3A, %add3A_806 : vector<16xi32>
          %add3A_808 = arith.addi %add3A_807, %mul3A_781 : vector<16xi32>
          %gather3A_809 = tpu.vector_load_idx %arg16[%broadcast_in_dim3A_772, %add3A_808] : memref<128x128xf32, #tpu.memory_space<vmem>>[vector<16xi32>, vector<16xi32>], vector<16xf32>,
          %add3A_810 = arith.constant 0 : i32
          %add3A_811 = arith.addi %mul3A_783, %add3A_810 : i32
          %add3A_812 = vector.broadcast %add3A_811 : i32 to vector<16xi32>
          %add3A_813 = arith.addi %add3A_807, %add3A_812 : vector<16xi32>
          tpu.vector_store_idx %arg20[%add3A_813], %gather3A_809 : memref<18560xf32, #tpu.memory_space<vmem>>[vector<16xi32>], vector<16xf32>,
          %add3A_814 = arith.constant 48 : i32
          %add3A_815 = vector.broadcast %add3A_814 : i32 to vector<16xi32>
          %add3A_816 = arith.addi %iota3A, %add3A_815 : vector<16xi32>
          %add3A_817 = arith.addi %add3A_816, %mul3A_781 : vector<16xi32>
          %gather3A_818 = tpu.vector_load_idx %arg16[%broadcast_in_dim3A_772, %add3A_817] : memref<128x128xf32, #tpu.memory_space<vmem>>[vector<16xi32>, vector<16xi32>], vector<16xf32>,
          %add3A_819 = arith.constant 0 : i32
          %add3A_820 = arith.addi %mul3A_783, %add3A_819 : i32
          %add3A_821 = vector.broadcast %add3A_820 : i32 to vector<16xi32>
          %add3A_822 = arith.addi %add3A_816, %add3A_821 : vector<16xi32>
          tpu.vector_store_idx %arg20[%add3A_822], %gather3A_818 : memref<18560xf32, #tpu.memory_space<vmem>>[vector<16xi32>], vector<16xf32>,
          %add3A_823 = arith.constant 0 : i32
          %add3A_824 = vector.broadcast %add3A_823 : i32 to vector<16xi32>
          %add3A_825 = arith.addi %iota3A, %add3A_824 : vector<16xi32>
          %add3A_826 = arith.addi %add3A_825, %mul3A_781 : vector<16xi32>
          %gather3A_827 = tpu.vector_load_idx %arg17[%broadcast_in_dim3A_772, %add3A_826] : memref<128x128xf32, #tpu.memory_space<vmem>>[vector<16xi32>, vector<16xi32>], vector<16xf32>,
          %add3A_828 = arith.constant 81 : i32
          %add3A_829 = arith.addi %mul3A_783, %add3A_828 : i32
          %add3A_830 = vector.broadcast %add3A_829 : i32 to vector<16xi32>
          %add3A_831 = arith.addi %add3A_825, %add3A_830 : vector<16xi32>
          tpu.vector_store_idx %arg20[%add3A_831], %gather3A_827 : memref<18560xf32, #tpu.memory_space<vmem>>[vector<16xi32>], vector<16xf32>,
          %add3A_832 = arith.constant 16 : i32
          %add3A_833 = vector.broadcast %add3A_832 : i32 to vector<16xi32>
          %add3A_834 = arith.addi %iota3A, %add3A_833 : vector<16xi32>
          %add3A_835 = arith.addi %add3A_834, %mul3A_781 : vector<16xi32>
          %gather3A_836 = tpu.vector_load_idx %arg17[%broadcast_in_dim3A_772, %add3A_835] : memref<128x128xf32, #tpu.memory_space<vmem>>[vector<16xi32>, vector<16xi32>], vector<16xf32>,
          %add3A_837 = arith.constant 81 : i32
          %add3A_838 = arith.addi %mul3A_783, %add3A_837 : i32
          %add3A_839 = vector.broadcast %add3A_838 : i32 to vector<16xi32>
          %add3A_840 = arith.addi %add3A_834, %add3A_839 : vector<16xi32>
          tpu.vector_store_idx %arg20[%add3A_840], %gather3A_836 : memref<18560xf32, #tpu.memory_space<vmem>>[vector<16xi32>], vector<16xf32>,
          %add3A_841 = arith.constant 32 : i32
          %add3A_842 = vector.broadcast %add3A_841 : i32 to vector<16xi32>
          %add3A_843 = arith.addi %iota3A, %add3A_842 : vector<16xi32>
          %add3A_844 = arith.addi %add3A_843, %mul3A_781 : vector<16xi32>
          %gather3A_845 = tpu.vector_load_idx %arg17[%broadcast_in_dim3A_772, %add3A_844] : memref<128x128xf32, #tpu.memory_space<vmem>>[vector<16xi32>, vector<16xi32>], vector<16xf32>,
          %add3A_846 = arith.constant 81 : i32
          %add3A_847 = arith.addi %mul3A_783, %add3A_846 : i32
          %add3A_848 = vector.broadcast %add3A_847 : i32 to vector<16xi32>
          %add3A_849 = arith.addi %add3A_843, %add3A_848 : vector<16xi32>
          tpu.vector_store_idx %arg20[%add3A_849], %gather3A_845 : memref<18560xf32, #tpu.memory_space<vmem>>[vector<16xi32>], vector<16xf32>,
          %add3A_850 = arith.constant 48 : i32
          %add3A_851 = vector.broadcast %add3A_850 : i32 to vector<16xi32>
          %add3A_852 = arith.addi %iota3A, %add3A_851 : vector<16xi32>
          %add3A_853 = arith.addi %add3A_852, %mul3A_781 : vector<16xi32>
          %gather3A_854 = tpu.vector_load_idx %arg17[%broadcast_in_dim3A_772, %add3A_853] : memref<128x128xf32, #tpu.memory_space<vmem>>[vector<16xi32>, vector<16xi32>], vector<16xf32>,
          %add3A_855 = arith.constant 81 : i32
          %add3A_856 = arith.addi %mul3A_783, %add3A_855 : i32
          %add3A_857 = vector.broadcast %add3A_856 : i32 to vector<16xi32>
          %add3A_858 = arith.addi %add3A_852, %add3A_857 : vector<16xi32>
          tpu.vector_store_idx %arg20[%add3A_858], %gather3A_854 : memref<18560xf32, #tpu.memory_space<vmem>>[vector<16xi32>], vector<16xf32>,
          %mul3A_859 = arith.constant 16 : i32
          %mul3A_860 = vector.broadcast %mul3A_859 : i32 to vector<16xi32>
          %mul3A_861 = arith.muli %gather3A_776, %mul3A_860 : vector<16xi32>
          %add3A_862 = arith.addi %mul3A_861, %iota3A : vector<16xi32>
          %gather3A_863 = tpu.vector_load_idx %arg18[%add3A_862] : memref<16384xf32, #tpu.memory_space<vmem>>[vector<16xi32>], vector<16xf32>,
          %add3A_864 = arith.constant 64 : i32
          %add3A_865 = arith.addi %mul3A_783, %add3A_864 : i32
          %add3A_866 = vector.broadcast %add3A_865 : i32 to vector<16xi32>
          %add3A_867 = arith.addi %iota3A, %add3A_866 : vector<16xi32>
          tpu.vector_store_idx %arg20[%add3A_867], %gather3A_863 : memref<18560xf32, #tpu.memory_space<vmem>>[vector<16xi32>], vector<16xf32>,
          %scan3A_868 = arith.constant 0 : i32
          scf.yield %scan3A_868 : i32
        }
        %scan3A_769 = arith.constant 128 : i32
      } else {
      }
      %mul3A_756 = arith.constant 37120 : i32
      %mul3A_757 = arith.muli %add3A_18, %mul3A_756 : i32
      %add3A_758 = arith.constant 18560 : i32
      %add3A_759 = arith.addi %mul3A_757, %add3A_758 : i32
      %dma_start3A_760 = tpu.memref_slice %arg11[%add3A_759] : memref<38010880xf32, #tpu.memory_space<hbm>> -> memref<18560xf32, #tpu.memory_space<hbm>>
      %dma_start3A_761 = tpu.memref_slice %arg11[%add3A_759] : memref<38010880xf32, #tpu.memory_space<hbm>> -> memref<18560xf32, #tpu.memory_space<hbm>>
      tpu.enqueue_dma source(%arg20 : memref<18560xf32, #tpu.memory_space<vmem>>) target(%dma_start3A_761 : memref<18560xf32, #tpu.memory_space<hbm>>) target_semaphore(%arg31 : memref<!tpu.dma_semaphore, #tpu.memory_space<semaphore_mem>>)
      %scan3A_762 = arith.constant 0 : i32
      scf.yield %scan3A_762 : i32
    }
    %scan3A_6 = arith.constant 32 : i32
    %dma_wait3A = arith.constant 0 : i32
    %dma_wait3A_7 = tpu.memref_slice %arg11[%dma_wait3A] : memref<38010880xf32, #tpu.memory_space<hbm>> -> memref<18560xf32, #tpu.memory_space<hbm>>
    %dma_wait3A_8 = arith.constant 0 : i32
    %dma_wait3A_9 = tpu.memref_slice %arg11[%dma_wait3A_8] : memref<38010880xf32, #tpu.memory_space<hbm>> -> memref<18560xf32, #tpu.memory_space<hbm>>
    tpu.wait_dma2 semaphore(%arg31 : memref<!tpu.dma_semaphore, #tpu.memory_space<semaphore_mem>>) src(%arg19 : memref<18560xf32, #tpu.memory_space<vmem>>) dst(%dma_wait3A_9 : memref<18560xf32, #tpu.memory_space<hbm>>)
    %dma_wait3A_10 = arith.constant 0 : i32
    %dma_wait3A_11 = tpu.memref_slice %arg11[%dma_wait3A_10] : memref<38010880xf32, #tpu.memory_space<hbm>> -> memref<18560xf32, #tpu.memory_space<hbm>>
    %dma_wait3A_12 = arith.constant 0 : i32
    %dma_wait3A_13 = tpu.memref_slice %arg11[%dma_wait3A_12] : memref<38010880xf32, #tpu.memory_space<hbm>> -> memref<18560xf32, #tpu.memory_space<hbm>>
    tpu.wait_dma2 semaphore(%arg31 : memref<!tpu.dma_semaphore, #tpu.memory_space<semaphore_mem>>) src(%arg20 : memref<18560xf32, #tpu.memory_space<vmem>>) dst(%dma_wait3A_13 : memref<18560xf32, #tpu.memory_space<hbm>>)
    return
  }
}

</mosaic_0001>

<sc_bundles>
// kernel: kernel.3.cloned.1.call-start
scs
__scs_entry_jumppad:
0x0: {  	(pc) =	sbr.rel $0x88, $3  }
0x1: {  	(tag) =	ssettag $0x0;
	lr =	simm.s32 $0x1  }
0x2: {  	[smem:$0x3F98] =	sst lr;
	_ =	strace $0xD0000000  }
0x3: {  	_ = 	snop  }
0x4: {  	_ = 	snop  }
0x5: {  	_ = 	snop  }
0x6: {  	_ = 	snop  }
0x7: {  	_ = 	snop  }
__scs_overlays_trampoline_lowered:
0x8: {  	[smem:$0x3FA7] =	sst s0  }
0x9: {  	[smem:$0x3FA8] =	sst s1  }
0xa: {  	[smem:$0x3FA9] =	sst s2  }
0xb: {  	[smem:$0x3FAA] =	sst s3  }
0xc: {  	[smem:$0x3FAB] =	sst s4  }
0xd: {  	[smem:$0x3FAC] =	sst s5  }
0xe: {  	[smem:$0x3FAD] =	sst s6  }
0xf: {  	[smem:$0x3FAE] =	sst s7  }
0x10: {  	[smem:$0x3FAF] =	sst s8  }
0x11: {  	[smem:$0x3FB0] =	sst s9;
	s0 =	simm.s32 @!p0 $0x0  }
0x12: {  	s1 =	sld [smem:$0x3F96];
	s0 =	simm.s32 @p0 $0x1  }
0x13: {  	[smem:$0x3FB1] =	sst s0;
	s0 =	simm.s32 @!p1 $0x0  }
0x14: {  	s2 =	sld [smem:$0x3F95];
	s0 =	simm.s32 @p1 $0x1  }
0x15: {  	[smem:$0x3FB2] =	sst s0;
	s0 =	simm.s32 @!p2 $0x0  }
0x16: {  	s3 =	sld [smem:$0x3FDB];
	s0 =	simm.s32 @p2 $0x1  }
0x17: {  	s4 =	simm.s32 $0x1BF5;
	[smem:$0x3FB4] =	sst s0  }
0x18: {  	s0 =	sld [smem:$0x3F97];
	_ =	swait.ge [sflag:s4], $0x0  }
0x19: {  	s7 =	sld [smem:$0x3F98]  }
0x1a: {  	s8 =	sadd.s32 $0xFFFFE003, lr  }
0x1b: {  	s9 =	sadd.s32 $0xFFFFFEF7, lr;
	s5 =	simm.s32 $0xFFFFFFFF;
	p2 =	slt.u32 s8, $0xFFFFF086  }
0x1c: {  	p1 =	slt.u32 s9, $0xF7A;
	s5 =	simm.s32 @!p2 $0x0  }
0x1d: {  	s5 =	simm.s32 @p1 $0x1;
	p0 =	seq.s32 s7, s2  }
0x1e: {  	s7 =	smul.u32 @!p0 $0xF7A, s2;
	p2 =	seq.s32 @!p0 s5, $0x0  }
0x1f: {  	s9 =	smul.u32 $0xF7A, s1;
	s8 =	simm.s32 @!p0 $0x1BF5;
	p2 =	por !p2, p0  }
0x20: {  	[sflag:s8] =	ssyncset.s32 @!p0 $0xFFFFF086;
	s6 =	sadd.s32 @!p0 s3, s7;
	s7 =	simm.s32 @!p0 $0x108  }
0x21: {  	s3 =	sadd.s32 s3, s9;
	s6 =	sadd.s32 @!p0 $0x88, s6;
	s7 =	simm.s32 @p2 $0x1082  }
0x22: {  	[simem:s7], [sflag:s8] =	dma.local @!p0 [hbm:s6], $0xF7A  }
0x23: {  	s9 =	sor.u32 $0xD0000000, s2;
	s6 =	simm.s32 $0x108;
	_ =	swait.ge @!p0 [sflag:s8], $0x0  }
0x24: {  	s3 =	sadd.s32 $0x88, s3;
	s6 =	simm.s32 @!p1 $0x1082;
	[sflag:s4] =	ssyncset.s32 $0xFFFFF086  }
0x25: {  	[simem:s6], [sflag:s4] =	dma.local [hbm:s3], $0xF7A  }
0x26: {  	[smem:$0x3F98] =	sst s1;
	(tag) =	ssettag s2;
	_ =	strace s9  }
0x27: {  	s1 =	sld [smem:$0x3FA8]  }
0x28: {  	s2 =	sld [smem:$0x3FA9]  }
0x29: {  	s4 =	sld [smem:$0x3FAB]  }
0x2a: {  	p0 =	seq.s32 s5, $0x0;
	s5 =	sld [smem:$0x3FAC]  }
0x2b: {  	s6 =	sld [smem:$0x3FAD]  }
0x2c: {  	s7 =	sld [smem:$0x3FAE]  }
0x2d: {  	s3 =	simm.s32 $0x108;
	s8 =	sld [smem:$0x3FAF]  }
0x2e: {  	s3 =	simm.s32 @!p0 $0x1082;
	s9 =	sld [smem:$0x3FB0]  }
0x2f: {  	lr =	sadd.s32 s0, s3;
	s0 =	sld [smem:$0x3FA7]  }
0x30: {  	s3 =	sld [smem:$0x3FAA]  }
0x31: {  	[smem:$0x3FB3] =	sst s10  }
0x32: {  	s10 =	sld [smem:$0x3FB1];
	_ =	sdelay $0x3  }
0x33: {  	p0 =	seq.s32 s10, $0x1;
	s10 =	sld [smem:$0x3FB3];
	_ =	sdelay $0x3  }
0x34: {  	[smem:$0x3FB3] =	sst s10  }
0x35: {  	s10 =	sld [smem:$0x3FB2];
	_ =	sdelay $0x3  }
0x36: {  	p1 =	seq.s32 s10, $0x1;
	s10 =	sld [smem:$0x3FB3];
	_ =	sdelay $0x3  }
0x37: {  	[smem:$0x3FB3] =	sst s10  }
0x38: {  	s10 =	sld [smem:$0x3FB4]  }
0x39: {  	_ = 	snop;
	(pc) =	sbr.ind lr, $3  }
0x3a: {  	_ = 	snop  }
0x3b: {  	_ = 	snop  }
0x3c: {  	p2 =	seq.s32 s10, $0x1;
	s10 =	sld [smem:$0x3FB3]  }
0x3d: {  	_ =	shalt  }
0x3e: {  	_ =	shalt  }
0x3f: {  	_ =	shalt  }
0x40: {  	_ =	shalt  }
0x41: {  	_ =	shalt  }
0x42: {  	_ =	shalt  }
0x43: {  	_ =	shalt  }
0x44: {  	_ =	shalt  }
0x45: {  	_ =	shalt  }
0x46: {  	_ =	shalt  }
0x47: {  	_ =	shalt  }
0x48: {  	_ =	shalt  }
0x49: {  	_ =	shalt  }
0x4a: {  	_ =	shalt  }
0x4b: {  	_ =	shalt  }
0x4c: {  	_ =	shalt  }
0x4d: {  	_ =	shalt  }
0x4e: {  	_ =	shalt  }
0x4f: {  	_ =	shalt  }
0x50: {  	_ =	shalt  }
0x51: {  	_ =	shalt  }
0x52: {  	_ =	shalt  }
0x53: {  	_ =	shalt  }
0x54: {  	_ =	shalt  }
0x55: {  	_ =	shalt  }
0x56: {  	_ =	shalt  }
0x57: {  	_ =	shalt  }
0x58: {  	_ =	shalt  }
0x59: {  	_ =	shalt  }
0x5a: {  	_ =	shalt  }
0x5b: {  	_ =	shalt  }
0x5c: {  	_ =	shalt  }
0x5d: {  	_ =	shalt  }
0x5e: {  	_ =	shalt  }
0x5f: {  	_ =	shalt  }
0x60: {  	_ =	shalt  }
0x61: {  	_ =	shalt  }
0x62: {  	_ =	shalt  }
0x63: {  	_ =	shalt  }
0x64: {  	_ =	shalt  }
0x65: {  	_ =	shalt  }
0x66: {  	_ =	shalt  }
0x67: {  	_ =	shalt  }
0x68: {  	_ =	shalt  }
0x69: {  	_ =	shalt  }
0x6a: {  	_ =	shalt  }
0x6b: {  	_ =	shalt  }
0x6c: {  	_ =	shalt  }
0x6d: {  	_ =	shalt  }
0x6e: {  	_ =	shalt  }
0x6f: {  	_ =	shalt  }
0x70: {  	_ =	shalt  }
0x71: {  	_ =	shalt  }
0x72: {  	_ =	shalt  }
0x73: {  	_ =	shalt  }
0x74: {  	_ =	shalt  }
0x75: {  	_ =	shalt  }
0x76: {  	_ =	shalt  }
0x77: {  	_ =	shalt  }
0x78: {  	_ =	shalt  }
0x79: {  	_ =	shalt  }
0x7a: {  	_ =	shalt  }
0x7b: {  	_ =	shalt  }
0x7c: {  	_ =	shalt  }
0x7d: {  	_ =	shalt  }
0x7e: {  	_ =	shalt  }
0x7f: {  	_ =	shalt  }
0x80: {  	_ =	shalt  }
0x81: {  	_ =	shalt  }
0x82: {  	_ =	shalt  }
0x83: {  	_ =	shalt  }
0x84: {  	_ =	shalt  }
0x85: {  	_ =	shalt  }
0x86: {  	_ =	shalt  }
0x87: {  	_ =	shalt  }
.Lfunc_end0:
.L_simem_size_0:
called_computation.1_lowered:
.L_overlay_start_0:
0x88: {  	s2 =	sld [smem:$0x3FD9]  }
0x89: {  	s3 =	sld [smem:$0x3FFE];
	_ =	sdelay $0x1  }
0x8a: {  	s1 =	srdreg.scid  }
0x8b: {  	s0 =	sand.u32 $0x1, s1  }
0x8c: {  	s17 =	sshll.u32 s0, $0xA;
	s2 =	sadd.s32 s3, s2  }
0x8d: {  	s2 =	sadd.s32 s2, s17  }
0x8e: {  	[smem:$0x3FBF] =	sst s2  }
0x8f: {  	_ = 	snop  }
0x90: {  	s2 =	sld [smem:$0x3FC7]  }
0x91: {  	s18 =	sld [smem:$0x3FC3]  }
0x92: {  	s4 =	sld [smem:$0x3FC1]  }
0x93: {  	s5 =	sld [smem:$0x3FD0];
	(tm) =	ssettm $0x1  }
0x94: {  	s6 =	sld [smem:$0x3FFB];
	_ =	sdelay $0x3  }
0x95: {  	_ =	strace s6  }
0x96: {  	s6 =	sld [smem:$0x3FFC];
	_ =	sdelay $0x3  }
0x97: {  	_ =	strace s6  }
0x98: {  	s6 =	sld [smem:$0x3FFD];
	_ =	sdelay $0x3  }
0x99: {  	_ =	strace s6  }
0x9a: {  	_ =	strace $0x8FFFFFFF  }
0x9b: {  	s19 =	sld [smem:$0x3FDB];
	_ =	sdelay $0x1  }
0x9c: {  	s7 =	simm.s32 $_scs_section_size  }
0x9d: {  	s8 =	simm.s32 $_size__tile_overlayer_lowered;
	s9 =	simm.s32 $_tile_overlayer_lowered  }
0x9e: {  	s22 =	simm.s32 $0x1BFF;
	s21 =	sshll.u32 s9, $0x1;
	s6 =	sadd.s32 s7, s19  }
0x9f: {  	s10 =	simm.s32 $0x0;
	s20 =	sshll.u32 s8, $0x1;
	s8 =	sadd.s32 s21, s6  }
0xa0: {  	[timem:s10], [sflag:s22] =	dma.local [hbm:s8], s20  }
0xa1: {  	_ =	swait.ge [sflag:s22], s20  }
0xa2: {  	s7 =	ssub.s32 $0x0, s20;
	[sflag:s22] =	ssyncset.done $0x0  }
0xa3: {  	[sflag:s22] =	ssyncadd.s32 s7;
	_ =	sdelay $0x1  }
0xa4: {  	s23 =	simm.s32 $0x1B8B  }
0xa5: {  	_ =	swait.ge [sflag:s23], $0x1  }
0xa6: {  	[sflag:s23] =	ssyncset.done $0x0  }
0xa7: {  	s25 =	simm.s32 $0x1B8E;
	s24 =	sld [smem:$0x3FFE];
	[sflag:s23] =	ssyncadd.s32 $0xFFFFFFFF  }
0xa8: {  	s26 =	simm.s32 $execute0_lowered;
	[smem:$0x3FD2] =	sst s25  }
0xa9: {  	s8 =	sshll.u32 s26, $0x1;
	_ =	strace $0x80000046;
	[dreg:$0x1] =	wrdreg $0xFFFFFFFF  }
0xaa: {  	s28 =	simm.s32 $_size_execute0_lowered;
	s6 =	sadd.s32 s6, s8;
	[dreg:$0x0] =	wrdreg $0x0  }
0xab: {  	s8 =	sshll.u32 s28, $0x1;
	[dreg:$0x2] =	wrdreg s6  }
0xac: {  	[dreg:$0x3] =	wrdreg s8  }
0xad: {  	[dreg:$0x4] =	wrdreg $0xC0  }
0xae: {  	_ =	task [dreg:s10], $0x5FFFF  }
0xaf: {  	[dreg:$0x1] =	wrdreg $0xFFFFFFFF  }
0xb0: {  	[dreg:$0x0] =	wrdreg $0x60  }
0xb1: {  	[dreg:$0x2] =	wrdreg s24  }
0xb2: {  	[dreg:$0x3] =	wrdreg s2  }
0xb3: {  	[dreg:$0x4] =	wrdreg s18  }
0xb4: {  	[dreg:$0x5] =	wrdreg s4  }
0xb5: {  	[dreg:$0x6] =	wrdreg s5  }
0xb6: {  	[dreg:$0x7] =	wrdreg $0x9  }
0xb7: {  	_ =	task.clear_ibuf [dreg:s10], $0x8FFFF;
	_ =	strace $0x90000046  }
0xb8: {  	s29 =	simm.s32 $0x9;
	_ =	strace $0x80000048  }
0xb9: {  	_ =	swait.ge [sflag:s29], $0x1  }
0xba: {  	[sflag:s29] =	ssyncadd.s32 $0xFFFFFFFF  }
0xbb: {  	_ =	strace $0x90000048  }
0xbc: {  	_ =	sfence  }
0xbd: {  	s30 =	sld [smem:$0x0];
	_ =	sdelay $0x2  }
0xbe: {  	s31 =	sshll.u32 s1, $0xD;
	s1 =	sshrl.u32 s1, $0x2  }
0xbf: {  	s3 =	sand.u32 $0x4000, s31;
	s1 =	sadd.s32 s1, s30  }
0xc0: {  	s0 =	sor.u32 s3, s0;
	s1 =	sshll.u32 s1, $0x11  }
0xc1: {  	s0 =	sor.u32 s1, s0  }
0xc2: {  	s0 =	sadd.s32 $0x8F2B, s0  }
0xc3: {  	[sflag:s0] =	ssyncadd.remote.s32 $0x1  }
0xc4: {  	_ =	sfence.sel $0xFFFF  }
0xc5: {  	[dreg:$0x0] =	wrdreg $0xFFFFFFFF;
	(pc) =	sbr.abs _section_cstart, $3  }
0xc6: {  	[dreg:$0x1] =	wrdreg $0xFFFFFFFF  }
0xc7: {  	_ =	task.clear_ibuf [dreg:s10], $0x2FFFF;
	_ =	strace $0x9FFFFFFF  }
0xc8: {  	(tm) =	ssettm $0x7FFFFFFF  }
0xc9: {  	_ =	shalt  }
tec
execute0_lowered:
.L_overlay_start_1:
0x0: {  	(tag) =	ssettag $0x1  }
0x1: {  	s0 =	rddreg [dreg:$0x0];
	s5 =	simm.s32 $0x0  }
0x2: {  	s1 =	srdreg.scid;
	s4 =	stileid.u32;
	s17 =	simm.s32 $0x80  }
0x3: {  	s18 =	simm.s32 $0x400;
	s22 =	simm.s32 $0x1D300;
	s23 =	simm.s32 $0x10200  }
0x4: {  	s28 =	simm.s32 $0x4200;
	s29 =	simm.s32 $0x180;
	s30 =	simm.s32 $0x8200  }
0x5: {  	s31 =	simm.s32 $0xC200;
	s8 =	simm.s32 $0x3;
	s14 =	simm.s32 $0x4  }
0x6: {  	s16 =	simm.s32 $0x18A80;
	s7 =	simm.s32 $0x0;
	[smem:$0x7FF] =	sst s5  }
0x7: {  	s6 =	sadd.s32 $0x1000E00, s0;
	s2 =	sadd.s32 $0xE00, s0;
	s9 =	sadd.s32 $0x1800E00, s0  }
0x8: {  	s1 =	sand.u32 $0x1, s1;
	s10 =	sadd.s32 $0x200E00, s0;
	s11 =	sadd.s32 $0x204E00, s0  }
0x9: {  	v0 =	vlaneseq.u32;
	s25 =	sshll.u32 s4, $0x6;
	s12 =	sadd.s32 $0x208E00, s0;
	s0 =	simm.s32 $0x2  }
.Ltmp0:
0xa: {  	v9 =	vmul.u32 $0x91, v0;
	_ =	strace $0x80000047;
	s24 =	ssub.s32 $0x2, s1;
	(pc) =	sbr.rel .LBB2_1-.Ltmp0, $4  }
0xb: {  	v1 =	vimm.s32 $0x0;
	v10 =	vor.u32 $0x10, v0;
	v11 =	vor.u32 $0x20, v0;
	[dreg:$0x7] =	wrdreg s2;
	s1 =	sshll.u32 s1, $0x5;
	s3 =	sshrl.u32 s24, $0x1  }
0xc: {  	v12 =	vor.u32 $0x30, v0;
	s13 =	sor.u32 s1, s25;
	s25 =	simm.s32 $0x100;
	v2 =	vadd.s32 $0x50, v9;
	v3 =	vadd.s32 $0x960, v9;
	s2 =	ssub.s32 s24, s3  }
0xd: {  	v4 =	vadd.s32 $0x1270, v9;
	v5 =	vadd.s32 $0x1B80, v9;
	v6 =	vadd.s32 $0x2490, v9;
	s1 =	simm.s32 $0x5;
	s24 =	simm.s32 $0x1;
	s26 =	smax.u32 s2, $0x1  }
0xe: {  	v7 =	vadd.s32 $0x2DA0, v9;
	v8 =	vadd.s32 $0x36B0, v9;
	v9 =	vadd.s32 $0x3FC0, v9;
	s2 =	simm.s32 $0x14200;
	[dreg:$0x6] =	wrdreg s26;
	s26 =	simm.s32 $0x200  }
.LBB2_17:
0xf: {  	s4 =	simm.s32 $0x6  }
0x10: {  	_ =	swait.ge [sflag:s4], $0x4880  }
0x11: {  	[sflag:s4] =	ssyncset.done $0x0  }
0x12: {  	[sflag:s4] =	ssyncadd.s32 $0xFFFFB780  }
0x13: {  	_ =	swait.ge [sflag:s4], $0x4880  }
0x14: {  	s7 =	rddreg [dreg:$0x8]  }
0x15: {  	s3 =	rddreg [dreg:$0x6];
	s7 =	sadd.s32 $0x1, s7  }
0x16: {  	p0 =	sne.s32 s7, s3  }
.Ltmp1:
0x17: {  	_ = 	snop;
	(pc) =	sbr.rel @!p0 .LBB2_18-.Ltmp1, $3  }
0x18: {  	_ =	sdelay $0x1  }
0x19: {  	[sflag:s4] =	ssyncset.done $0x0  }
0x1a: {  	[sflag:s4] =	ssyncadd.s32 $0xFFFFB780  }
.LBB2_1:
0x1b: {  	[dreg:$0x8] =	wrdreg s7  }
0x1c: {  	s3 =	rddreg [dreg:$0x2]  }
.Ltmp2:
0x1d: {  	s4 =	simm.s32 $0x1D700;
	s21 =	simm.s32 $0x7;
	(pc) =	sbr.rel .LBB2_2-.Ltmp2, $4  }
0x1e: {  	[tilespmem:s4], [sflag:$0x7] =	stream.linear.gather [hbm4b:s3+s5], $0x400, $0x38;
	[tilespmem:$0x1DC80] =	vst v63  }
0x1f: {  	_ =	swait.ge [sflag:s21], $0x400  }
0x20: {  	[sflag:s21] =	ssyncset.done $0x0  }
0x21: {  	s3 =	simm.s32 $0x0;
	[sflag:s21] =	ssyncadd.s32 $0xFFFFFC00  }
.LBB2_16:
0x22: {  	s3 =	sadd.s32 $0x1, s3  }
0x23: {  	p0 =	sne.s32 s3, $0x20  }
.Ltmp3:
0x24: {  	_ = 	snop;
	(pc) =	sbr.rel @!p0 .LBB2_17-.Ltmp3, $3  }
0x25: {  	_ =	sdelay $0x1  }
0x26: {  	s4 =	sadd.s32 $0x910, s4  }
0x27: {  	[hbm4b:s4+s5] =	stream.linear.scatter [tilespmem:s16], [sflag:$0x6], $0x4880, $0x38;
	[tilespmem:$0x1DC80] =	vst v63  }
.LBB2_2:
0x28: {  	s4 =	sadd.s32 s13, s3  }
0x29: {  	s20 =	sshll.u32 s3, $0x7;
	s19 =	sshrl.u32 s4, $0x3  }
0x2a: {  	s20 =	sand.u32 $0x380, s20;
	s21 =	sshll.u32 s19, $0xB  }
0x2b: {  	s21 =	sor.u32 s20, s21  }
0x2c: {  	s15 =	rddreg [dreg:$0x3];
	s21 =	sshrl.u32 s21, $0x3  }
0x2d: {  	s21 =	sadd.s32 s15, s21;
	s15 =	sshll.u32 s19, $0xA  }
0x2e: {  	[tilespmem:s5], [sflag:$0x1] =	stream.strided.gather [hbm4b:s21+s17], $0x100, s18, s17, $0x38;
	[tilespmem:$0x1DC80] =	vst v63  }
0x2f: {  	s21 =	sor.u32 s20, s15  }
0x30: {  	s21 =	sshrl.u32 s21, $0x3  }
0x31: {  	s7 =	simm.s32 $0x1DB00;
	s15 =	sadd.s32 s10, s21  }
0x32: {  	[tilespmem:s7], [sflag:$0x2] =	stream.linear.gather [hbm4b:s15+s5], $0x80, $0x38;
	[tilespmem:$0x1DC80] =	vst v63  }
0x33: {  	s15 =	sadd.s32 s11, s21;
	s7 =	simm.s32 $0x1DB80  }
0x34: {  	[tilespmem:s7], [sflag:$0x2] =	stream.linear.gather [hbm4b:s15+s5], $0x80, $0x38;
	[tilespmem:$0x1DC80] =	vst v63  }
0x35: {  	s7 =	sadd.s32 s12, s21;
	s21 =	simm.s32 $0x1DC00  }
0x36: {  	[tilespmem:s21], [sflag:$0x2] =	stream.linear.gather [hbm4b:s7+s5], $0x80, $0x38;
	[tilespmem:$0x1DC80] =	vst v63  }
0x37: {  	s21 =	sshll.u32 s19, $0xD  }
0x38: {  	s15 =	sor.u32 s20, s21  }
0x39: {  	s7 =	rddreg [dreg:$0x1];
	s15 =	sshrl.u32 s15, $0x3  }
0x3a: {  	s19 =	sshll.u32 s19, $0x11;
	s15 =	sadd.s32 s7, s15  }
0x3b: {  	[tilespmem:s22], [sflag:$0x2] =	stream.strided.gather [hbm4b:s15+s17], $0x400, s18, s17, $0x38;
	[tilespmem:$0x1DC80] =	vst v63  }
0x3c: {  	s15 =	sor.u32 s20, s19  }
0x3d: {  	s21 =	rddreg [dreg:$0x7];
	s15 =	sshrl.u32 s15, $0x3  }
0x3e: {  	s15 =	sadd.s32 s21, s15  }
0x3f: {  	[tilespmem:s23], [sflag:$0x3] =	stream.strided.gather [hbm4b:s15+s17], $0x4000, s18, s17, $0x38;
	[tilespmem:$0x1DC80] =	vst v63  }
0x40: {  	_ =	swait.ge [sflag:s24], $0x100  }
0x41: {  	[sflag:s24] =	ssyncset.done $0x0  }
0x42: {  	[sflag:s24] =	ssyncadd.s32 $0xFFFFFF00  }
0x43: {  	v13 =	vld [tilespmem:$0x0]  }
0x44: {  	v14 =	vld [tilespmem:$0x10]  }
0x45: {  	v15 =	vld [tilespmem:$0x20]  }
0x46: {  	v16 =	vld [tilespmem:$0x30]  }
0x47: {  	v17 =	vld [tilespmem:$0x40]  }
0x48: {  	v18 =	vld [tilespmem:$0x50]  }
0x49: {  	v19 =	vld [tilespmem:$0x60]  }
0x4a: {  	v22 =	vld [tilespmem:$0x70];
	vm0 =	veq.s32 v13, $0x0  }
0x4b: {  	v23 =	vld [tilespmem:$0x80];
	vm1 =	veq.s32 v14, $0x0;
	vm6 =	veq.s32 v15, $0x0;
	vm7 =	veq.s32 v16, $0x0  }
0x4c: {  	v24 =	vld [tilespmem:$0x90];
	vm8 =	veq.s32 v17, $0x0;
	v20 =	vsel vm0, $0x1, v1;
	v21 =	vsel vm1, $0x1, v1  }
0x4d: {  	v25 =	vld [tilespmem:$0xA0];
	vm9 =	veq.s32 v18, $0x0;
	v50 =	vsel vm6, $0x1, v1;
	v20 =	vadd.s32 v20, v21  }
0x4e: {  	v26 =	vld [tilespmem:$0xB0];
	vm10 =	veq.s32 v19, $0x0;
	v51 =	vsel vm7, $0x1, v1;
	v20 =	vadd.s32 v50, v20  }
0x4f: {  	v27 =	vld [tilespmem:$0xC0];
	vm11 =	veq.s32 v22, $0x0;
	v52 =	vsel vm8, $0x1, v1;
	v20 =	vadd.s32 v51, v20  }
0x50: {  	v28 =	vld [tilespmem:$0xD0];
	vm12 =	veq.s32 v23, $0x0;
	v53 =	vsel vm9, $0x1, v1;
	v20 =	vadd.s32 v52, v20  }
0x51: {  	vm13 =	veq.s32 v24, $0x0;
	v54 =	vsel vm10, $0x1, v1;
	v20 =	vadd.s32 v53, v20  }
0x52: {  	vm14 =	veq.s32 v25, $0x0;
	v55 =	vsel vm11, $0x1, v1;
	v20 =	vadd.s32 v54, v20  }
0x53: {  	v29 =	vld [tilespmem:$0xE0];
	vm15 =	veq.s32 v26, $0x0;
	v56 =	vsel vm12, $0x1, v1;
	v20 =	vadd.s32 v55, v20  }
0x54: {  	v30 =	vld [tilespmem:$0xF0];
	vm4 =	veq.s32 v27, $0x0;
	v57 =	vsel vm13, $0x1, v1;
	v20 =	vadd.s32 v56, v20  }
0x55: {  	vm5 =	veq.s32 v28, $0x0;
	v58 =	vsel vm14, $0x1, v1;
	v20 =	vadd.s32 v57, v20  }
0x56: {  	v13 =	vshrl.u32 v13, $0x1;
	v59 =	vsel vm15, $0x1, v1;
	v20 =	vadd.s32 v58, v20  }
0x57: {  	v14 =	vshrl.u32 v14, $0x1;
	v60 =	vsel vm4, $0x1, v1;
	v20 =	vadd.s32 v59, v20  }
0x58: {  	v61 =	vsel vm5, $0x1, v1;
	vm6 =	veq.s32 v29, $0x0;
	v20 =	vadd.s32 v60, v20  }
0x59: {  	s19 =	sshll.u32 s4, $0x9;
	vm7 =	veq.s32 v30, $0x0;
	v62 =	vsel vm6, $0x1, v1;
	v20 =	vadd.s32 v61, v20  }
0x5a: {  	v13 =	vadd.s32 s19, v13;
	v63 =	vsel vm7, $0x1, v1;
	v20 =	vadd.s32 v62, v20  }
0x5b: {  	[tilespmem:$0x100] =	vst v13;
	v13 =	vadd.s32 s19, v14;
	v14 =	vshrl.u32 v15, $0x1;
	v20 =	vadd.s32 v63, v20  }
0x5c: {  	[tilespmem:$0x110] =	vst v13;
	v13 =	vadd.s32 s19, v14;
	v14 =	vshrl.u32 v16, $0x1;
	(xrf0) =	vadd.scan.msk.s32 $0xffff, v20  }
0x5d: {  	[tilespmem:$0x120] =	vst v13;
	v13 =	vadd.s32 s19, v14;
	v14 =	vshrl.u32 v17, $0x1  }
0x5e: {  	[tilespmem:$0x130] =	vst v13;
	v13 =	vadd.s32 s19, v14;
	v14 =	vshrl.u32 v18, $0x1  }
0x5f: {  	[tilespmem:$0x140] =	vst v13;
	v13 =	vadd.s32 s19, v14;
	v14 =	vshrl.u32 v19, $0x1  }
0x60: {  	[tilespmem:$0x150] =	vst v13;
	v13 =	vadd.s32 s19, v14;
	v14 =	vshrl.u32 v22, $0x1  }
0x61: {  	[tilespmem:$0x160] =	vst v13;
	v13 =	vadd.s32 s19, v14;
	v14 =	vshrl.u32 v23, $0x1  }
0x62: {  	[tilespmem:$0x170] =	vst v13;
	v13 =	vadd.s32 s19, v14;
	v14 =	vshrl.u32 v24, $0x1;
	v15, _, _ =	vpop (xrf0)  }
0x63: {  	[tilespmem:$0x180] =	vst v13;
	v13 =	vadd.s32 s19, v14;
	v14 =	vshrl.u32 v25, $0x1;
	(v2sf) =	vpush v15, $0xF  }
0x64: {  	[tilespmem:$0x190] =	vst v13;
	v13 =	vadd.s32 s19, v14;
	v14 =	vshrl.u32 v26, $0x1  }
0x65: {  	[tilespmem:$0x1A0] =	vst v13;
	v13 =	vadd.s32 s19, v14;
	v14 =	vshrl.u32 v27, $0x1  }
0x66: {  	[tilespmem:$0x1B0] =	vst v13;
	v13 =	vadd.s32 s19, v14;
	v14 =	vshrl.u32 v28, $0x1  }
0x67: {  	[tilespmem:$0x1C0] =	vst v13;
	v13 =	vadd.s32 s19, v14;
	v14 =	vshrl.u32 v29, $0x1  }
0x68: {  	[tilespmem:$0x1D0] =	vst v13;
	v13 =	vadd.s32 s19, v14;
	v14 =	vshrl.u32 v30, $0x1  }
0x69: {  	[tilespmem:$0x1E0] =	vst v13;
	v13 =	vadd.s32 s19, v14  }
0x6a: {  	[tilespmem:$0x1F0] =	vst v13  }
0x6b: {  	[tilespmem:s26], [sflag:$0x4] =	stream.indirect.gather [hbm4b:s6+s17], $0x80, s25, s17, $0xb8;
	[tilespmem:$0x1DC80] =	vst v63  }
0x6c: {  	_ = 	snop  }
0x6d: {  	[tilespmem:s28], [sflag:$0x4] =	stream.indirect.gather [hbm4b:s9+s17], $0x80, s25, s17, $0xb8;
	[tilespmem:$0x1DC80] =	vst v63  }
0x6e: {  	_ = 	snop  }
0x6f: {  	[tilespmem:s30], [sflag:$0x5] =	stream.indirect.gather [hbm4b:s6+s17], $0x80, s29, s17, $0xb8;
	[tilespmem:$0x1DC80] =	vst v63  }
0x70: {  	_ = 	snop  }
0x71: {  	[tilespmem:s31], [sflag:$0x5] =	stream.indirect.gather [hbm4b:s9+s17], $0x80, s29, s17, $0xb8;
	[tilespmem:$0x1DC80] =	vst v63  }
0x72: {  	s20 =	spop (v2sf)  }
0x73: {  	_ =	swait.ge [sflag:s0], $0x80  }
0x74: {  	[sflag:s0] =	ssyncset.done $0x0  }
0x75: {  	[sflag:s0] =	ssyncadd.s32 $0xFFFFFF80  }
0x76: {  	_ =	swait.ge [sflag:s0], $0x80  }
0x77: {  	[sflag:s0] =	ssyncset.done $0x0  }
0x78: {  	[sflag:s0] =	ssyncadd.s32 $0xFFFFFF80  }
0x79: {  	_ =	swait.ge [sflag:s0], $0x80  }
0x7a: {  	[sflag:s0] =	ssyncset.done $0x0  }
0x7b: {  	[sflag:s0] =	ssyncadd.s32 $0xFFFFFF80  }
0x7c: {  	_ =	swait.ge [sflag:s0], $0x400  }
0x7d: {  	v13 =	vmov s4;
	[sflag:s0] =	ssyncset.done $0x0  }
0x7e: {  	[sflag:s0] =	ssyncadd.s32 $0xFFFFFC00  }
0x7f: {  	_ =	swait.ge [sflag:s8], $0x4000  }
0x80: {  	p0 =	seq.s32 s3, $0x0;
	[sflag:s8] =	ssyncset.done $0x0  }
0x81: {  	s21 =	simm.s32 $0x1D700;
	s15 =	simm.s32 @!p0 $0x6;
	[sflag:s8] =	ssyncadd.s32 $0xFFFFC000  }
0x82: {  	v13 =	vld.idx.msk [tilespmem:v13+s21+$0x0], $0xffff;
	_ =	swait.ge @!p0 [sflag:s15], $0x4880  }
0x83: {  	[sflag:s15] =	ssyncset.done @!p0 $0x0  }
0x84: {  	[sflag:s15] =	ssyncadd.s32 @!p0 $0xFFFFB780  }
0x85: {  	v14 =	vld [tilespmem:$0x0];
	_ =	sdelay $0x7  }
0x86: {  	v15 =	vld.idx.msk [tilespmem:v14+s22+$0x0], $0xffff;
	_ =	sdelay $0x3  }
0x87: {  	vm8 =	veq.s32 v14, $0x0  }
0x88: {  	v14 =	vsel vm8, v13, v15  }
0x89: {  	[tilespmem:v2+s2+$0x0] =	vst.idx.msk $0xffff, v14  }
0x8a: {  	v14 =	vld [tilespmem:$0x10];
	_ =	sdelay $0x7  }
0x8b: {  	v15 =	vld.idx.msk [tilespmem:v14+s22+$0x0], $0xffff;
	_ =	sdelay $0x3  }
0x8c: {  	vm9 =	veq.s32 v14, $0x0  }
0x8d: {  	v14 =	vsel vm9, v13, v15  }
0x8e: {  	[tilespmem:v3+s2+$0x0] =	vst.idx.msk $0xffff, v14  }
0x8f: {  	v14 =	vld [tilespmem:$0x20];
	_ =	sdelay $0x7  }
0x90: {  	v15 =	vld.idx.msk [tilespmem:v14+s22+$0x0], $0xffff;
	_ =	sdelay $0x3  }
0x91: {  	vm10 =	veq.s32 v14, $0x0  }
0x92: {  	v14 =	vsel vm10, v13, v15  }
0x93: {  	[tilespmem:v4+s2+$0x0] =	vst.idx.msk $0xffff, v14  }
0x94: {  	v14 =	vld [tilespmem:$0x30];
	_ =	sdelay $0x7  }
0x95: {  	v15 =	vld.idx.msk [tilespmem:v14+s22+$0x0], $0xffff;
	_ =	sdelay $0x3  }
0x96: {  	vm11 =	veq.s32 v14, $0x0  }
0x97: {  	v14 =	vsel vm11, v13, v15  }
0x98: {  	[tilespmem:v5+s2+$0x0] =	vst.idx.msk $0xffff, v14  }
0x99: {  	v14 =	vld [tilespmem:$0x40];
	_ =	sdelay $0x7  }
0x9a: {  	v15 =	vld.idx.msk [tilespmem:v14+s22+$0x0], $0xffff;
	_ =	sdelay $0x3  }
0x9b: {  	vm12 =	veq.s32 v14, $0x0  }
0x9c: {  	v14 =	vsel vm12, v13, v15  }
0x9d: {  	[tilespmem:v6+s2+$0x0] =	vst.idx.msk $0xffff, v14  }
0x9e: {  	v14 =	vld [tilespmem:$0x50];
	_ =	sdelay $0x7  }
0x9f: {  	v15 =	vld.idx.msk [tilespmem:v14+s22+$0x0], $0xffff;
	_ =	sdelay $0x3  }
0xa0: {  	vm13 =	veq.s32 v14, $0x0  }
0xa1: {  	v14 =	vsel vm13, v13, v15  }
0xa2: {  	[tilespmem:v7+s2+$0x0] =	vst.idx.msk $0xffff, v14  }
0xa3: {  	v14 =	vld [tilespmem:$0x60];
	_ =	sdelay $0x7  }
0xa4: {  	v15 =	vld.idx.msk [tilespmem:v14+s22+$0x0], $0xffff;
	_ =	sdelay $0x3  }
0xa5: {  	vm14 =	veq.s32 v14, $0x0  }
0xa6: {  	v14 =	vsel vm14, v13, v15  }
0xa7: {  	[tilespmem:v8+s2+$0x0] =	vst.idx.msk $0xffff, v14  }
0xa8: {  	v14 =	vld [tilespmem:$0x70];
	_ =	sdelay $0x7  }
0xa9: {  	v15 =	vld.idx.msk [tilespmem:v14+s22+$0x0], $0xffff;
	_ =	sdelay $0x3  }
0xaa: {  	vm15 =	veq.s32 v14, $0x0  }
0xab: {  	v14 =	vsel vm15, v13, v15  }
0xac: {  	[tilespmem:v9+s2+$0x0] =	vst.idx.msk $0xffff, v14  }
0xad: {  	p1 =	slt.s32 s20, $0x1;
	_ =	swait.ge [sflag:s14], $0x4000  }
.Ltmp4:
0xae: {  	[sflag:s14] =	ssyncset.done $0x0;
	(pc) =	sbr.rel @p1 .LBB2_6-.Ltmp4, $4  }
0xaf: {  	[sflag:s14] =	ssyncadd.s32 $0xFFFFC000  }
0xb0: {  	_ =	swait.ge [sflag:s14], $0x4000  }
0xb1: {  	s19 =	simm.s32 $0x0;
	[sflag:s14] =	ssyncset.done $0x0  }
0xb2: {  	v14 =	vmov s19;
	[sflag:s14] =	ssyncadd.s32 $0xFFFFC000  }
0xb3: {  	_ =	sdelay $0x3  }
0xb4: {  	v15 =	vld.idx.msk [tilespmem:v14+s5+$0x0], $0xffff;
	_ =	sdelay $0x4  }
0xb5: {  	v16 =	vshll.u32 v15, $0x6  }
0xb6: {  	v14 =	vshll.u32 v14, $0x7;
	v16 =	vand.u32 $0x40, v16  }
0xb7: {  	v14 =	vor.u32 v14, v16  }
0xb8: {  	v16 =	vor.u32 v0, v14;
	_ =	sdelay $0x3  }
0xb9: {  	v18 =	vld [tilespmem:$0x1DB00]  }
0xba: {  	v17 =	vld.idx.msk [tilespmem:v16+s26+$0x0], $0xffff  }
0xbb: {  	v19 =	vadd.s32 s19, v0  }
0xbc: {  	v20 =	vor.u32 v10, v14;
	_ =	sdelay $0x1  }
0xbd: {  	vm0 =	veq.s32 v15, $0x0  }
0xbe: {  	v17 =	vsel vm0, v18, v17  }
0xbf: {  	[tilespmem:v19+s2+$0x0] =	vst.idx.msk $0xffff, v17  }
0xc0: {  	v17 =	vld.idx.msk [tilespmem:v20+s26+$0x0], $0xffff  }
0xc1: {  	v18 =	vld [tilespmem:$0x1DB10]  }
0xc2: {  	v19 =	vadd.s32 s19, v10  }
0xc3: {  	v21 =	vor.u32 v11, v14;
	_ =	sdelay $0x2  }
0xc4: {  	v17 =	vsel vm0, v18, v17  }
0xc5: {  	[tilespmem:v19+s2+$0x0] =	vst.idx.msk $0xffff, v17  }
0xc6: {  	v17 =	vld.idx.msk [tilespmem:v21+s26+$0x0], $0xffff  }
0xc7: {  	v18 =	vld [tilespmem:$0x1DB20]  }
0xc8: {  	v19 =	vadd.s32 s19, v11  }
0xc9: {  	v14 =	vor.u32 v12, v14;
	_ =	sdelay $0x2  }
0xca: {  	v17 =	vsel vm0, v18, v17  }
0xcb: {  	[tilespmem:v19+s2+$0x0] =	vst.idx.msk $0xffff, v17  }
0xcc: {  	v17 =	vld.idx.msk [tilespmem:v14+s26+$0x0], $0xffff  }
0xcd: {  	v18 =	vld [tilespmem:$0x1DB30]  }
0xce: {  	v19 =	vadd.s32 s19, v12;
	_ =	sdelay $0x3  }
0xcf: {  	v17 =	vsel vm0, v18, v17  }
0xd0: {  	[tilespmem:v19+s2+$0x0] =	vst.idx.msk $0xffff, v17  }
0xd1: {  	v16 =	vld.idx.msk [tilespmem:v16+s28+$0x0], $0xffff  }
0xd2: {  	s15 =	simm.s32 $0x51;
	v17 =	vld [tilespmem:$0x1DC00]  }
0xd3: {  	v18 =	vadd.s32 s15, v0;
	_ =	sdelay $0x3  }
0xd4: {  	v16 =	vsel vm0, v17, v16  }
0xd5: {  	[tilespmem:v18+s2+$0x0] =	vst.idx.msk $0xffff, v16  }
0xd6: {  	v16 =	vld.idx.msk [tilespmem:v20+s28+$0x0], $0xffff  }
0xd7: {  	v17 =	vld [tilespmem:$0x1DC10]  }
0xd8: {  	v18 =	vadd.s32 s15, v10;
	_ =	sdelay $0x3  }
0xd9: {  	v16 =	vsel vm0, v17, v16  }
0xda: {  	[tilespmem:v18+s2+$0x0] =	vst.idx.msk $0xffff, v16  }
0xdb: {  	v16 =	vld.idx.msk [tilespmem:v21+s28+$0x0], $0xffff  }
0xdc: {  	v17 =	vld [tilespmem:$0x1DC20]  }
0xdd: {  	v18 =	vadd.s32 s15, v11;
	_ =	sdelay $0x3  }
0xde: {  	v16 =	vsel vm0, v17, v16  }
0xdf: {  	[tilespmem:v18+s2+$0x0] =	vst.idx.msk $0xffff, v16  }
0xe0: {  	v14 =	vld.idx.msk [tilespmem:v14+s28+$0x0], $0xffff  }
0xe1: {  	v16 =	vld [tilespmem:$0x1DC30]  }
0xe2: {  	v15 =	vshll.u32 v15, $0x4;
	v17 =	vadd.s32 s15, v12  }
0xe3: {  	v15 =	vor.u32 v0, v15;
	_ =	sdelay $0x2  }
0xe4: {  	v14 =	vsel vm0, v16, v14  }
0xe5: {  	[tilespmem:v17+s2+$0x0] =	vst.idx.msk $0xffff, v14  }
0xe6: {  	v16 =	vld.idx.msk [tilespmem:v15+s23+$0x0], $0xffff  }
0xe7: {  	v17 =	vld [tilespmem:$0x1DB80]  }
0xe8: {  	s21 =	simm.s32 $0x40  }
0xe9: {  	s7 =	simm.s32 $0x1;
	v15 =	vadd.s32 s21, v0  }
0xea: {  	v14 =	vmov s7;
	_ =	sdelay $0x1  }
0xeb: {  	s20 =	simm.s32 $0x2;
	v16 =	vsel vm0, v17, v16  }
.LBB2_4:
0xec: {  	p2 =	seq.s32 s20, $0x7F  }
0xed: {  	[tilespmem:v15+s2+$0x0] =	vst.idx.msk $0xffff, v16;
	s19 =	sadd.s32 $0x91, s19;
	s21 =	smov.u32 s20;
	s20 =	sadd.s32 $0x1, s20  }
0xee: {  	v15 =	vld.idx.msk [tilespmem:v14+s5+$0x0], $0xffff;
	_ =	sdelay $0x5  }
0xef: {  	v16 =	vshll.u32 v15, $0x6;
	v17 =	vshll.u32 v15, $0x4  }
0xf0: {  	v14 =	vshll.u32 v14, $0x7;
	v16 =	vand.u32 $0x40, v16  }
0xf1: {  	v14 =	vor.u32 v14, v16  }
0xf2: {  	v16 =	vor.u32 v0, v14;
	_ =	sdelay $0x4  }
0xf3: {  	v18 =	vld.idx.msk [tilespmem:v16+s26+$0x0], $0xffff  }
0xf4: {  	v19 =	vld [tilespmem:$0x1DB00]  }
0xf5: {  	v20 =	vadd.s32 s19, v0  }
0xf6: {  	v21 =	vor.u32 v10, v14;
	_ =	sdelay $0x1  }
0xf7: {  	vm0 =	veq.s32 v15, $0x0  }
0xf8: {  	v15 =	vsel vm0, v19, v18  }
0xf9: {  	[tilespmem:v20+s2+$0x0] =	vst.idx.msk $0xffff, v15  }
0xfa: {  	v15 =	vld.idx.msk [tilespmem:v21+s26+$0x0], $0xffff  }
0xfb: {  	v18 =	vld [tilespmem:$0x1DB10]  }
0xfc: {  	v19 =	vadd.s32 s19, v10  }
0xfd: {  	v20 =	vor.u32 v11, v14;
	_ =	sdelay $0x2  }
0xfe: {  	v15 =	vsel vm0, v18, v15  }
0xff: {  	[tilespmem:v19+s2+$0x0] =	vst.idx.msk $0xffff, v15  }
0x100: {  	v15 =	vld.idx.msk [tilespmem:v20+s26+$0x0], $0xffff  }
0x101: {  	v18 =	vld [tilespmem:$0x1DB20]  }
0x102: {  	v19 =	vadd.s32 s19, v11  }
0x103: {  	v14 =	vor.u32 v12, v14;
	_ =	sdelay $0x2  }
0x104: {  	v15 =	vsel vm0, v18, v15  }
0x105: {  	[tilespmem:v19+s2+$0x0] =	vst.idx.msk $0xffff, v15  }
0x106: {  	v15 =	vld.idx.msk [tilespmem:v14+s26+$0x0], $0xffff  }
0x107: {  	v18 =	vld [tilespmem:$0x1DB30]  }
0x108: {  	v19 =	vadd.s32 s19, v12;
	_ =	sdelay $0x3  }
0x109: {  	v15 =	vsel vm0, v18, v15  }
0x10a: {  	[tilespmem:v19+s2+$0x0] =	vst.idx.msk $0xffff, v15  }
0x10b: {  	v15 =	vld.idx.msk [tilespmem:v16+s28+$0x0], $0xffff  }
0x10c: {  	s15 =	sadd.s32 $0x51, s19;
	v16 =	vld [tilespmem:$0x1DC00]  }
0x10d: {  	v18 =	vadd.s32 s15, v0;
	_ =	sdelay $0x3  }
0x10e: {  	v15 =	vsel vm0, v16, v15  }
0x10f: {  	[tilespmem:v18+s2+$0x0] =	vst.idx.msk $0xffff, v15  }
0x110: {  	v15 =	vld.idx.msk [tilespmem:v21+s28+$0x0], $0xffff  }
0x111: {  	v16 =	vld [tilespmem:$0x1DC10]  }
0x112: {  	v18 =	vadd.s32 s15, v10;
	_ =	sdelay $0x3  }
0x113: {  	v15 =	vsel vm0, v16, v15  }
0x114: {  	[tilespmem:v18+s2+$0x0] =	vst.idx.msk $0xffff, v15  }
0x115: {  	v15 =	vld.idx.msk [tilespmem:v20+s28+$0x0], $0xffff  }
0x116: {  	v16 =	vld [tilespmem:$0x1DC20]  }
0x117: {  	v18 =	vadd.s32 s15, v11;
	_ =	sdelay $0x3  }
0x118: {  	v15 =	vsel vm0, v16, v15  }
0x119: {  	[tilespmem:v18+s2+$0x0] =	vst.idx.msk $0xffff, v15  }
0x11a: {  	v14 =	vld.idx.msk [tilespmem:v14+s28+$0x0], $0xffff  }
0x11b: {  	v15 =	vld [tilespmem:$0x1DC30]  }
0x11c: {  	v16 =	vadd.s32 s15, v12  }
0x11d: {  	v17 =	vor.u32 v0, v17;
	_ =	sdelay $0x2  }
0x11e: {  	v14 =	vsel vm0, v15, v14  }
0x11f: {  	[tilespmem:v16+s2+$0x0] =	vst.idx.msk $0xffff, v14  }
0x120: {  	v16 =	vld.idx.msk [tilespmem:v17+s23+$0x0], $0xffff  }
0x121: {  	s15 =	sadd.s32 $0x40, s19;
	v17 =	vld [tilespmem:$0x1DB80]  }
.Ltmp5:
0x122: {  	v15 =	vadd.s32 s15, v0;
	(pc) =	sbr.rel @!p2 .LBB2_4-.Ltmp5, $2  }
0x123: {  	v14 =	vmov s21;
	_ =	sdelay $0x2  }
0x124: {  	v16 =	vsel vm0, v17, v16  }
0x125: {  	_ =	sdelay $0x3  }
0x126: {  	[tilespmem:v15+s2+$0x0] =	vst.idx.msk $0xffff, v16  }
0x127: {  	v15 =	vld.idx.msk [tilespmem:v14+s5+$0x0], $0xffff;
	_ =	sdelay $0x4  }
0x128: {  	v50 =	vshll.u32 v15, $0x6  }
0x129: {  	v14 =	vshll.u32 v14, $0x7;
	v16 =	vand.u32 $0x40, v50  }
0x12a: {  	v14 =	vor.u32 v14, v16  }
0x12b: {  	v16 =	vor.u32 v0, v14;
	_ =	sdelay $0x3  }
0x12c: {  	v18 =	vld [tilespmem:$0x1DB00]  }
0x12d: {  	s15 =	sadd.s32 $0x91, s19;
	v17 =	vld.idx.msk [tilespmem:v16+s26+$0x0], $0xffff  }
0x12e: {  	v19 =	vadd.s32 s15, v0  }
0x12f: {  	v20 =	vor.u32 v10, v14;
	_ =	sdelay $0x1  }
0x130: {  	vm0 =	veq.s32 v15, $0x0  }
0x131: {  	v17 =	vsel vm0, v18, v17  }
0x132: {  	[tilespmem:v19+s2+$0x0] =	vst.idx.msk $0xffff, v17  }
0x133: {  	v17 =	vld.idx.msk [tilespmem:v20+s26+$0x0], $0xffff  }
0x134: {  	v51 =	vld [tilespmem:$0x1DB10]  }
0x135: {  	v52 =	vadd.s32 s15, v10  }
0x136: {  	v21 =	vor.u32 v11, v14;
	_ =	sdelay $0x2  }
0x137: {  	v17 =	vsel vm0, v51, v17  }
0x138: {  	[tilespmem:v52+s2+$0x0] =	vst.idx.msk $0xffff, v17  }
0x139: {  	v17 =	vld.idx.msk [tilespmem:v21+s26+$0x0], $0xffff  }
0x13a: {  	v53 =	vld [tilespmem:$0x1DB20]  }
0x13b: {  	v54 =	vadd.s32 s15, v11  }
0x13c: {  	v14 =	vor.u32 v12, v14;
	_ =	sdelay $0x2  }
0x13d: {  	v17 =	vsel vm0, v53, v17  }
0x13e: {  	[tilespmem:v54+s2+$0x0] =	vst.idx.msk $0xffff, v17  }
0x13f: {  	v17 =	vld.idx.msk [tilespmem:v14+s26+$0x0], $0xffff  }
0x140: {  	v55 =	vld [tilespmem:$0x1DB30]  }
0x141: {  	v56 =	vadd.s32 s15, v12;
	_ =	sdelay $0x3  }
0x142: {  	v17 =	vsel vm0, v55, v17  }
0x143: {  	[tilespmem:v56+s2+$0x0] =	vst.idx.msk $0xffff, v17  }
0x144: {  	v16 =	vld.idx.msk [tilespmem:v16+s28+$0x0], $0xffff  }
0x145: {  	s19 =	sadd.s32 $0x51, s15;
	v17 =	vld [tilespmem:$0x1DC00]  }
0x146: {  	v57 =	vadd.s32 s19, v0;
	_ =	sdelay $0x3  }
0x147: {  	v16 =	vsel vm0, v17, v16  }
0x148: {  	[tilespmem:v57+s2+$0x0] =	vst.idx.msk $0xffff, v16  }
0x149: {  	v16 =	vld.idx.msk [tilespmem:v20+s28+$0x0], $0xffff  }
0x14a: {  	v58 =	vld [tilespmem:$0x1DC10]  }
0x14b: {  	v59 =	vadd.s32 s19, v10;
	_ =	sdelay $0x3  }
0x14c: {  	v16 =	vsel vm0, v58, v16  }
0x14d: {  	[tilespmem:v59+s2+$0x0] =	vst.idx.msk $0xffff, v16  }
0x14e: {  	v16 =	vld.idx.msk [tilespmem:v21+s28+$0x0], $0xffff  }
0x14f: {  	v60 =	vld [tilespmem:$0x1DC20]  }
0x150: {  	v61 =	vadd.s32 s19, v11;
	_ =	sdelay $0x3  }
0x151: {  	v16 =	vsel vm0, v60, v16  }
0x152: {  	[tilespmem:v61+s2+$0x0] =	vst.idx.msk $0xffff, v16  }
0x153: {  	v14 =	vld.idx.msk [tilespmem:v14+s28+$0x0], $0xffff  }
0x154: {  	v16 =	vld [tilespmem:$0x1DC30]  }
0x155: {  	v62 =	vadd.s32 s19, v12;
	v15 =	vshll.u32 v15, $0x4  }
0x156: {  	v15 =	vor.u32 v0, v15;
	_ =	sdelay $0x2  }
0x157: {  	v14 =	vsel vm0, v16, v14  }
0x158: {  	[tilespmem:v62+s2+$0x0] =	vst.idx.msk $0xffff, v14  }
0x159: {  	v14 =	vld.idx.msk [tilespmem:v15+s23+$0x0], $0xffff  }
0x15a: {  	s15 =	sadd.s32 $0x40, s15;
	v15 =	vld [tilespmem:$0x1DB80]  }
0x15b: {  	v63 =	vadd.s32 s15, v0  }
.Ltmp6:
0x15c: {  	_ = 	snop;
	(pc) =	sbr.rel .LBB2_9-.Ltmp6, $3  }
0x15d: {  	_ =	sdelay $0x1  }
0x15e: {  	v14 =	vsel vm0, v15, v14  }
0x15f: {  	[tilespmem:v63+s2+$0x0] =	vst.idx.msk $0xffff, v14  }
.LBB2_6:
0x160: {  	_ =	sdelay $0x3  }
0x161: {  	v15 =	vld.idx.msk [tilespmem:v14+s5+$0x0], $0xffff;
	_ =	sdelay $0x4  }
0x162: {  	v16 =	vshll.u32 v15, $0x6  }
0x163: {  	v14 =	vshll.u32 v14, $0x7;
	v16 =	vand.u32 $0x40, v16  }
0x164: {  	v14 =	vor.u32 v14, v16  }
0x165: {  	v16 =	vor.u32 v0, v14;
	_ =	sdelay $0x4  }
0x166: {  	v18 =	vadd.s32 s19, v0;
	v17 =	vld.idx.msk [tilespmem:v16+s26+$0x0], $0xffff  }
0x167: {  	v19 =	vor.u32 v10, v14;
	_ =	sdelay $0x3  }
0x168: {  	[tilespmem:v18+s2+$0x0] =	vst.idx.msk $0xffff, v17  }
0x169: {  	v18 =	vadd.s32 s19, v10;
	v17 =	vld.idx.msk [tilespmem:v19+s26+$0x0], $0xffff  }
0x16a: {  	v20 =	vor.u32 v11, v14;
	_ =	sdelay $0x3  }
0x16b: {  	[tilespmem:v18+s2+$0x0] =	vst.idx.msk $0xffff, v17  }
0x16c: {  	v18 =	vadd.s32 s19, v11;
	v17 =	vld.idx.msk [tilespmem:v20+s26+$0x0], $0xffff  }
0x16d: {  	v14 =	vor.u32 v12, v14;
	_ =	sdelay $0x3  }
0x16e: {  	[tilespmem:v18+s2+$0x0] =	vst.idx.msk $0xffff, v17  }
0x16f: {  	v18 =	vadd.s32 s19, v12;
	v17 =	vld.idx.msk [tilespmem:v14+s26+$0x0], $0xffff;
	_ =	sdelay $0x4  }
0x170: {  	s15 =	simm.s32 $0x51;
	[tilespmem:v18+s2+$0x0] =	vst.idx.msk $0xffff, v17  }
0x171: {  	v17 =	vadd.s32 s15, v0;
	v16 =	vld.idx.msk [tilespmem:v16+s28+$0x0], $0xffff;
	_ =	sdelay $0x4  }
0x172: {  	[tilespmem:v17+s2+$0x0] =	vst.idx.msk $0xffff, v16  }
0x173: {  	v17 =	vadd.s32 s15, v10;
	v16 =	vld.idx.msk [tilespmem:v19+s28+$0x0], $0xffff;
	_ =	sdelay $0x4  }
0x174: {  	[tilespmem:v17+s2+$0x0] =	vst.idx.msk $0xffff, v16  }
0x175: {  	v17 =	vadd.s32 s15, v11;
	v16 =	vld.idx.msk [tilespmem:v20+s28+$0x0], $0xffff;
	_ =	sdelay $0x4  }
0x176: {  	[tilespmem:v17+s2+$0x0] =	vst.idx.msk $0xffff, v16  }
0x177: {  	v15 =	vshll.u32 v15, $0x4;
	v16 =	vadd.s32 s15, v12;
	v14 =	vld.idx.msk [tilespmem:v14+s28+$0x0], $0xffff  }
0x178: {  	v15 =	vor.u32 v0, v15;
	_ =	sdelay $0x3  }
0x179: {  	s21 =	simm.s32 $0x40;
	[tilespmem:v16+s2+$0x0] =	vst.idx.msk $0xffff, v14  }
0x17a: {  	s7 =	simm.s32 $0x1;
	v16 =	vadd.s32 s21, v0;
	v15 =	vld.idx.msk [tilespmem:v15+s23+$0x0], $0xffff  }
0x17b: {  	s20 =	simm.s32 $0x2;
	v14 =	vmov s7  }
.LBB2_7:
0x17c: {  	_ =	sdelay $0x1  }
0x17d: {  	p2 =	sne.s32 s20, $0x7F  }
0x17e: {  	s19 =	sadd.s32 $0x91, s19;
	s21 =	smov.u32 s20;
	s20 =	sadd.s32 $0x1, s20;
	[tilespmem:v16+s2+$0x0] =	vst.idx.msk $0xffff, v15  }
0x17f: {  	v15 =	vld.idx.msk [tilespmem:v14+s5+$0x0], $0xffff;
	_ =	sdelay $0x5  }
0x180: {  	v16 =	vshll.u32 v15, $0x6;
	v15 =	vshll.u32 v15, $0x4  }
0x181: {  	v14 =	vshll.u32 v14, $0x7;
	v16 =	vand.u32 $0x40, v16  }
0x182: {  	v14 =	vor.u32 v14, v16  }
0x183: {  	v16 =	vor.u32 v0, v14;
	_ =	sdelay $0x4  }
0x184: {  	v17 =	vld.idx.msk [tilespmem:v16+s26+$0x0], $0xffff  }
0x185: {  	v18 =	vadd.s32 s19, v0  }
0x186: {  	v19 =	vor.u32 v10, v14;
	_ =	sdelay $0x3  }
0x187: {  	[tilespmem:v18+s2+$0x0] =	vst.idx.msk $0xffff, v17  }
0x188: {  	v17 =	vld.idx.msk [tilespmem:v19+s26+$0x0], $0xffff  }
0x189: {  	v18 =	vadd.s32 s19, v10  }
0x18a: {  	v20 =	vor.u32 v11, v14;
	_ =	sdelay $0x3  }
0x18b: {  	[tilespmem:v18+s2+$0x0] =	vst.idx.msk $0xffff, v17  }
0x18c: {  	v17 =	vld.idx.msk [tilespmem:v20+s26+$0x0], $0xffff  }
0x18d: {  	v18 =	vadd.s32 s19, v11  }
0x18e: {  	v14 =	vor.u32 v12, v14;
	_ =	sdelay $0x3  }
0x18f: {  	[tilespmem:v18+s2+$0x0] =	vst.idx.msk $0xffff, v17  }
0x190: {  	v17 =	vld.idx.msk [tilespmem:v14+s26+$0x0], $0xffff  }
0x191: {  	v18 =	vadd.s32 s19, v12;
	_ =	sdelay $0x4  }
0x192: {  	[tilespmem:v18+s2+$0x0] =	vst.idx.msk $0xffff, v17  }
0x193: {  	s15 =	sadd.s32 $0x51, s19;
	v16 =	vld.idx.msk [tilespmem:v16+s28+$0x0], $0xffff  }
0x194: {  	v17 =	vadd.s32 s15, v0;
	_ =	sdelay $0x4  }
0x195: {  	[tilespmem:v17+s2+$0x0] =	vst.idx.msk $0xffff, v16  }
0x196: {  	v16 =	vld.idx.msk [tilespmem:v19+s28+$0x0], $0xffff  }
0x197: {  	v17 =	vadd.s32 s15, v10;
	_ =	sdelay $0x4  }
0x198: {  	[tilespmem:v17+s2+$0x0] =	vst.idx.msk $0xffff, v16  }
0x199: {  	v16 =	vld.idx.msk [tilespmem:v20+s28+$0x0], $0xffff  }
0x19a: {  	v17 =	vadd.s32 s15, v11;
	_ =	sdelay $0x4  }
0x19b: {  	[tilespmem:v17+s2+$0x0] =	vst.idx.msk $0xffff, v16  }
0x19c: {  	v14 =	vld.idx.msk [tilespmem:v14+s28+$0x0], $0xffff  }
0x19d: {  	v16 =	vadd.s32 s15, v12  }
0x19e: {  	v15 =	vor.u32 v0, v15;
	_ =	sdelay $0x2  }
.Ltmp7:
0x19f: {  	(pc) =	sbr.rel @p2 .LBB2_7-.Ltmp7, $4  }
0x1a0: {  	[tilespmem:v16+s2+$0x0] =	vst.idx.msk $0xffff, v14  }
0x1a1: {  	s15 =	sadd.s32 $0x40, s19;
	v15 =	vld.idx.msk [tilespmem:v15+s23+$0x0], $0xffff  }
0x1a2: {  	v16 =	vadd.s32 s15, v0  }
0x1a3: {  	v14 =	vmov s21  }
0x1a4: {  	_ =	sdelay $0x3  }
0x1a5: {  	[tilespmem:v16+s2+$0x0] =	vst.idx.msk $0xffff, v15  }
0x1a6: {  	v15 =	vld.idx.msk [tilespmem:v14+s5+$0x0], $0xffff;
	_ =	sdelay $0x4  }
0x1a7: {  	v56 =	vshll.u32 v15, $0x6  }
0x1a8: {  	v14 =	vshll.u32 v14, $0x7;
	v16 =	vand.u32 $0x40, v56  }
0x1a9: {  	v14 =	vor.u32 v14, v16  }
0x1aa: {  	v16 =	vor.u32 v0, v14;
	_ =	sdelay $0x3  }
0x1ab: {  	s15 =	sadd.s32 $0x91, s19  }
0x1ac: {  	v18 =	vadd.s32 s15, v0;
	v17 =	vld.idx.msk [tilespmem:v16+s26+$0x0], $0xffff  }
0x1ad: {  	v19 =	vor.u32 v10, v14;
	_ =	sdelay $0x3  }
0x1ae: {  	[tilespmem:v18+s2+$0x0] =	vst.idx.msk $0xffff, v17  }
0x1af: {  	v57 =	vadd.s32 s15, v10;
	v17 =	vld.idx.msk [tilespmem:v19+s26+$0x0], $0xffff  }
0x1b0: {  	v20 =	vor.u32 v11, v14;
	_ =	sdelay $0x3  }
0x1b1: {  	[tilespmem:v57+s2+$0x0] =	vst.idx.msk $0xffff, v17  }
0x1b2: {  	v58 =	vadd.s32 s15, v11;
	v17 =	vld.idx.msk [tilespmem:v20+s26+$0x0], $0xffff  }
0x1b3: {  	v14 =	vor.u32 v12, v14;
	_ =	sdelay $0x3  }
0x1b4: {  	[tilespmem:v58+s2+$0x0] =	vst.idx.msk $0xffff, v17  }
0x1b5: {  	v59 =	vadd.s32 s15, v12;
	v17 =	vld.idx.msk [tilespmem:v14+s26+$0x0], $0xffff;
	_ =	sdelay $0x4  }
0x1b6: {  	s19 =	sadd.s32 $0x51, s15;
	[tilespmem:v59+s2+$0x0] =	vst.idx.msk $0xffff, v17  }
0x1b7: {  	v60 =	vadd.s32 s19, v0;
	v16 =	vld.idx.msk [tilespmem:v16+s28+$0x0], $0xffff;
	_ =	sdelay $0x4  }
0x1b8: {  	[tilespmem:v60+s2+$0x0] =	vst.idx.msk $0xffff, v16  }
0x1b9: {  	v61 =	vadd.s32 s19, v10;
	v16 =	vld.idx.msk [tilespmem:v19+s28+$0x0], $0xffff;
	_ =	sdelay $0x4  }
0x1ba: {  	[tilespmem:v61+s2+$0x0] =	vst.idx.msk $0xffff, v16  }
0x1bb: {  	v62 =	vadd.s32 s19, v11;
	v16 =	vld.idx.msk [tilespmem:v20+s28+$0x0], $0xffff;
	_ =	sdelay $0x4  }
0x1bc: {  	[tilespmem:v62+s2+$0x0] =	vst.idx.msk $0xffff, v16  }
0x1bd: {  	v63 =	vadd.s32 s19, v12;
	v15 =	vshll.u32 v15, $0x4;
	v14 =	vld.idx.msk [tilespmem:v14+s28+$0x0], $0xffff  }
0x1be: {  	v15 =	vor.u32 v0, v15;
	_ =	sdelay $0x3  }
0x1bf: {  	s15 =	sadd.s32 $0x40, s15;
	[tilespmem:v63+s2+$0x0] =	vst.idx.msk $0xffff, v14  }
0x1c0: {  	v14 =	vld.idx.msk [tilespmem:v15+s23+$0x0], $0xffff;
	v15 =	vadd.s32 s15, v0;
	_ =	sdelay $0x4  }
0x1c1: {  	[tilespmem:v15+s2+$0x0] =	vst.idx.msk $0xffff, v14  }
.LBB2_9:
0x1c2: {  	s4 =	smul.u32 $0x9100, s4;
	_ =	sdelay $0x1  }
0x1c3: {  	s15 =	rddreg [dreg:$0x4];
	s4 =	sshrl.u32 s4, $0x3  }
0x1c4: {  	s4 =	sadd.s32 s15, s4;
	s15 =	simm.s32 @!p0 $0x6  }
0x1c5: {  	[hbm4b:s4+s5] =	stream.linear.scatter [tilespmem:s2], [sflag:$0x6], $0x4880, $0x38;
	[tilespmem:$0x1DC80] =	vst v63  }
0x1c6: {  	_ =	swait.ge @!p0 [sflag:s15], $0x4880  }
0x1c7: {  	[sflag:s15] =	ssyncset.done @!p0 $0x0  }
0x1c8: {  	[sflag:s15] =	ssyncadd.s32 @!p0 $0xFFFFB780  }
0x1c9: {  	v14 =	vld [tilespmem:$0x80];
	_ =	sdelay $0x7  }
0x1ca: {  	v15 =	vld.idx.msk [tilespmem:v14+s22+$0x0], $0xffff;
	_ =	sdelay $0x3  }
0x1cb: {  	vm0 =	veq.s32 v14, $0x0  }
0x1cc: {  	v14 =	vsel vm0, v13, v15  }
0x1cd: {  	[tilespmem:v2+s16+$0x0] =	vst.idx.msk $0xffff, v14  }
0x1ce: {  	v14 =	vld [tilespmem:$0x90];
	_ =	sdelay $0x7  }
0x1cf: {  	v15 =	vld.idx.msk [tilespmem:v14+s22+$0x0], $0xffff;
	_ =	sdelay $0x3  }
0x1d0: {  	vm9 =	veq.s32 v14, $0x0  }
0x1d1: {  	v14 =	vsel vm9, v13, v15  }
0x1d2: {  	[tilespmem:v3+s16+$0x0] =	vst.idx.msk $0xffff, v14  }
0x1d3: {  	v14 =	vld [tilespmem:$0xA0];
	_ =	sdelay $0x7  }
0x1d4: {  	v15 =	vld.idx.msk [tilespmem:v14+s22+$0x0], $0xffff;
	_ =	sdelay $0x3  }
0x1d5: {  	vm10 =	veq.s32 v14, $0x0  }
0x1d6: {  	v14 =	vsel vm10, v13, v15  }
0x1d7: {  	[tilespmem:v4+s16+$0x0] =	vst.idx.msk $0xffff, v14  }
0x1d8: {  	v14 =	vld [tilespmem:$0xB0];
	_ =	sdelay $0x7  }
0x1d9: {  	v15 =	vld.idx.msk [tilespmem:v14+s22+$0x0], $0xffff;
	_ =	sdelay $0x3  }
0x1da: {  	vm11 =	veq.s32 v14, $0x0  }
0x1db: {  	v14 =	vsel vm11, v13, v15  }
0x1dc: {  	[tilespmem:v5+s16+$0x0] =	vst.idx.msk $0xffff, v14  }
0x1dd: {  	v14 =	vld [tilespmem:$0xC0];
	_ =	sdelay $0x7  }
0x1de: {  	v15 =	vld.idx.msk [tilespmem:v14+s22+$0x0], $0xffff;
	_ =	sdelay $0x3  }
0x1df: {  	vm12 =	veq.s32 v14, $0x0  }
0x1e0: {  	v14 =	vsel vm12, v13, v15  }
0x1e1: {  	[tilespmem:v6+s16+$0x0] =	vst.idx.msk $0xffff, v14  }
0x1e2: {  	v14 =	vld [tilespmem:$0xD0];
	_ =	sdelay $0x7  }
0x1e3: {  	v15 =	vld.idx.msk [tilespmem:v14+s22+$0x0], $0xffff;
	_ =	sdelay $0x3  }
0x1e4: {  	vm13 =	veq.s32 v14, $0x0  }
0x1e5: {  	v14 =	vsel vm13, v13, v15  }
0x1e6: {  	[tilespmem:v7+s16+$0x0] =	vst.idx.msk $0xffff, v14  }
0x1e7: {  	v14 =	vld [tilespmem:$0xE0];
	_ =	sdelay $0x7  }
0x1e8: {  	v15 =	vld.idx.msk [tilespmem:v14+s22+$0x0], $0xffff;
	_ =	sdelay $0x3  }
0x1e9: {  	vm14 =	veq.s32 v14, $0x0  }
0x1ea: {  	v14 =	vsel vm14, v13, v15  }
0x1eb: {  	[tilespmem:v8+s16+$0x0] =	vst.idx.msk $0xffff, v14  }
0x1ec: {  	v14 =	vld [tilespmem:$0xF0];
	_ =	sdelay $0x7  }
0x1ed: {  	v15 =	vld.idx.msk [tilespmem:v14+s22+$0x0], $0xffff;
	_ =	sdelay $0x3  }
0x1ee: {  	vm15 =	veq.s32 v14, $0x0  }
0x1ef: {  	v13 =	vsel vm15, v13, v15  }
0x1f0: {  	[tilespmem:v9+s16+$0x0] =	vst.idx.msk $0xffff, v13  }
0x1f1: {  	_ =	swait.ge [sflag:s1], $0x4000  }
.Ltmp8:
0x1f2: {  	[sflag:s1] =	ssyncset.done $0x0;
	(pc) =	sbr.rel @p1 .LBB2_13-.Ltmp8, $4  }
0x1f3: {  	[sflag:s1] =	ssyncadd.s32 $0xFFFFC000  }
0x1f4: {  	s19 =	simm.s32 $0x0;
	_ =	swait.ge [sflag:s1], $0x4000  }
0x1f5: {  	v13 =	vmov s19;
	[sflag:s1] =	ssyncset.done $0x0  }
0x1f6: {  	v14 =	vor.u32 $0x80, v13;
	[sflag:s1] =	ssyncadd.s32 $0xFFFFC000  }
0x1f7: {  	_ =	sdelay $0x3  }
0x1f8: {  	v14 =	vld.idx.msk [tilespmem:v14+s5+$0x0], $0xffff;
	_ =	sdelay $0x4  }
0x1f9: {  	v15 =	vshll.u32 v14, $0x6  }
0x1fa: {  	v13 =	vshll.u32 v13, $0x7;
	v15 =	vand.u32 $0x40, v15  }
0x1fb: {  	v13 =	vor.u32 v13, v15  }
0x1fc: {  	v15 =	vor.u32 v0, v13;
	_ =	sdelay $0x3  }
0x1fd: {  	v17 =	vld [tilespmem:$0x1DB00]  }
0x1fe: {  	v16 =	vld.idx.msk [tilespmem:v15+s30+$0x0], $0xffff  }
0x1ff: {  	v18 =	vadd.s32 s19, v0  }
0x200: {  	v19 =	vor.u32 v10, v13;
	_ =	sdelay $0x1  }
0x201: {  	vm0 =	veq.s32 v14, $0x0  }
0x202: {  	v16 =	vsel vm0, v17, v16  }
0x203: {  	[tilespmem:v18+s16+$0x0] =	vst.idx.msk $0xffff, v16  }
0x204: {  	v16 =	vld.idx.msk [tilespmem:v19+s30+$0x0], $0xffff  }
0x205: {  	v17 =	vld [tilespmem:$0x1DB10]  }
0x206: {  	v18 =	vadd.s32 s19, v10  }
0x207: {  	v20 =	vor.u32 v11, v13;
	_ =	sdelay $0x2  }
0x208: {  	v16 =	vsel vm0, v17, v16  }
0x209: {  	[tilespmem:v18+s16+$0x0] =	vst.idx.msk $0xffff, v16  }
0x20a: {  	v16 =	vld.idx.msk [tilespmem:v20+s30+$0x0], $0xffff  }
0x20b: {  	v17 =	vld [tilespmem:$0x1DB20]  }
0x20c: {  	v18 =	vadd.s32 s19, v11  }
0x20d: {  	v13 =	vor.u32 v12, v13;
	_ =	sdelay $0x2  }
0x20e: {  	v16 =	vsel vm0, v17, v16  }
0x20f: {  	[tilespmem:v18+s16+$0x0] =	vst.idx.msk $0xffff, v16  }
0x210: {  	v16 =	vld.idx.msk [tilespmem:v13+s30+$0x0], $0xffff  }
0x211: {  	v17 =	vld [tilespmem:$0x1DB30]  }
0x212: {  	v18 =	vadd.s32 s19, v12;
	_ =	sdelay $0x3  }
0x213: {  	v16 =	vsel vm0, v17, v16  }
0x214: {  	[tilespmem:v18+s16+$0x0] =	vst.idx.msk $0xffff, v16  }
0x215: {  	v15 =	vld.idx.msk [tilespmem:v15+s31+$0x0], $0xffff  }
0x216: {  	s15 =	simm.s32 $0x51;
	v16 =	vld [tilespmem:$0x1DC00]  }
0x217: {  	v17 =	vadd.s32 s15, v0;
	_ =	sdelay $0x3  }
0x218: {  	v15 =	vsel vm0, v16, v15  }
0x219: {  	[tilespmem:v17+s16+$0x0] =	vst.idx.msk $0xffff, v15  }
0x21a: {  	v15 =	vld.idx.msk [tilespmem:v19+s31+$0x0], $0xffff  }
0x21b: {  	v16 =	vld [tilespmem:$0x1DC10]  }
0x21c: {  	v17 =	vadd.s32 s15, v10;
	_ =	sdelay $0x3  }
0x21d: {  	v15 =	vsel vm0, v16, v15  }
0x21e: {  	[tilespmem:v17+s16+$0x0] =	vst.idx.msk $0xffff, v15  }
0x21f: {  	v15 =	vld.idx.msk [tilespmem:v20+s31+$0x0], $0xffff  }
0x220: {  	v16 =	vld [tilespmem:$0x1DC20]  }
0x221: {  	v17 =	vadd.s32 s15, v11;
	_ =	sdelay $0x3  }
0x222: {  	v15 =	vsel vm0, v16, v15  }
0x223: {  	[tilespmem:v17+s16+$0x0] =	vst.idx.msk $0xffff, v15  }
0x224: {  	v13 =	vld.idx.msk [tilespmem:v13+s31+$0x0], $0xffff  }
0x225: {  	v15 =	vld [tilespmem:$0x1DC30]  }
0x226: {  	v14 =	vshll.u32 v14, $0x4;
	v16 =	vadd.s32 s15, v12  }
0x227: {  	v14 =	vor.u32 v0, v14;
	_ =	sdelay $0x2  }
0x228: {  	v13 =	vsel vm0, v15, v13  }
0x229: {  	[tilespmem:v16+s16+$0x0] =	vst.idx.msk $0xffff, v13  }
0x22a: {  	v16 =	vld.idx.msk [tilespmem:v14+s23+$0x0], $0xffff  }
0x22b: {  	v17 =	vld [tilespmem:$0x1DB80]  }
0x22c: {  	s20 =	simm.s32 $0x1;
	s21 =	simm.s32 $0x40  }
0x22d: {  	v15 =	vadd.s32 s21, v0;
	v13 =	vmov s20  }
0x22e: {  	v14 =	vor.u32 $0x80, v13;
	_ =	sdelay $0x1  }
0x22f: {  	s20 =	simm.s32 $0x2;
	v16 =	vsel vm0, v17, v16  }
.LBB2_11:
0x230: {  	p0 =	seq.s32 s20, $0x7F  }
0x231: {  	[tilespmem:v15+s16+$0x0] =	vst.idx.msk $0xffff, v16;
	s19 =	sadd.s32 $0x91, s19;
	s21 =	smov.u32 s20;
	s20 =	sadd.s32 $0x1, s20  }
0x232: {  	v14 =	vld.idx.msk [tilespmem:v14+s5+$0x0], $0xffff;
	_ =	sdelay $0x5  }
0x233: {  	v15 =	vshll.u32 v14, $0x6;
	v16 =	vshll.u32 v14, $0x4  }
0x234: {  	v13 =	vshll.u32 v13, $0x7;
	v15 =	vand.u32 $0x40, v15  }
0x235: {  	v13 =	vor.u32 v13, v15  }
0x236: {  	v15 =	vor.u32 v0, v13;
	_ =	sdelay $0x4  }
0x237: {  	v17 =	vld.idx.msk [tilespmem:v15+s30+$0x0], $0xffff  }
0x238: {  	v18 =	vld [tilespmem:$0x1DB00]  }
0x239: {  	v19 =	vadd.s32 s19, v0  }
0x23a: {  	v20 =	vor.u32 v10, v13;
	_ =	sdelay $0x1  }
0x23b: {  	vm0 =	veq.s32 v14, $0x0  }
0x23c: {  	v14 =	vsel vm0, v18, v17  }
0x23d: {  	[tilespmem:v19+s16+$0x0] =	vst.idx.msk $0xffff, v14  }
0x23e: {  	v14 =	vld.idx.msk [tilespmem:v20+s30+$0x0], $0xffff  }
0x23f: {  	v17 =	vld [tilespmem:$0x1DB10]  }
0x240: {  	v18 =	vadd.s32 s19, v10  }
0x241: {  	v19 =	vor.u32 v11, v13;
	_ =	sdelay $0x2  }
0x242: {  	v14 =	vsel vm0, v17, v14  }
0x243: {  	[tilespmem:v18+s16+$0x0] =	vst.idx.msk $0xffff, v14  }
0x244: {  	v14 =	vld.idx.msk [tilespmem:v19+s30+$0x0], $0xffff  }
0x245: {  	v17 =	vld [tilespmem:$0x1DB20]  }
0x246: {  	v18 =	vadd.s32 s19, v11  }
0x247: {  	v13 =	vor.u32 v12, v13;
	_ =	sdelay $0x2  }
0x248: {  	v14 =	vsel vm0, v17, v14  }
0x249: {  	[tilespmem:v18+s16+$0x0] =	vst.idx.msk $0xffff, v14  }
0x24a: {  	v14 =	vld.idx.msk [tilespmem:v13+s30+$0x0], $0xffff  }
0x24b: {  	v17 =	vld [tilespmem:$0x1DB30]  }
0x24c: {  	v18 =	vadd.s32 s19, v12;
	_ =	sdelay $0x3  }
0x24d: {  	v14 =	vsel vm0, v17, v14  }
0x24e: {  	[tilespmem:v18+s16+$0x0] =	vst.idx.msk $0xffff, v14  }
0x24f: {  	v14 =	vld.idx.msk [tilespmem:v15+s31+$0x0], $0xffff  }
0x250: {  	s15 =	sadd.s32 $0x51, s19;
	v15 =	vld [tilespmem:$0x1DC00]  }
0x251: {  	v17 =	vadd.s32 s15, v0;
	_ =	sdelay $0x3  }
0x252: {  	v14 =	vsel vm0, v15, v14  }
0x253: {  	[tilespmem:v17+s16+$0x0] =	vst.idx.msk $0xffff, v14  }
0x254: {  	v14 =	vld.idx.msk [tilespmem:v20+s31+$0x0], $0xffff  }
0x255: {  	v15 =	vld [tilespmem:$0x1DC10]  }
0x256: {  	v17 =	vadd.s32 s15, v10;
	_ =	sdelay $0x3  }
0x257: {  	v14 =	vsel vm0, v15, v14  }
0x258: {  	[tilespmem:v17+s16+$0x0] =	vst.idx.msk $0xffff, v14  }
0x259: {  	v14 =	vld.idx.msk [tilespmem:v19+s31+$0x0], $0xffff  }
0x25a: {  	v15 =	vld [tilespmem:$0x1DC20]  }
0x25b: {  	v17 =	vadd.s32 s15, v11;
	_ =	sdelay $0x3  }
0x25c: {  	v14 =	vsel vm0, v15, v14  }
0x25d: {  	[tilespmem:v17+s16+$0x0] =	vst.idx.msk $0xffff, v14  }
0x25e: {  	v13 =	vld.idx.msk [tilespmem:v13+s31+$0x0], $0xffff  }
0x25f: {  	v14 =	vld [tilespmem:$0x1DC30]  }
0x260: {  	v15 =	vadd.s32 s15, v12  }
0x261: {  	v16 =	vor.u32 v0, v16;
	_ =	sdelay $0x2  }
0x262: {  	v13 =	vsel vm0, v14, v13  }
0x263: {  	[tilespmem:v15+s16+$0x0] =	vst.idx.msk $0xffff, v13  }
0x264: {  	v16 =	vld.idx.msk [tilespmem:v16+s23+$0x0], $0xffff  }
0x265: {  	s15 =	sadd.s32 $0x40, s19;
	v17 =	vld [tilespmem:$0x1DB80]  }
.Ltmp9:
0x266: {  	v13 =	vmov s21;
	v15 =	vadd.s32 s15, v0;
	(pc) =	sbr.rel @!p0 .LBB2_11-.Ltmp9, $2  }
0x267: {  	v14 =	vor.u32 $0x80, v13;
	_ =	sdelay $0x2  }
0x268: {  	v16 =	vsel vm0, v17, v16  }
0x269: {  	_ =	sdelay $0x3  }
0x26a: {  	[tilespmem:v15+s16+$0x0] =	vst.idx.msk $0xffff, v16  }
0x26b: {  	v14 =	vld.idx.msk [tilespmem:v14+s5+$0x0], $0xffff;
	_ =	sdelay $0x4  }
0x26c: {  	v15 =	vshll.u32 v14, $0x6  }
0x26d: {  	v13 =	vshll.u32 v13, $0x7;
	v15 =	vand.u32 $0x40, v15  }
0x26e: {  	v13 =	vor.u32 v13, v15  }
0x26f: {  	v15 =	vor.u32 v0, v13;
	_ =	sdelay $0x3  }
0x270: {  	v17 =	vld [tilespmem:$0x1DB00]  }
0x271: {  	s15 =	sadd.s32 $0x91, s19;
	v16 =	vld.idx.msk [tilespmem:v15+s30+$0x0], $0xffff  }
0x272: {  	v18 =	vadd.s32 s15, v0  }
0x273: {  	v19 =	vor.u32 v10, v13;
	_ =	sdelay $0x1  }
0x274: {  	vm0 =	veq.s32 v14, $0x0  }
0x275: {  	v16 =	vsel vm0, v17, v16  }
0x276: {  	[tilespmem:v18+s16+$0x0] =	vst.idx.msk $0xffff, v16  }
0x277: {  	v16 =	vld.idx.msk [tilespmem:v19+s30+$0x0], $0xffff  }
0x278: {  	v52 =	vld [tilespmem:$0x1DB10]  }
0x279: {  	v53 =	vadd.s32 s15, v10  }
0x27a: {  	v20 =	vor.u32 v11, v13;
	_ =	sdelay $0x2  }
0x27b: {  	v16 =	vsel vm0, v52, v16  }
0x27c: {  	[tilespmem:v53+s16+$0x0] =	vst.idx.msk $0xffff, v16  }
0x27d: {  	v16 =	vld.idx.msk [tilespmem:v20+s30+$0x0], $0xffff  }
0x27e: {  	v54 =	vld [tilespmem:$0x1DB20]  }
0x27f: {  	v55 =	vadd.s32 s15, v11  }
0x280: {  	v13 =	vor.u32 v12, v13;
	_ =	sdelay $0x2  }
0x281: {  	v16 =	vsel vm0, v54, v16  }
0x282: {  	[tilespmem:v55+s16+$0x0] =	vst.idx.msk $0xffff, v16  }
0x283: {  	v16 =	vld.idx.msk [tilespmem:v13+s30+$0x0], $0xffff  }
0x284: {  	v56 =	vld [tilespmem:$0x1DB30]  }
0x285: {  	v57 =	vadd.s32 s15, v12;
	_ =	sdelay $0x3  }
0x286: {  	v16 =	vsel vm0, v56, v16  }
0x287: {  	[tilespmem:v57+s16+$0x0] =	vst.idx.msk $0xffff, v16  }
0x288: {  	v15 =	vld.idx.msk [tilespmem:v15+s31+$0x0], $0xffff  }
0x289: {  	s19 =	sadd.s32 $0x51, s15;
	v16 =	vld [tilespmem:$0x1DC00]  }
0x28a: {  	v58 =	vadd.s32 s19, v0;
	_ =	sdelay $0x3  }
0x28b: {  	v15 =	vsel vm0, v16, v15  }
0x28c: {  	[tilespmem:v58+s16+$0x0] =	vst.idx.msk $0xffff, v15  }
0x28d: {  	v15 =	vld.idx.msk [tilespmem:v19+s31+$0x0], $0xffff  }
0x28e: {  	v59 =	vld [tilespmem:$0x1DC10]  }
0x28f: {  	v60 =	vadd.s32 s19, v10;
	_ =	sdelay $0x3  }
0x290: {  	v15 =	vsel vm0, v59, v15  }
0x291: {  	[tilespmem:v60+s16+$0x0] =	vst.idx.msk $0xffff, v15  }
0x292: {  	v15 =	vld.idx.msk [tilespmem:v20+s31+$0x0], $0xffff  }
0x293: {  	v61 =	vld [tilespmem:$0x1DC20]  }
0x294: {  	v62 =	vadd.s32 s19, v11;
	_ =	sdelay $0x3  }
0x295: {  	v15 =	vsel vm0, v61, v15  }
0x296: {  	[tilespmem:v62+s16+$0x0] =	vst.idx.msk $0xffff, v15  }
0x297: {  	v13 =	vld.idx.msk [tilespmem:v13+s31+$0x0], $0xffff  }
0x298: {  	v15 =	vld [tilespmem:$0x1DC30]  }
0x299: {  	v63 =	vadd.s32 s19, v12;
	v14 =	vshll.u32 v14, $0x4  }
0x29a: {  	v14 =	vor.u32 v0, v14;
	_ =	sdelay $0x2  }
0x29b: {  	v13 =	vsel vm0, v15, v13  }
0x29c: {  	[tilespmem:v63+s16+$0x0] =	vst.idx.msk $0xffff, v13  }
0x29d: {  	v13 =	vld.idx.msk [tilespmem:v14+s23+$0x0], $0xffff  }
0x29e: {  	s15 =	sadd.s32 $0x40, s15;
	v14 =	vld [tilespmem:$0x1DB80]  }
0x29f: {  	v15 =	vadd.s32 s15, v0  }
.Ltmp10:
0x2a0: {  	_ = 	snop;
	(pc) =	sbr.rel .LBB2_16-.Ltmp10, $3  }
0x2a1: {  	_ =	sdelay $0x1  }
0x2a2: {  	v13 =	vsel vm0, v14, v13  }
0x2a3: {  	[tilespmem:v15+s16+$0x0] =	vst.idx.msk $0xffff, v13  }
.LBB2_13:
0x2a4: {  	_ =	sdelay $0x3  }
0x2a5: {  	v14 =	vld.idx.msk [tilespmem:v14+s5+$0x0], $0xffff;
	_ =	sdelay $0x4  }
0x2a6: {  	v15 =	vshll.u32 v14, $0x6  }
0x2a7: {  	v13 =	vshll.u32 v13, $0x7;
	v15 =	vand.u32 $0x40, v15  }
0x2a8: {  	v13 =	vor.u32 v13, v15  }
0x2a9: {  	v15 =	vor.u32 v0, v13;
	_ =	sdelay $0x4  }
0x2aa: {  	v17 =	vadd.s32 s19, v0;
	v16 =	vld.idx.msk [tilespmem:v15+s30+$0x0], $0xffff  }
0x2ab: {  	v18 =	vor.u32 v10, v13;
	_ =	sdelay $0x3  }
0x2ac: {  	[tilespmem:v17+s16+$0x0] =	vst.idx.msk $0xffff, v16  }
0x2ad: {  	v17 =	vadd.s32 s19, v10;
	v16 =	vld.idx.msk [tilespmem:v18+s30+$0x0], $0xffff  }
0x2ae: {  	v19 =	vor.u32 v11, v13;
	_ =	sdelay $0x3  }
0x2af: {  	[tilespmem:v17+s16+$0x0] =	vst.idx.msk $0xffff, v16  }
0x2b0: {  	v17 =	vadd.s32 s19, v11;
	v16 =	vld.idx.msk [tilespmem:v19+s30+$0x0], $0xffff  }
0x2b1: {  	v13 =	vor.u32 v12, v13;
	_ =	sdelay $0x3  }
0x2b2: {  	[tilespmem:v17+s16+$0x0] =	vst.idx.msk $0xffff, v16  }
0x2b3: {  	v17 =	vadd.s32 s19, v12;
	v16 =	vld.idx.msk [tilespmem:v13+s30+$0x0], $0xffff;
	_ =	sdelay $0x4  }
0x2b4: {  	s15 =	simm.s32 $0x51;
	[tilespmem:v17+s16+$0x0] =	vst.idx.msk $0xffff, v16  }
0x2b5: {  	v16 =	vadd.s32 s15, v0;
	v15 =	vld.idx.msk [tilespmem:v15+s31+$0x0], $0xffff;
	_ =	sdelay $0x4  }
0x2b6: {  	[tilespmem:v16+s16+$0x0] =	vst.idx.msk $0xffff, v15  }
0x2b7: {  	v16 =	vadd.s32 s15, v10;
	v15 =	vld.idx.msk [tilespmem:v18+s31+$0x0], $0xffff;
	_ =	sdelay $0x4  }
0x2b8: {  	[tilespmem:v16+s16+$0x0] =	vst.idx.msk $0xffff, v15  }
0x2b9: {  	v16 =	vadd.s32 s15, v11;
	v15 =	vld.idx.msk [tilespmem:v19+s31+$0x0], $0xffff;
	_ =	sdelay $0x4  }
0x2ba: {  	[tilespmem:v16+s16+$0x0] =	vst.idx.msk $0xffff, v15  }
0x2bb: {  	v14 =	vshll.u32 v14, $0x4;
	v15 =	vadd.s32 s15, v12;
	v13 =	vld.idx.msk [tilespmem:v13+s31+$0x0], $0xffff  }
0x2bc: {  	v14 =	vor.u32 v0, v14;
	_ =	sdelay $0x3  }
0x2bd: {  	s20 =	simm.s32 $0x1;
	s21 =	simm.s32 $0x40;
	[tilespmem:v15+s16+$0x0] =	vst.idx.msk $0xffff, v13  }
0x2be: {  	v16 =	vadd.s32 s21, v0;
	v13 =	vmov s20;
	v14 =	vld.idx.msk [tilespmem:v14+s23+$0x0], $0xffff  }
0x2bf: {  	s20 =	simm.s32 $0x2;
	v15 =	vor.u32 $0x80, v13  }
.LBB2_14:
0x2c0: {  	_ =	sdelay $0x1  }
0x2c1: {  	p0 =	sne.s32 s20, $0x7F  }
0x2c2: {  	s19 =	sadd.s32 $0x91, s19;
	s21 =	smov.u32 s20;
	s20 =	sadd.s32 $0x1, s20;
	[tilespmem:v16+s16+$0x0] =	vst.idx.msk $0xffff, v14  }
0x2c3: {  	v14 =	vld.idx.msk [tilespmem:v15+s5+$0x0], $0xffff;
	_ =	sdelay $0x5  }
0x2c4: {  	v15 =	vshll.u32 v14, $0x6;
	v14 =	vshll.u32 v14, $0x4  }
0x2c5: {  	v13 =	vshll.u32 v13, $0x7;
	v15 =	vand.u32 $0x40, v15  }
0x2c6: {  	v13 =	vor.u32 v13, v15  }
0x2c7: {  	v15 =	vor.u32 v0, v13;
	_ =	sdelay $0x4  }
0x2c8: {  	v16 =	vld.idx.msk [tilespmem:v15+s30+$0x0], $0xffff  }
0x2c9: {  	v17 =	vadd.s32 s19, v0  }
0x2ca: {  	v18 =	vor.u32 v10, v13;
	_ =	sdelay $0x3  }
0x2cb: {  	[tilespmem:v17+s16+$0x0] =	vst.idx.msk $0xffff, v16  }
0x2cc: {  	v16 =	vld.idx.msk [tilespmem:v18+s30+$0x0], $0xffff  }
0x2cd: {  	v17 =	vadd.s32 s19, v10  }
0x2ce: {  	v19 =	vor.u32 v11, v13;
	_ =	sdelay $0x3  }
0x2cf: {  	[tilespmem:v17+s16+$0x0] =	vst.idx.msk $0xffff, v16  }
0x2d0: {  	v16 =	vld.idx.msk [tilespmem:v19+s30+$0x0], $0xffff  }
0x2d1: {  	v17 =	vadd.s32 s19, v11  }
0x2d2: {  	v13 =	vor.u32 v12, v13;
	_ =	sdelay $0x3  }
0x2d3: {  	[tilespmem:v17+s16+$0x0] =	vst.idx.msk $0xffff, v16  }
0x2d4: {  	v16 =	vld.idx.msk [tilespmem:v13+s30+$0x0], $0xffff  }
0x2d5: {  	v17 =	vadd.s32 s19, v12;
	_ =	sdelay $0x4  }
0x2d6: {  	[tilespmem:v17+s16+$0x0] =	vst.idx.msk $0xffff, v16  }
0x2d7: {  	s15 =	sadd.s32 $0x51, s19;
	v15 =	vld.idx.msk [tilespmem:v15+s31+$0x0], $0xffff  }
0x2d8: {  	v16 =	vadd.s32 s15, v0;
	_ =	sdelay $0x4  }
0x2d9: {  	[tilespmem:v16+s16+$0x0] =	vst.idx.msk $0xffff, v15  }
0x2da: {  	v15 =	vld.idx.msk [tilespmem:v18+s31+$0x0], $0xffff  }
0x2db: {  	v16 =	vadd.s32 s15, v10;
	_ =	sdelay $0x4  }
0x2dc: {  	[tilespmem:v16+s16+$0x0] =	vst.idx.msk $0xffff, v15  }
0x2dd: {  	v15 =	vld.idx.msk [tilespmem:v19+s31+$0x0], $0xffff  }
0x2de: {  	v16 =	vadd.s32 s15, v11;
	_ =	sdelay $0x4  }
0x2df: {  	[tilespmem:v16+s16+$0x0] =	vst.idx.msk $0xffff, v15  }
0x2e0: {  	v13 =	vld.idx.msk [tilespmem:v13+s31+$0x0], $0xffff  }
0x2e1: {  	v15 =	vadd.s32 s15, v12  }
0x2e2: {  	v14 =	vor.u32 v0, v14;
	_ =	sdelay $0x2  }
.Ltmp11:
0x2e3: {  	(pc) =	sbr.rel @p0 .LBB2_14-.Ltmp11, $4  }
0x2e4: {  	[tilespmem:v15+s16+$0x0] =	vst.idx.msk $0xffff, v13  }
0x2e5: {  	s15 =	sadd.s32 $0x40, s19;
	v14 =	vld.idx.msk [tilespmem:v14+s23+$0x0], $0xffff  }
0x2e6: {  	v16 =	vadd.s32 s15, v0;
	v13 =	vmov s21  }
0x2e7: {  	v15 =	vor.u32 $0x80, v13  }
0x2e8: {  	_ =	sdelay $0x3  }
0x2e9: {  	[tilespmem:v16+s16+$0x0] =	vst.idx.msk $0xffff, v14  }
0x2ea: {  	v14 =	vld.idx.msk [tilespmem:v15+s5+$0x0], $0xffff;
	_ =	sdelay $0x4  }
0x2eb: {  	v15 =	vshll.u32 v14, $0x6  }
0x2ec: {  	v13 =	vshll.u32 v13, $0x7;
	v15 =	vand.u32 $0x40, v15  }
0x2ed: {  	v13 =	vor.u32 v13, v15  }
0x2ee: {  	v15 =	vor.u32 v0, v13;
	_ =	sdelay $0x3  }
0x2ef: {  	s15 =	sadd.s32 $0x91, s19  }
0x2f0: {  	v17 =	vadd.s32 s15, v0;
	v16 =	vld.idx.msk [tilespmem:v15+s30+$0x0], $0xffff  }
0x2f1: {  	v18 =	vor.u32 v10, v13;
	_ =	sdelay $0x3  }
0x2f2: {  	[tilespmem:v17+s16+$0x0] =	vst.idx.msk $0xffff, v16  }
0x2f3: {  	v58 =	vadd.s32 s15, v10;
	v16 =	vld.idx.msk [tilespmem:v18+s30+$0x0], $0xffff  }
0x2f4: {  	v19 =	vor.u32 v11, v13;
	_ =	sdelay $0x3  }
0x2f5: {  	[tilespmem:v58+s16+$0x0] =	vst.idx.msk $0xffff, v16  }
0x2f6: {  	v59 =	vadd.s32 s15, v11;
	v16 =	vld.idx.msk [tilespmem:v19+s30+$0x0], $0xffff  }
0x2f7: {  	v13 =	vor.u32 v12, v13;
	_ =	sdelay $0x3  }
0x2f8: {  	[tilespmem:v59+s16+$0x0] =	vst.idx.msk $0xffff, v16  }
0x2f9: {  	v60 =	vadd.s32 s15, v12;
	v16 =	vld.idx.msk [tilespmem:v13+s30+$0x0], $0xffff;
	_ =	sdelay $0x4  }
0x2fa: {  	s19 =	sadd.s32 $0x51, s15;
	[tilespmem:v60+s16+$0x0] =	vst.idx.msk $0xffff, v16  }
0x2fb: {  	v61 =	vadd.s32 s19, v0;
	v15 =	vld.idx.msk [tilespmem:v15+s31+$0x0], $0xffff;
	_ =	sdelay $0x4  }
0x2fc: {  	[tilespmem:v61+s16+$0x0] =	vst.idx.msk $0xffff, v15  }
0x2fd: {  	v62 =	vadd.s32 s19, v10;
	v15 =	vld.idx.msk [tilespmem:v18+s31+$0x0], $0xffff;
	_ =	sdelay $0x4  }
0x2fe: {  	[tilespmem:v62+s16+$0x0] =	vst.idx.msk $0xffff, v15  }
0x2ff: {  	v63 =	vadd.s32 s19, v11;
	v15 =	vld.idx.msk [tilespmem:v19+s31+$0x0], $0xffff;
	_ =	sdelay $0x4  }
0x300: {  	[tilespmem:v63+s16+$0x0] =	vst.idx.msk $0xffff, v15  }
0x301: {  	v14 =	vshll.u32 v14, $0x4;
	v15 =	vadd.s32 s19, v12;
	v13 =	vld.idx.msk [tilespmem:v13+s31+$0x0], $0xffff  }
0x302: {  	v14 =	vor.u32 v0, v14;
	_ =	sdelay $0x3  }
0x303: {  	s15 =	sadd.s32 $0x40, s15;
	[tilespmem:v15+s16+$0x0] =	vst.idx.msk $0xffff, v13  }
0x304: {  	v13 =	vld.idx.msk [tilespmem:v14+s23+$0x0], $0xffff;
	v14 =	vadd.s32 s15, v0  }
.Ltmp12:
0x305: {  	_ = 	snop;
	(pc) =	sbr.rel .LBB2_16-.Ltmp12, $2  }
0x306: {  	_ =	sdelay $0x2  }
0x307: {  	[tilespmem:v14+s16+$0x0] =	vst.idx.msk $0xffff, v13  }
.LBB2_18:
0x308: {  	_ =	sfence.sel $0x180000  }
0x309: {  	[bflag:$0x0] =	sbarrier.arrive $0xFFFF  }
0x30a: {  	_ =	strace $0x90000047  }
0x30b: {  	s0 =	stileid.u32;
	[bflag:$0x2] =	sbarrier.arrive $0xFFFF  }
0x30c: {  	p0 =	sne.s32 s0, $0x0;
	s0 =	rddreg [dreg:$0x5]  }
0x30d: {  	s0 =	sadd.s32 @!p0 $0x100000, s0  }
0x30e: {  	[sflag:s0] =	ssyncadd.tile.s32 @!p0 $0x1;
	_ =	shalt  }
.Lfunc_end2:
_tile_overlayer_lowered:
.L_overlay_start_2:
0x30f: {  	(tag) =	ssettag $0x2  }
0x310: {  	s0 =	rddreg [dreg:$0x0];
	s2 =	stileid.u32  }
0x311: {  	s1 =	rddreg [dreg:$0x1];
	p0 =	sne.s32 s2, $0x0  }
0x312: {  	s3 =	rddreg [dreg:$0x2];
	[bflag:$0x3] =	sbarrier.arrive $0xFFFF;
	s2 =	simm.s32 @!p0 $0x1C07  }
0x313: {  	[timem:s3], [sflag:s2] =	dma.local @!p0 [hbm:s0], s1  }
0x314: {  	s0 =	simm.s32 @!p0 $0x7  }
0x315: {  	_ =	swait.ge @!p0 [sflag:s0], s1  }
0x316: {  	s1 =	ssub.s32 @!p0 $0x0, s1;
	[sflag:s0] =	ssyncset.done @!p0 $0x0  }
0x317: {  	[sflag:s0] =	ssyncadd.s32 @!p0 s1  }
0x318: {  	[bflag:$0x3] =	sbarrier.arrive $0xFFFF  }
0x319: {  	_ =	shalt  }

// kernel: sparse-core-data-format-call.cloned.1.call-start
scs
called_computation_lowered:
.L_overlay_start_0:
0x0: {  	s2 =	sld [smem:$0x3FD9]  }
0x1: {  	s3 =	sld [smem:$0x3FFE];
	_ =	sdelay $0x1  }
0x2: {  	s1 =	srdreg.scid  }
0x3: {  	s0 =	sand.u32 $0x1, s1  }
0x4: {  	s18 =	sshll.u32 s0, $0xA;
	s2 =	sadd.s32 s3, s2  }
0x5: {  	s2 =	sadd.s32 s2, s18  }
0x6: {  	[smem:$0x3FBF] =	sst s2  }
0x7: {  	_ = 	snop  }
0x8: {  	s2 =	sld [smem:$0x3FD0];
	(tm) =	ssettm $0x1  }
0x9: {  	s19 =	sld [smem:$0x3FFB];
	_ =	sdelay $0x3  }
0xa: {  	_ =	strace s19  }
0xb: {  	s3 =	sld [smem:$0x3FFC];
	_ =	sdelay $0x3  }
0xc: {  	_ =	strace s3  }
0xd: {  	s3 =	sld [smem:$0x3FFD];
	_ =	sdelay $0x3  }
0xe: {  	_ =	strace s3  }
0xf: {  	_ =	strace $0x8FFFFFFF  }
0x10: {  	s20 =	sld [smem:$0x3FDB];
	_ =	sdelay $0x1  }
0x11: {  	s4 =	simm.s32 $_scs_section_size  }
0x12: {  	s5 =	simm.s32 $_size__tile_overlayer_lowered;
	s6 =	simm.s32 $_tile_overlayer_lowered  }
0x13: {  	s23 =	simm.s32 $0x1BFF;
	s22 =	sshll.u32 s6, $0x1;
	s3 =	sadd.s32 s4, s20  }
0x14: {  	s7 =	simm.s32 $0x0;
	s21 =	sshll.u32 s5, $0x1;
	s5 =	sadd.s32 s22, s3  }
0x15: {  	[timem:s7], [sflag:s23] =	dma.local [hbm:s5], s21  }
0x16: {  	_ =	swait.ge [sflag:s23], s21  }
0x17: {  	s4 =	ssub.s32 $0x0, s21;
	[sflag:s23] =	ssyncset.done $0x0  }
0x18: {  	[sflag:s23] =	ssyncadd.s32 s4;
	_ =	sdelay $0x1  }
0x19: {  	s24 =	simm.s32 $0x1B8B  }
0x1a: {  	_ =	swait.ge [sflag:s24], $0x1  }
0x1b: {  	[sflag:s24] =	ssyncset.done $0x0  }
0x1c: {  	s26 =	simm.s32 $0x1B8E;
	s25 =	sld [smem:$0x3FFE];
	[sflag:s24] =	ssyncadd.s32 $0xFFFFFFFF  }
0x1d: {  	s27 =	simm.s32 $execute0_lowered;
	[smem:$0x3FD2] =	sst s26  }
0x1e: {  	s5 =	sshll.u32 s27, $0x1;
	_ =	strace $0x80000049;
	[dreg:$0x1] =	wrdreg $0xFFFFFFFF  }
0x1f: {  	s28 =	simm.s32 $_size_execute0_lowered;
	s3 =	sadd.s32 s3, s5;
	[dreg:$0x0] =	wrdreg $0x0  }
0x20: {  	s5 =	sshll.u32 s28, $0x1;
	[dreg:$0x2] =	wrdreg s3  }
0x21: {  	[dreg:$0x3] =	wrdreg s5  }
0x22: {  	[dreg:$0x4] =	wrdreg $0xC0  }
0x23: {  	_ =	task [dreg:s7], $0x5FFFF  }
0x24: {  	[dreg:$0x1] =	wrdreg $0xFFFFFFFF  }
0x25: {  	[dreg:$0x0] =	wrdreg $0x60  }
0x26: {  	[dreg:$0x2] =	wrdreg s25  }
0x27: {  	[dreg:$0x3] =	wrdreg s2  }
0x28: {  	[dreg:$0x4] =	wrdreg $0x9  }
0x29: {  	_ =	task.clear_ibuf [dreg:s7], $0x5FFFF;
	_ =	strace $0x90000049  }
0x2a: {  	s29 =	simm.s32 $0x9;
	_ =	strace $0x8000004B  }
0x2b: {  	_ =	swait.ge [sflag:s29], $0x1  }
0x2c: {  	[sflag:s29] =	ssyncadd.s32 $0xFFFFFFFF  }
0x2d: {  	_ =	strace $0x9000004B  }
0x2e: {  	_ =	sfence  }
0x2f: {  	s30 =	sld [smem:$0x0];
	_ =	sdelay $0x2  }
0x30: {  	s31 =	sshll.u32 s1, $0xD;
	s1 =	sshrl.u32 s1, $0x2  }
0x31: {  	s3 =	sand.u32 $0x4000, s31;
	s1 =	sadd.s32 s1, s30  }
0x32: {  	s0 =	sor.u32 s3, s0;
	s1 =	sshll.u32 s1, $0x11  }
0x33: {  	s0 =	sor.u32 s1, s0  }
0x34: {  	s0 =	sadd.s32 $0x8F2B, s0  }
0x35: {  	[sflag:s0] =	ssyncadd.remote.s32 $0x1  }
0x36: {  	_ =	sfence.sel $0xFFFF  }
0x37: {  	[dreg:$0x0] =	wrdreg $0xFFFFFFFF;
	(pc) =	sbr.abs _section_cstart, $3  }
0x38: {  	[dreg:$0x1] =	wrdreg $0xFFFFFFFF  }
0x39: {  	_ =	task.clear_ibuf [dreg:s7], $0x2FFFF;
	_ =	strace $0x9FFFFFFF  }
0x3a: {  	(tm) =	ssettm $0x7FFFFFFF  }
0x3b: {  	_ =	shalt  }
tec
execute0_lowered:
.L_overlay_start_1:
0x0: {  	(tag) =	ssettag $0x1  }
0x1: {  	s5 =	rddreg [dreg:$0x0]  }
0x2: {  	s0 =	srdreg.scid;
	s3 =	rddreg [dreg:$0x1];
	s7 =	simm.s32 $0x1  }
0x3: {  	s8 =	simm.s32 $0x2;
	s15 =	simm.s32 $0x0;
	s1 =	sshll.u32 s0, $0x4  }
0x4: {  	s14 =	simm.s32 $0x0;
	s0 =	stileid.u32;
	s1 =	sand.u32 $0x10, s1  }
0x5: {  	s9 =	simm.s32 $0x0;
	s10 =	simm.s32 $0x0;
	s1 =	sor.u32 s0, s1  }
0x6: {  	s11 =	simm.s32 $0x0;
	s13 =	simm.s32 $0x0;
	s2 =	sshll.u32 s1, $0x7  }
0x7: {  	s5 =	sadd.s32 $0xE00, s5;
	s1 =	rddreg [dreg:$0x2];
	s6 =	ssub.s32 $0x40000, s2  }
.Ltmp0:
0x8: {  	_ =	strace $0x8000004A;
	s4 =	sand.u32 $0xF80, s6;
	(pc) =	sbr.rel .LBB1_1-.Ltmp0, $4  }
0x9: {  	s12 =	smov.u32 s2;
	p0 =	sne.s32 s4, $0x0;
	s4 =	simm.s32 $0x1  }
0xa: {  	s6 =	sshrl.u32 s6, $0xC;
	s7 =	simm.s32 @!p0 $0x0;
	[sflag:s4] =	ssyncpa.u1 $0x0  }
0xb: {  	p0 =	por $0x0, $0x0;
	s7 =	sadd.s32 s7, s6;
	[sflag:s8] =	ssyncpa.u1 $0x0  }
0xc: {  	s8 =	simm.s32 $0x200000;
	s6 =	sshll.u32 s7, $0x1;
	s7 =	sshllo.u32 s7, $0x1  }
.LBB1_4:
0xd: {  	s21 =	sshll.u32 s9, $0x12;
	s22 =	sshll.u32 s10, $0x3;
	s20 =	sshra.s32 s20, $0x2  }
0xe: {  	s28 =	sand.u32 $0x78, s10;
	s29 =	sshll.u32 s9, $0x7;
	p1 =	sgt.s32 s9, $0x18  }
0xf: {  	s25 =	sshra.s32 s9, $0x1F;
	s31 =	sshra.s32 s10, $0x1F;
	s21 =	sand.u32 $0xFFE00000, s21  }
0x10: {  	s23 =	sand.u32 $0xFFFFFC00, s22;
	s19 =	sadd.s32 s20, s19;
	s22 =	sand.u32 $0x3FC00, s22  }
0x11: {  	v5 =	vld [tilespmem:s17+$0xFFFFFFD0];
	[tilespmem:s18+$0x2040 ss:$0x81] =	vst.msk $0xffff, v4;
	s25 =	sand.u32 s25, s9;
	s27 =	sadd.s32 s23, s21;
	s23 =	sand.u32 $0x380, s29  }
0x12: {  	v58 =	vld [tilespmem:s17+$0xFFFFFFE0];
	[tilespmem:s18+$0x2850 ss:$0x81] =	vst.msk $0xffff, v3;
	s21 =	sor.u32 s28, s22;
	s22 =	smov.u32 s9;
	s20 =	sshrl.u32 s27, $0x12  }
0x13: {  	v59 =	vld [tilespmem:s17+$0xFFFFFFF0];
	[tilespmem:s18+$0x3060 ss:$0x81] =	vst.msk $0xffff, v2;
	s22 =	simm.s32 @!p1 $0x18;
	p1 =	sgt.s32 s10, $0x3FF80;
	s24 =	smul.u32 $0x6BCB, s20  }
0x14: {  	v60 =	vld [tilespmem:s17+$0x0];
	[tilespmem:s18+$0x0 ss:$0x81] =	vst.msk $0xffff, v1;
	s21 =	sor.u32 s23, s21;
	s30 =	ssub.s32 s22, s25;
	s22 =	smov.u32 s10  }
0x15: {  	v61 =	vld [tilespmem:s17+$0x10];
	[tilespmem:s19+$0x3870 ss:$0x81] =	vst.msk $0xffff, v0;
	s25 =	sand.u32 s31, s10;
	s22 =	simm.s32 @!p1 $0x3FF80;
	s24 =	sshrl.u32 s24, $0x16  }
0x16: {  	v62 =	vld [tilespmem:s17+$0x20];
	[tilespmem:s19+$0x810 ss:$0x81] =	vst.msk $0xffff, v5;
	s26 =	sadd.s32 $0xFFFFFFE8, s30;
	s22 =	ssub.s32 s22, s25;
	s24 =	smul.u32 $0x98, s24  }
0x17: {  	v63 =	vld [tilespmem:s17+$0xFFFFFFC0];
	[tilespmem:s19+$0x1020 ss:$0x81] =	vst.msk $0xffff, v58;
	s18 =	ssub.s32 $0x98, s30;
	p1 =	sgt.s32 s26, $0x7F;
	s28 =	sadd.s32 $0xFFFC0080, s22  }
0x18: {  	[tilespmem:s19+$0x1830 ss:$0x81] =	vst.msk $0xffff, v59;
	p2 =	sgt.s32 s28, $0x7F;
	s27 =	ssub.s32 s20, s24;
	s20 =	ssub.s32 $0x40000, s22  }
0x19: {  	s29 =	sshrl.u32 s21, $0x3;
	[tilespmem:s19+$0x2040 ss:$0x81] =	vst.msk $0xffff, v60;
	s18 =	simm.s32 @p1 $0x0;
	s20 =	simm.s32 @p2 $0x0  }
0x1a: {  	[tilespmem:s19+$0x2850 ss:$0x81] =	vst.msk $0xffff, v61;
	s30 =	sand.u32 $0x7, s10;
	s17 =	sand.u32 $0xFFFF, s27;
	s18 =	smul.u32 s20, s18  }
0x1b: {  	[tilespmem:s19+$0x3060 ss:$0x81] =	vst.msk $0xffff, v62;
	s21 =	sshll.u32 s30, $0x12;
	s17 =	sshll.u32 s17, $0xF;
	s20 =	sadd.s32 s3, s29  }
0x1c: {  	[tilespmem:s19+$0x0 ss:$0x81] =	vst.msk $0xffff, v63;
	s31 =	sor.u32 $0x400, s21;
	s17 =	sadd.s32 s17, s20;
	s18 =	sand.u32 $0x3FFFFFFF, s18  }
0x1d: {  	[hbm4b:s17+s31] =	stream.strided.scatter [tilespmem:s16], [sflag:$0x2], s18, s8, s31, $0x20;
	[tilespmem:$0x10100] =	vst v63  }
.LBB1_5:
0x1e: {  	p1 =	slt.u32 s13, $0x2  }
0x1f: {  	s17 =	smov.u32 s15;
	p2 =	sgt.s32 @!p1 s15, $0x18;
	s16 =	sshra.s32 @!p1 s15, $0x1F  }
0x20: {  	p3 =	sgt.s32 @!p1 s14, $0x3FF80;
	s18 =	sshra.s32 @!p1 s14, $0x1F;
	p2 =	por !p2, p1  }
0x21: {  	s15 =	sand.u32 @!p1 s16, s15;
	p3 =	por !p3, p1;
	s16 =	smov.u32 s14  }
0x22: {  	s14 =	sand.u32 @!p1 s18, s14;
	s17 =	simm.s32 @p2 $0x18;
	s16 =	simm.s32 @p3 $0x3FF80  }
0x23: {  	s15 =	ssub.s32 @!p1 s17, s15;
	s14 =	ssub.s32 @!p1 s16, s14  }
0x24: {  	s18 =	smov.u32 s12;
	s16 =	sadd.s32 @!p1 $0xFFFFFFE8, s15;
	s17 =	sadd.s32 @!p1 $0xFFFC0080, s14  }
0x25: {  	s15 =	ssub.s32 @!p1 $0x98, s15;
	p2 =	sgt.s32 @!p1 s16, $0x7F;
	p3 =	sgt.s32 @!p1 s17, $0x7F  }
0x26: {  	s14 =	ssub.s32 @!p1 $0x40000, s14;
	p2 =	por !p2, p1;
	p3 =	por !p3, p1  }
0x27: {  	s16 =	sadd.s32 $0x80, s11;
	s15 =	simm.s32 @!p2 $0x0;
	s14 =	simm.s32 @!p3 $0x0  }
0x28: {  	p2 =	sgt.s32 s16, $0x90;
	s14 =	smul.u32 @!p1 s14, s15;
	s15 =	sadd.s32 $0x1000, s12  }
0x29: {  	s18 =	smov.u32 @p2 s15  }
0x2a: {  	s16 =	simm.s32 @p2 $0x0;
	p2 =	sgt.s32 s18, $0x3FFFF  }
0x2b: {  	s18 =	smov.u32 @p2 s2;
	p2 =	sne.s32 s13, s7  }
.Ltmp1:
0x2c: {  	p0 =	por !p0, !p0;
	s17 =	simm.s32 @!p1 $0x2;
	(pc) =	sbr.rel @!p2 .LBB1_6-.Ltmp1, $4  }
0x2d: {  	s15 =	smov.u32 s9;
	s9 =	smov.u32 s11;
	s14 =	sand.u32 @!p1 $0x3FFFFFFF, s14  }
0x2e: {  	s11 =	smov.u32 s16;
	_ =	swait.ge @!p1 [sflag:s17], s14;
	s19 =	ssub.s32 @!p1 $0x0, s14  }
0x2f: {  	s14 =	smov.u32 s10;
	s13 =	sadd.s32 $0x1, s13;
	[sflag:s17] =	ssyncset.done @!p1 $0x0  }
0x30: {  	s10 =	smov.u32 s12;
	s12 =	smov.u32 s18;
	[sflag:s17] =	ssyncadd.s32 @!p1 s19  }
.LBB1_1:
0x31: {  	p1 =	sge.u32 s13, s6  }
0x32: {  	s31 =	sadd.s32 $0xFFFFFFFF, s13;
	s16 =	sshll.u32 @!p1 s12, $0x8  }
0x33: {  	s17 =	sshll.u32 @!p1 s11, $0x3;
	s18 =	sshll.u32 @!p1 s12, $0x7;
	s16 =	sand.u32 @!p1 $0x3FFF800, s16  }
0x34: {  	s19 =	sand.u32 @!p1 $0x78, s11;
	s16 =	sadd.s32 @!p1 s16, s17;
	s17 =	sand.u32 @!p1 $0x380, s18  }
0x35: {  	s18 =	sxor.u32 @!p1 $0xFFFFFFFF, s13;
	s16 =	sand.u32 @!p1 $0x3FFFC00, s16;
	s17 =	sor.u32 @!p1 s17, s19  }
0x36: {  	s18 =	sshll.u32 @!p1 s18, $0xE;
	s16 =	sor.u32 @!p1 s16, s17;
	s17 =	sand.u32 @!p1 $0x7, s11  }
0x37: {  	s19 =	simm.s32 @!p1 $0x800;
	s16 =	sshrl.u32 @!p1 s16, $0x3;
	s17 =	sshll.u32 @!p1 s17, $0x12  }
0x38: {  	s18 =	sand.u32 @!p1 $0x4000, s18;
	s16 =	sadd.s32 @!p1 s5, s16;
	s17 =	sor.u32 @!p1 $0x400, s17  }
0x39: {  	[tilespmem:s18], [sflag:$0x1] =	stream.strided.gather @!p1 [hbm4b:s16+s17], $0x4000, s19, s17, $0x38;
	[tilespmem:$0x10100] =	vst v63  }
0x3a: {  	p1 =	sge.u32 s31, s6  }
.Ltmp2:
0x3b: {  	_ = 	snop;
	(pc) =	sbr.rel @p1 .LBB1_5-.Ltmp2, $1  }
0x3c: {  	_ =	sdelay $0x3  }
0x3d: {  	s16 =	simm.s32 $0x1  }
0x3e: {  	_ =	swait.ge [sflag:s4], $0x4000;
	s16 =	simm.s32 @!p0 $0x0  }
0x3f: {  	[sflag:s4] =	ssyncset.done $0x0;
	s17 =	sshll.u32 s16, $0xE  }
0x40: {  	[sflag:s4] =	ssyncadd.s32 $0xFFFFC000;
	s17 =	sor.u32 $0x40, s17  }
0x41: {  	s16 =	smul.u32 $0x10200, s16;
	v0 =	vld [tilespmem:s17+$0x30]  }
0x42: {  	v1 =	vld [tilespmem:s17+$0xFFFFFFD0]  }
0x43: {  	s16 =	sshrl.u32 s16, $0x2;
	v5 =	vld [tilespmem:s17+$0xFFFFFFE0]  }
0x44: {  	v6 =	vld [tilespmem:s17+$0xFFFFFFF0];
	s19 =	sor.u32 $0x8000, s16  }
0x45: {  	s31 =	sand.u32 $0x1, s13;
	v4 =	vld [tilespmem:s17+$0x0];
	s18 =	sadd.s32 $0x0, s19  }
0x46: {  	v3 =	vld [tilespmem:s17+$0x10];
	s16 =	smul.u32 $0x10200, s31;
	[tilespmem:s18+$0x3870 ss:$0x81] =	vst.msk $0xffff, v0  }
0x47: {  	v2 =	vld [tilespmem:s17+$0x20];
	[tilespmem:s18+$0x810 ss:$0x81] =	vst.msk $0xffff, v1  }
0x48: {  	s16 =	sshrl.u32 s16, $0x2;
	v1 =	vld [tilespmem:s17+$0xFFFFFFC0];
	[tilespmem:s18+$0x1020 ss:$0x81] =	vst.msk $0xffff, v5;
	s17 =	sadd.s32 $0x80, s17  }
0x49: {  	s20 =	simm.s32 $0x4;
	s21 =	simm.s32 $0x8;
	s16 =	sor.u32 $0x8000, s16;
	[tilespmem:s18+$0x1830 ss:$0x81] =	vst.msk $0xffff, v6;
	v0 =	vld [tilespmem:s17+$0x30]  }
.LBB1_3:
0x4a: {  	p1 =	sne.s32 s21, $0x1FC;
	v5 =	vld [tilespmem:s17+$0xFFFFFFD0];
	[tilespmem:s18+$0x2040 ss:$0x81] =	vst.msk $0xffff, v4  }
0x4b: {  	v6 =	vld [tilespmem:s17+$0xFFFFFFE0];
	[tilespmem:s18+$0x2850 ss:$0x81] =	vst.msk $0xffff, v3  }
0x4c: {  	s22 =	sshra.s32 s20, $0x2;
	s20 =	smov.u32 s21;
	v7 =	vld [tilespmem:s17+$0xFFFFFFF0];
	[tilespmem:s18+$0x3060 ss:$0x81] =	vst.msk $0xffff, v2  }
.Ltmp3:
0x4d: {  	v4 =	vld [tilespmem:s17+$0x0];
	[tilespmem:s18+$0x0 ss:$0x81] =	vst.msk $0xffff, v1;
	s18 =	sadd.s32 s22, s19;
	(pc) =	sbr.rel @p1 .LBB1_3-.Ltmp3, $4  }
0x4e: {  	v3 =	vld [tilespmem:s17+$0x10];
	[tilespmem:s18+$0x3870 ss:$0x81] =	vst.msk $0xffff, v0  }
0x4f: {  	[tilespmem:s18+$0x810 ss:$0x81] =	vst.msk $0xffff, v5;
	v2 =	vld [tilespmem:s17+$0x20]  }
0x50: {  	v1 =	vld [tilespmem:s17+$0xFFFFFFC0];
	[tilespmem:s18+$0x1020 ss:$0x81] =	vst.msk $0xffff, v6;
	s17 =	sadd.s32 $0x80, s17  }
0x51: {  	s21 =	sadd.s32 $0x4, s21;
	v0 =	vld [tilespmem:s17+$0x30];
	[tilespmem:s18+$0x1830 ss:$0x81] =	vst.msk $0xffff, v7  }
.Ltmp4:
0x52: {  	_ = 	snop;
	(pc) =	sbr.rel .LBB1_4-.Ltmp4, $1  }
0x53: {  	_ =	sdelay $0x3  }
.LBB1_6:
0x54: {  	_ =	sfence.sel $0x180000  }
0x55: {  	s2 =	simm.s32 $0x1;
	[bflag:$0x0] =	sbarrier.arrive $0xFFFF  }
0x56: {  	s31 =	simm.s32 $0x2;
	[sflag:s2] =	ssyncpa.u1 $0x1  }
0x57: {  	[sflag:s31] =	ssyncpa.u1 $0x1  }
0x58: {  	p0 =	sne.s32 s0, $0x0;
	_ =	strace $0x9000004A  }
0x59: {  	s0 =	sadd.s32 @!p0 $0x100000, s1;
	[bflag:$0x2] =	sbarrier.arrive $0xFFFF  }
0x5a: {  	[sflag:s0] =	ssyncadd.tile.s32 @!p0 $0x1;
	_ =	shalt  }
.Lfunc_end1:
_tile_overlayer_lowered:
.L_overlay_start_2:
0x5b: {  	(tag) =	ssettag $0x2  }
0x5c: {  	s0 =	rddreg [dreg:$0x0];
	s2 =	stileid.u32  }
0x5d: {  	s1 =	rddreg [dreg:$0x1];
	p0 =	sne.s32 s2, $0x0  }
0x5e: {  	s3 =	rddreg [dreg:$0x2];
	[bflag:$0x3] =	sbarrier.arrive $0xFFFF;
	s2 =	simm.s32 @!p0 $0x1C01  }
0x5f: {  	[timem:s3], [sflag:s2] =	dma.local @!p0 [hbm:s0], s1  }
0x60: {  	s0 =	simm.s32 @!p0 $0x1  }
0x61: {  	_ =	swait.ge @!p0 [sflag:s0], s1  }
0x62: {  	s1 =	ssub.s32 @!p0 $0x0, s1;
	[sflag:s0] =	ssyncset.done @!p0 $0x0  }
0x63: {  	[sflag:s0] =	ssyncadd.s32 @!p0 s1  }
0x64: {  	[bflag:$0x3] =	sbarrier.arrive $0xFFFF  }
0x65: {  	_ =	shalt  }

</sc_bundles>
